<compile_context>
chip_gen: v7x
topology: tpu7x:2x2x1
jax: 0.10.2.dev20260603
libtpu: 0.0.44.dev20260713+nightly
codegen_flags: <defaults>
</compile_context>

<pallas_src>
import functools

import jax
import jax.numpy as jnp
from jax import lax
from jax.experimental import pallas as pl
from jax.experimental.pallas import tpu as pltpu
from jax.experimental.pallas import tpu_sc as plsc

N = 10000
E = 320000
D = 128
C = 64

NC = 2
NS = 16
NW = NC * NS
N_PAD = 10112
ROWS_PER_TILE = N_PAD // NS
N_PAD_DEG = 10240
RPT_DEG = N_PAD_DEG // NS
K = 128
NCHUNKS = E // K
NBUF = 4
_SCATTER_ON = True
_GATHER_ON = True


def _n_my_chunks(wid):
    return jnp.where(wid < NCHUNKS % NW, NCHUNKS // NW + 1, NCHUNKS // NW)


@functools.cache
def _mesh():
    return plsc.VectorSubcoreMesh(
        core_axis_name="c", subcore_axis_name="s", num_cores=NC, num_subcores=NS
    )


def _deg_body(dst_hbm, out_hbm, didx, ones, zbuf, acc, sem_i, sem_s):
    cid = lax.axis_index("c")
    sid = lax.axis_index("s")
    wid = cid * NS + sid

    def fill_ones(i, _):
        ones[pl.ds(i * 16, 16)] = jnp.full((16,), 1.0, jnp.float32)
        return 0

    def fill_zero(i, _):
        zbuf[pl.ds(i * 16, 16)] = jnp.zeros((16,), jnp.float32)
        return 0

    lax.fori_loop(0, K // 16, fill_ones, 0)
    lax.fori_loop(0, RPT_DEG // 16, fill_zero, 0)
    pltpu.sync_copy(zbuf, acc.at[pl.ds(sid * RPT_DEG, RPT_DEG)])
    plsc.subcore_barrier()

    nch = _n_my_chunks(wid)

    def idx_start(i, b):
        off = (wid + i * NW) * K
        pltpu.async_copy(dst_hbm.at[pl.ds(off, K)], didx.at[b], sem_i.at[b])

    for j in range(4):
        idx_start(j, j)

    def body(i, _):
        b = lax.rem(i, 8)
        off = (wid + i * NW) * K
        pltpu.make_async_copy(dst_hbm.at[pl.ds(off, K)], didx.at[b], sem_i.at[b]).wait()

        @pl.when(i >= 4)
        def _():
            b2 = lax.rem(i - 4, 8)
            pltpu.make_async_copy(ones, acc.at[didx.at[b2]], sem_s.at[b2]).wait()

        @pl.when(i + 4 < nch)
        def _():
            idx_start(i + 4, lax.rem(i + 4, 8))

        pltpu.async_copy(ones, acc.at[didx.at[b]], sem_s.at[b], add=True)
        return 0

    lax.fori_loop(0, nch, body, 0)
    for dj in (4, 3, 2, 1):
        b = lax.rem(nch - dj, 8)
        pltpu.make_async_copy(ones, acc.at[didx.at[b]], sem_s.at[b]).wait()
    plsc.subcore_barrier()

    pltpu.sync_copy(
        acc.at[pl.ds(sid * RPT_DEG, RPT_DEG)],
        out_hbm.at[cid, pl.ds(sid * RPT_DEG, RPT_DEG)],
    )


@functools.cache
def _deg_kernel():
    return pl.kernel(
        _deg_body,
        out_type=jax.ShapeDtypeStruct((NC, N_PAD_DEG), jnp.float32),
        mesh=_mesh(),
        scratch_types=[
            pltpu.VMEM((8, K), jnp.int32),
            pltpu.VMEM((K,), jnp.float32),
            pltpu.VMEM((RPT_DEG,), jnp.float32),
            pltpu.VMEM_SHARED((N_PAD_DEG,), jnp.float32),
            pltpu.SemaphoreType.DMA((8,)),
            pltpu.SemaphoreType.DMA((8,)),
        ],
    )


def _seg_body(
    x_hbm, src_hbm, dst_hbm, out_hbm,
    sidx, didx, rows, acc, sem_si, sem_di, sem_g, sem_s,
):
    cid = lax.axis_index("c")
    sid = lax.axis_index("s")
    wid = cid * NS + sid

    def fill(r, _):
        for c8 in range(D // 16):
            rows[0, r, pl.ds(c8 * 16, 16)] = jnp.zeros((16,), jnp.float32)
        return 0

    lax.fori_loop(0, 79, fill, 0)

    def zero_out(t, _):
        pltpu.sync_copy(
            rows.at[0, pl.ds(0, 79)],
            acc.at[pl.ds(sid * ROWS_PER_TILE + t * 79, 79)],
        )
        return 0

    lax.fori_loop(0, ROWS_PER_TILE // 79, zero_out, 0)
    plsc.subcore_barrier()

    nch = _n_my_chunks(wid)

    def idx_start(i, bs, bd):
        off = (wid + i * NW) * K
        pltpu.async_copy(src_hbm.at[pl.ds(off, K)], sidx.at[bs], sem_si.at[bs])
        pltpu.async_copy(dst_hbm.at[pl.ds(off, K)], didx.at[bd], sem_di.at[bd])

    def idx_wait_s(i, bs):
        off = (wid + i * NW) * K
        pltpu.make_async_copy(src_hbm.at[pl.ds(off, K)], sidx.at[bs], sem_si.at[bs]).wait()

    def gather_start(i, bs, b3):
        pltpu.async_copy(x_hbm.at[sidx.at[bs]], rows.at[b3], sem_g.at[b3])

    idx_start(0, 0, 0)
    idx_start(1, 1, 1)
    idx_wait_s(0, 0)
    gather_start(0, 0, 0)

    def step(i):
        b3 = lax.rem(i, 3)
        b4 = lax.rem(i, NBUF)
        off = (wid + i * NW) * K

        @pl.when(i >= 2)
        def _():
            pltpu.make_async_copy(
                rows.at[lax.rem(i - 2, 3)], acc.at[didx.at[lax.rem(i - 2, NBUF)]],
                sem_s.at[lax.rem(i - 2, NBUF)],
            ).wait()

        @pl.when(i + 2 < nch)
        def _():
            idx_start(i + 2, lax.rem(i + 2, 3), lax.rem(i + 2, NBUF))

        @pl.when(i + 1 < nch)
        def _():
            bs1 = lax.rem(i + 1, 3)
            idx_wait_s(i + 1, bs1)
            gather_start(i + 1, bs1, bs1)

        pltpu.make_async_copy(x_hbm.at[sidx.at[b3]], rows.at[b3], sem_g.at[b3]).wait()
        pltpu.make_async_copy(dst_hbm.at[pl.ds(off, K)], didx.at[b4], sem_di.at[b4]).wait()
        pltpu.async_copy(rows.at[b3], acc.at[didx.at[b4]], sem_s.at[b4], add=True)

    def body(i, _):
        step(i)
        return 0

    lax.fori_loop(0, nch, body, 0)
    for dj in (2, 1):
        b4 = lax.rem(nch - dj, NBUF)
        b3 = lax.rem(nch - dj, 3)
        pltpu.make_async_copy(rows.at[b3], acc.at[didx.at[b4]], sem_s.at[b4]).wait()
    plsc.subcore_barrier()

    pltpu.sync_copy(
        acc.at[pl.ds(sid * ROWS_PER_TILE, ROWS_PER_TILE)],
        out_hbm.at[cid, pl.ds(sid * ROWS_PER_TILE, ROWS_PER_TILE)],
    )


@functools.cache
def _seg_kernel():
    return pl.kernel(
        _seg_body,
        out_type=jax.ShapeDtypeStruct((NC, N_PAD, D), jnp.float32),
        mesh=_mesh(),
        scratch_types=[
            pltpu.VMEM((3, K), jnp.int32),
            pltpu.VMEM((NBUF, K), jnp.int32),
            pltpu.VMEM((3, K, D), jnp.float32),
            pltpu.VMEM_SHARED((N_PAD, D), jnp.float32),
            pltpu.SemaphoreType.DMA((3,)),
            pltpu.SemaphoreType.DMA((NBUF,)),
            pltpu.SemaphoreType.DMA((3,)),
            pltpu.SemaphoreType.DMA((NBUF,)),
        ],
    )



def _norm_scale_body(degp_ref, x_ref, a_ref, nrm_ref):
    deg = degp_ref[0, :N] + degp_ref[1, :N]
    nrm = lax.rsqrt(jnp.maximum(deg, 1.0))
    nrm_ref[...] = nrm
    a_ref[...] = x_ref[...] * nrm[:, None]


def _combine_scale_body(part_ref, nrm_ref, c_ref):
    nrm = nrm_ref[...]
    c_ref[...] = (part_ref[0, :N] + part_ref[1, :N]) * (nrm * nrm)[:, None]


def _final_body(part_ref, nrm_ref, w_ref, out_ref, h_ref):
    h2 = (part_ref[0, :N] + part_ref[1, :N]) * nrm_ref[...][:, None]
    h = jnp.dot(h2, w_ref[...], preferred_element_type=jnp.float32)
    h_ref[...] = h
    m = jnp.max(h, axis=1, keepdims=True)
    e = jnp.exp(h - m)
    out_ref[...] = e / jnp.sum(e, axis=1, keepdims=True)


def kernel(features, edge_index, lg, lg_x, W):
    del lg, lg_x
    src = edge_index[0]
    dst = edge_index[1]

    degp = _deg_kernel()(dst)

    a, nrm = pl.pallas_call(
        _norm_scale_body,
        out_shape=(
            jax.ShapeDtypeStruct((N, D), jnp.float32),
            jax.ShapeDtypeStruct((N,), jnp.float32),
        ),
    )(degp, features)

    bp = _seg_kernel()(a, src, dst)

    c = pl.pallas_call(
        _combine_scale_body,
        out_shape=jax.ShapeDtypeStruct((N, D), jnp.float32),
    )(bp, nrm)

    dp = _seg_kernel()(c, src, dst)

    out, h = pl.pallas_call(
        _final_body,
        out_shape=(
            jax.ShapeDtypeStruct((N, C), jnp.float32),
            jax.ShapeDtypeStruct((N, C), jnp.float32),
        ),
    )(dp, nrm, W)

    return (out, h)

# --- scband reference (transcript-rebuilt; emitter-appended) ---
"""Pipeline reference for scband-lgnetwork-53309134078454 (READ-ONLY COPY).

The authoritative reference and input builder live on the scoring server;
editing this copy changes nothing except your own understanding.
"""

import jax, jax.numpy as jnp
import numpy as np

N_NODES = 10000
N_EDGES = 320000
D_FEAT = 128
N_CLASSES = 64
K_HOPS = 2

def setup_inputs(seed: int = 0) -> dict:
    key = jax.random.key(seed)
    k1, k2, k3 = jax.random.split(key, 3)
    features = jax.random.normal(k1, (N_NODES, D_FEAT), dtype=jnp.float32)
    # graph g from __init__, materialized as edge_index (src, dst)
    edge_index = jax.random.randint(k2, (2, N_EDGES), 0, N_NODES, dtype=jnp.int32)
    # SGConv linear weight (bias=False): [in_feats, n_classes]
    W = jax.random.normal(k3, (D_FEAT, N_CLASSES), dtype=jnp.float32) * 0.05
    lg = 0  # unused line-graph placeholder (forward ignores it)
    lg_x = jnp.zeros((1,), dtype=jnp.float32)  # unused
    return {"features": features, "edge_index": edge_index, "lg": lg, "lg_x": lg_x, "W": W}

def reference(features, edge_index, lg, lg_x, W):
    # Dropout is identity in eval mode.
    src = edge_index[0]
    dst = edge_index[1]
    # DGL SGConv symmetric normalization using in-degrees clamped to >=1
    deg = jnp.zeros((N_NODES,), dtype=jnp.float32).at[dst].add(1.0)
    deg = jnp.clip(deg, 1.0, None)
    norm = jnp.power(deg, -0.5)
    h = features
    for _ in range(K_HOPS):
        h = h * norm[:, None]
        # gather from src nodes, scatter-add to dst nodes (copy_u -> sum)
        h = jax.ops.segment_sum(h[src], dst, num_segments=N_NODES)
        h = h * norm[:, None]
    h = h @ W  # SGConv fc, bias=False
    out = jax.nn.softmax(h, axis=1)  # out_fun = nn.Softmax(dim=1)
    return (out, h)

if __name__ == "__main__":
    import jax
    _d = setup_inputs()
    print(jax.jit(kernel)(*tuple(_d.values())))

</pallas_src>

<mosaic_0001>
#map = affine_map<(d0, d1) -> (0, 0)>
#map1 = affine_map<(d0, d1) -> (0)>
#map2 = affine_map<(d0, d1) -> (0, 0, 0)>
module attributes {stable_mosaic.version = 14 : i64} {
  func.func @_seg_body(%arg0: i32, %arg1: i32, %arg2: memref<10000x128xf32, #tpu.memory_space<hbm>>, %arg3: memref<320000xi32, #tpu.memory_space<hbm>>, %arg4: memref<320000xi32, #tpu.memory_space<hbm>>, %arg5: memref<2x10112x128xf32, #tpu.memory_space<hbm>>, %arg6: memref<3x128xi32, #tpu.memory_space<vmem>>, %arg7: memref<4x128xi32, #tpu.memory_space<vmem>>, %arg8: memref<3x128x128xf32, #tpu.memory_space<vmem>>, %arg9: memref<10112x128xf32, #tpu.memory_space<vmem_shared>>, %arg10: memref<3x!tpu.dma_semaphore, #tpu.memory_space<semaphore_mem>>, %arg11: memref<4x!tpu.dma_semaphore, #tpu.memory_space<semaphore_mem>>, %arg12: memref<3x!tpu.dma_semaphore, #tpu.memory_space<semaphore_mem>>, %arg13: memref<4x!tpu.dma_semaphore, #tpu.memory_space<semaphore_mem>>) attributes {dimension_semantics = [#tpu.dimension_semantics<core_parallel>, #tpu.dimension_semantics<subcore_parallel>], iteration_bounds = array<i64: 2, 16>, scalar_prefetch = 0 : i64, scratch_operands = 8 : i64, tpu.core_type = #tpu.core_type<sc_vector_subcore>, window_params = [{transform_indices = #map}, {transform_indices = #map1}, {transform_indices = #map1}, {transform_indices = #map2}]} {
    %mul3A = arith.constant 16 : i32
    %mul3A_0 = arith.muli %arg0, %mul3A : i32
    %add3A = arith.addi %mul3A_0, %arg1 : i32
    %scan3A = arith.constant 0 : i32
    %scan3A_1 = arith.constant 0 : i32
    %scan3A_2 = arith.constant 79 : i32
    %scan3A_3 = arith.addi %scan3A_1, %scan3A_2 : i32
    %scan3A_4 = arith.constant 1 : i32
    %scan3A_5 = scf.for %scan3A_155 = %scan3A_1 to %scan3A_3 step %scan3A_4 iter_args(%scan3A_156 = %scan3A) -> (i32)  : i32 {
      %broadcast_in_dim3A = arith.constant 0.000000e+00 : f32
      %broadcast_in_dim3A_157 = vector.broadcast %broadcast_in_dim3A : f32 to vector<16xf32>
      %swap3A = arith.constant 0 : i32
      %swap3A_158 = arith.index_cast %swap3A : i32 to index
      %swap3A_159 = arith.index_cast %scan3A_155 : i32 to index
      %swap3A_160 = arith.constant 0 : index
      %swap3A_161 = tpu.vector_load %arg8[%swap3A_158, %swap3A_159, %swap3A_160] {strides = array<i32>} : memref<3x128x128xf32, #tpu.memory_space<vmem>>, vector<1x1x16xf32>,
      %swap3A_162 = vector.shape_cast %swap3A_161 : vector<1x1x16xf32> to vector<16xf32>
      %swap3A_163 = vector.shape_cast %broadcast_in_dim3A_157 : vector<16xf32> to vector<1x1x16xf32>
      tpu.vector_store %arg8[%swap3A_158, %swap3A_159, %swap3A_160], %swap3A_163 {strides = array<i32>} : memref<3x128x128xf32, #tpu.memory_space<vmem>>, vector<1x1x16xf32>,
      %broadcast_in_dim3A_164 = arith.constant 0.000000e+00 : f32
      %broadcast_in_dim3A_165 = vector.broadcast %broadcast_in_dim3A_164 : f32 to vector<16xf32>
      %swap3A_166 = arith.constant 0 : i32
      %swap3A_167 = arith.index_cast %swap3A_166 : i32 to index
      %swap3A_168 = arith.index_cast %scan3A_155 : i32 to index
      %swap3A_169 = arith.constant 16 : index
      %swap3A_170 = tpu.vector_load %arg8[%swap3A_167, %swap3A_168, %swap3A_169] {strides = array<i32>} : memref<3x128x128xf32, #tpu.memory_space<vmem>>, vector<1x1x16xf32>,
      %swap3A_171 = vector.shape_cast %swap3A_170 : vector<1x1x16xf32> to vector<16xf32>
      %swap3A_172 = vector.shape_cast %broadcast_in_dim3A_165 : vector<16xf32> to vector<1x1x16xf32>
      tpu.vector_store %arg8[%swap3A_167, %swap3A_168, %swap3A_169], %swap3A_172 {strides = array<i32>} : memref<3x128x128xf32, #tpu.memory_space<vmem>>, vector<1x1x16xf32>,
      %broadcast_in_dim3A_173 = arith.constant 0.000000e+00 : f32
      %broadcast_in_dim3A_174 = vector.broadcast %broadcast_in_dim3A_173 : f32 to vector<16xf32>
      %swap3A_175 = arith.constant 0 : i32
      %swap3A_176 = arith.index_cast %swap3A_175 : i32 to index
      %swap3A_177 = arith.index_cast %scan3A_155 : i32 to index
      %swap3A_178 = arith.constant 32 : index
      %swap3A_179 = tpu.vector_load %arg8[%swap3A_176, %swap3A_177, %swap3A_178] {strides = array<i32>} : memref<3x128x128xf32, #tpu.memory_space<vmem>>, vector<1x1x16xf32>,
      %swap3A_180 = vector.shape_cast %swap3A_179 : vector<1x1x16xf32> to vector<16xf32>
      %swap3A_181 = vector.shape_cast %broadcast_in_dim3A_174 : vector<16xf32> to vector<1x1x16xf32>
      tpu.vector_store %arg8[%swap3A_176, %swap3A_177, %swap3A_178], %swap3A_181 {strides = array<i32>} : memref<3x128x128xf32, #tpu.memory_space<vmem>>, vector<1x1x16xf32>,
      %broadcast_in_dim3A_182 = arith.constant 0.000000e+00 : f32
      %broadcast_in_dim3A_183 = vector.broadcast %broadcast_in_dim3A_182 : f32 to vector<16xf32>
      %swap3A_184 = arith.constant 0 : i32
      %swap3A_185 = arith.index_cast %swap3A_184 : i32 to index
      %swap3A_186 = arith.index_cast %scan3A_155 : i32 to index
      %swap3A_187 = arith.constant 48 : index
      %swap3A_188 = tpu.vector_load %arg8[%swap3A_185, %swap3A_186, %swap3A_187] {strides = array<i32>} : memref<3x128x128xf32, #tpu.memory_space<vmem>>, vector<1x1x16xf32>,
      %swap3A_189 = vector.shape_cast %swap3A_188 : vector<1x1x16xf32> to vector<16xf32>
      %swap3A_190 = vector.shape_cast %broadcast_in_dim3A_183 : vector<16xf32> to vector<1x1x16xf32>
      tpu.vector_store %arg8[%swap3A_185, %swap3A_186, %swap3A_187], %swap3A_190 {strides = array<i32>} : memref<3x128x128xf32, #tpu.memory_space<vmem>>, vector<1x1x16xf32>,
      %broadcast_in_dim3A_191 = arith.constant 0.000000e+00 : f32
      %broadcast_in_dim3A_192 = vector.broadcast %broadcast_in_dim3A_191 : f32 to vector<16xf32>
      %swap3A_193 = arith.constant 0 : i32
      %swap3A_194 = arith.index_cast %swap3A_193 : i32 to index
      %swap3A_195 = arith.index_cast %scan3A_155 : i32 to index
      %swap3A_196 = arith.constant 64 : index
      %swap3A_197 = tpu.vector_load %arg8[%swap3A_194, %swap3A_195, %swap3A_196] {strides = array<i32>} : memref<3x128x128xf32, #tpu.memory_space<vmem>>, vector<1x1x16xf32>,
      %swap3A_198 = vector.shape_cast %swap3A_197 : vector<1x1x16xf32> to vector<16xf32>
      %swap3A_199 = vector.shape_cast %broadcast_in_dim3A_192 : vector<16xf32> to vector<1x1x16xf32>
      tpu.vector_store %arg8[%swap3A_194, %swap3A_195, %swap3A_196], %swap3A_199 {strides = array<i32>} : memref<3x128x128xf32, #tpu.memory_space<vmem>>, vector<1x1x16xf32>,
      %broadcast_in_dim3A_200 = arith.constant 0.000000e+00 : f32
      %broadcast_in_dim3A_201 = vector.broadcast %broadcast_in_dim3A_200 : f32 to vector<16xf32>
      %swap3A_202 = arith.constant 0 : i32
      %swap3A_203 = arith.index_cast %swap3A_202 : i32 to index
      %swap3A_204 = arith.index_cast %scan3A_155 : i32 to index
      %swap3A_205 = arith.constant 80 : index
      %swap3A_206 = tpu.vector_load %arg8[%swap3A_203, %swap3A_204, %swap3A_205] {strides = array<i32>} : memref<3x128x128xf32, #tpu.memory_space<vmem>>, vector<1x1x16xf32>,
      %swap3A_207 = vector.shape_cast %swap3A_206 : vector<1x1x16xf32> to vector<16xf32>
      %swap3A_208 = vector.shape_cast %broadcast_in_dim3A_201 : vector<16xf32> to vector<1x1x16xf32>
      tpu.vector_store %arg8[%swap3A_203, %swap3A_204, %swap3A_205], %swap3A_208 {strides = array<i32>} : memref<3x128x128xf32, #tpu.memory_space<vmem>>, vector<1x1x16xf32>,
      %broadcast_in_dim3A_209 = arith.constant 0.000000e+00 : f32
      %broadcast_in_dim3A_210 = vector.broadcast %broadcast_in_dim3A_209 : f32 to vector<16xf32>
      %swap3A_211 = arith.constant 0 : i32
      %swap3A_212 = arith.index_cast %swap3A_211 : i32 to index
      %swap3A_213 = arith.index_cast %scan3A_155 : i32 to index
      %swap3A_214 = arith.constant 96 : index
      %swap3A_215 = tpu.vector_load %arg8[%swap3A_212, %swap3A_213, %swap3A_214] {strides = array<i32>} : memref<3x128x128xf32, #tpu.memory_space<vmem>>, vector<1x1x16xf32>,
      %swap3A_216 = vector.shape_cast %swap3A_215 : vector<1x1x16xf32> to vector<16xf32>
      %swap3A_217 = vector.shape_cast %broadcast_in_dim3A_210 : vector<16xf32> to vector<1x1x16xf32>
      tpu.vector_store %arg8[%swap3A_212, %swap3A_213, %swap3A_214], %swap3A_217 {strides = array<i32>} : memref<3x128x128xf32, #tpu.memory_space<vmem>>, vector<1x1x16xf32>,
      %broadcast_in_dim3A_218 = arith.constant 0.000000e+00 : f32
      %broadcast_in_dim3A_219 = vector.broadcast %broadcast_in_dim3A_218 : f32 to vector<16xf32>
      %swap3A_220 = arith.constant 0 : i32
      %swap3A_221 = arith.index_cast %swap3A_220 : i32 to index
      %swap3A_222 = arith.index_cast %scan3A_155 : i32 to index
      %swap3A_223 = arith.constant 112 : index
      %swap3A_224 = tpu.vector_load %arg8[%swap3A_221, %swap3A_222, %swap3A_223] {strides = array<i32>} : memref<3x128x128xf32, #tpu.memory_space<vmem>>, vector<1x1x16xf32>,
      %swap3A_225 = vector.shape_cast %swap3A_224 : vector<1x1x16xf32> to vector<16xf32>
      %swap3A_226 = vector.shape_cast %broadcast_in_dim3A_219 : vector<16xf32> to vector<1x1x16xf32>
      tpu.vector_store %arg8[%swap3A_221, %swap3A_222, %swap3A_223], %swap3A_226 {strides = array<i32>} : memref<3x128x128xf32, #tpu.memory_space<vmem>>, vector<1x1x16xf32>,
      %scan3A_227 = arith.constant 0 : i32
      scf.yield %scan3A_227 : i32
    }
    %scan3A_6 = arith.constant 79 : i32
    %scan3A_7 = arith.constant 0 : i32
    %scan3A_8 = arith.constant 0 : i32
    %scan3A_9 = arith.constant 8 : i32
    %scan3A_10 = arith.addi %scan3A_8, %scan3A_9 : i32
    %scan3A_11 = arith.constant 1 : i32
    %scan3A_12 = scf.for %scan3A_155 = %scan3A_8 to %scan3A_10 step %scan3A_11 iter_args(%scan3A_156 = %scan3A_7) -> (i32)  : i32 {
      %mul3A_157 = arith.constant 632 : i32
      %mul3A_158 = arith.muli %arg1, %mul3A_157 : i32
      %mul3A_159 = arith.constant 79 : i32
      %mul3A_160 = arith.muli %scan3A_155, %mul3A_159 : i32
      %add3A_161 = arith.addi %mul3A_158, %mul3A_160 : i32
      %run_scoped3A = arith.constant 0 : i32
      "tpu.region"() ({
        %run_scoped3A_163 = tpu.sem_alloc : memref<!tpu.dma_semaphore, #tpu.memory_space<semaphore_mem>>
        %dma_start3A_164 = arith.constant 0 : i32
        %dma_start3A_165 = arith.constant 0 : i32
        %dma_start3A_166 = tpu.memref_slice %arg8[%run_scoped3A, %dma_start3A_164, %dma_start3A_165] : memref<3x128x128xf32, #tpu.memory_space<vmem>> -> memref<1x79x128xf32, #tpu.memory_space<vmem>>
        %dma_start3A_167 = tpu.memref_squeeze %dma_start3A_166 : memref<1x79x128xf32, #tpu.memory_space<vmem>> -> memref<79x128xf32, #tpu.memory_space<vmem>>
        %dma_start3A_168 = arith.constant 0 : i32
        %dma_start3A_169 = tpu.memref_slice %arg9[%add3A_161, %dma_start3A_168] : memref<10112x128xf32, #tpu.memory_space<vmem_shared>> -> memref<79x128xf32, #tpu.memory_space<vmem_shared>>
        %dma_start3A_170 = arith.constant 0 : i32
        %dma_start3A_171 = tpu.memref_slice %arg9[%add3A_161, %dma_start3A_170] : memref<10112x128xf32, #tpu.memory_space<vmem_shared>> -> memref<79x128xf32, #tpu.memory_space<vmem_shared>>
        %dma_start3A_172 = arith.constant 0 : i32
        %dma_start3A_173 = arith.constant 0 : i32
        %dma_start3A_174 = tpu.memref_slice %arg8[%run_scoped3A, %dma_start3A_172, %dma_start3A_173] : memref<3x128x128xf32, #tpu.memory_space<vmem>> -> memref<1x79x128xf32, #tpu.memory_space<vmem>>
        %dma_start3A_175 = tpu.memref_squeeze %dma_start3A_174 : memref<1x79x128xf32, #tpu.memory_space<vmem>> -> memref<79x128xf32, #tpu.memory_space<vmem>>
        tpu.enqueue_dma source(%dma_start3A_175 : memref<79x128xf32, #tpu.memory_space<vmem>>) target(%dma_start3A_171 : memref<79x128xf32, #tpu.memory_space<vmem_shared>>) target_semaphore(%run_scoped3A_163 : memref<!tpu.dma_semaphore, #tpu.memory_space<semaphore_mem>>)
        %dma_wait3A_176 = arith.constant 0 : i32
        %dma_wait3A_177 = arith.constant 0 : i32
        %dma_wait3A_178 = tpu.memref_slice %arg8[%run_scoped3A, %dma_wait3A_176, %dma_wait3A_177] : memref<3x128x128xf32, #tpu.memory_space<vmem>> -> memref<1x79x128xf32, #tpu.memory_space<vmem>>
        %dma_wait3A_179 = tpu.memref_squeeze %dma_wait3A_178 : memref<1x79x128xf32, #tpu.memory_space<vmem>> -> memref<79x128xf32, #tpu.memory_space<vmem>>
        %dma_wait3A_180 = arith.constant 0 : i32
        %dma_wait3A_181 = tpu.memref_slice %arg9[%add3A_161, %dma_wait3A_180] : memref<10112x128xf32, #tpu.memory_space<vmem_shared>> -> memref<79x128xf32, #tpu.memory_space<vmem_shared>>
        %dma_wait3A_182 = arith.constant 0 : i32
        %dma_wait3A_183 = tpu.memref_slice %arg9[%add3A_161, %dma_wait3A_182] : memref<10112x128xf32, #tpu.memory_space<vmem_shared>> -> memref<79x128xf32, #tpu.memory_space<vmem_shared>>
        %dma_wait3A_184 = arith.constant 0 : i32
        %dma_wait3A_185 = arith.constant 0 : i32
        %dma_wait3A_186 = tpu.memref_slice %arg8[%run_scoped3A, %dma_wait3A_184, %dma_wait3A_185] : memref<3x128x128xf32, #tpu.memory_space<vmem>> -> memref<1x79x128xf32, #tpu.memory_space<vmem>>
        %dma_wait3A_187 = tpu.memref_squeeze %dma_wait3A_186 : memref<1x79x128xf32, #tpu.memory_space<vmem>> -> memref<79x128xf32, #tpu.memory_space<vmem>>
        tpu.wait_dma2 semaphore(%run_scoped3A_163 : memref<!tpu.dma_semaphore, #tpu.memory_space<semaphore_mem>>) src(%dma_wait3A_187 : memref<79x128xf32, #tpu.memory_space<vmem>>) dst(%dma_wait3A_183 : memref<79x128xf32, #tpu.memory_space<vmem_shared>>)
        tpu.yield
      }) : () -> ()
      %scan3A_162 = arith.constant 0 : i32
      scf.yield %scan3A_162 : i32
    }
    %scan3A_13 = arith.constant 8 : i32
    %barrier3A = arith.constant 0 : index
    tpu.barrier barrier_id(%barrier3A)
    %lt3A = arith.constant 4 : i32
    %lt3A_14 = arith.cmpi slt, %add3A, %lt3A : i32
    %jit3A = arith.constant 79 : i32
    %jit3A_15 = arith.constant 78 : i32
    %select_n3A = arith.select %lt3A_14, %jit3A, %jit3A_15 : i32
    %add3A_16 = arith.constant 0 : i32
    %add3A_17 = arith.addi %add3A, %add3A_16 : i32
    %mul3A_18 = arith.constant 128 : i32
    %mul3A_19 = arith.muli %add3A_17, %mul3A_18 : i32
    %dma_start3A = arith.constant 0 : i32
    %dma_start3A_20 = arith.constant 0 : i32
    %dma_start3A_21 = arith.constant 0 : i32
    %dma_start3A_22 = tpu.memref_slice %arg6[%dma_start3A, %dma_start3A_21] : memref<3x128xi32, #tpu.memory_space<vmem>> -> memref<1x128xi32, #tpu.memory_space<vmem>>
    %dma_start3A_23 = tpu.memref_squeeze %dma_start3A_22 : memref<1x128xi32, #tpu.memory_space<vmem>> -> memref<128xi32, #tpu.memory_space<vmem>>
    %dma_start3A_24 = tpu.memref_slice %arg3[%mul3A_19] : memref<320000xi32, #tpu.memory_space<hbm>> -> memref<128xi32, #tpu.memory_space<hbm>>
    %dma_start3A_25 = tpu.memref_slice %arg10[%dma_start3A_20] : memref<3x!tpu.dma_semaphore, #tpu.memory_space<semaphore_mem>> -> memref<1x!tpu.dma_semaphore, #tpu.memory_space<semaphore_mem>>
    %dma_start3A_26 = tpu.memref_squeeze %dma_start3A_25 : memref<1x!tpu.dma_semaphore, #tpu.memory_space<semaphore_mem>> -> memref<!tpu.dma_semaphore, #tpu.memory_space<semaphore_mem>>
    %dma_start3A_27 = arith.constant 0 : i32
    %dma_start3A_28 = tpu.memref_slice %arg6[%dma_start3A, %dma_start3A_27] : memref<3x128xi32, #tpu.memory_space<vmem>> -> memref<1x128xi32, #tpu.memory_space<vmem>>
    %dma_start3A_29 = tpu.memref_squeeze %dma_start3A_28 : memref<1x128xi32, #tpu.memory_space<vmem>> -> memref<128xi32, #tpu.memory_space<vmem>>
    %dma_start3A_30 = tpu.memref_slice %arg3[%mul3A_19] : memref<320000xi32, #tpu.memory_space<hbm>> -> memref<128xi32, #tpu.memory_space<hbm>>
    tpu.enqueue_dma source(%dma_start3A_30 : memref<128xi32, #tpu.memory_space<hbm>>) target(%dma_start3A_29 : memref<128xi32, #tpu.memory_space<vmem>>) target_semaphore(%dma_start3A_26 : memref<!tpu.dma_semaphore, #tpu.memory_space<semaphore_mem>>)
    %dma_start3A_31 = arith.constant 0 : i32
    %dma_start3A_32 = arith.constant 0 : i32
    %dma_start3A_33 = arith.constant 0 : i32
    %dma_start3A_34 = tpu.memref_slice %arg7[%dma_start3A_31, %dma_start3A_33] : memref<4x128xi32, #tpu.memory_space<vmem>> -> memref<1x128xi32, #tpu.memory_space<vmem>>
    %dma_start3A_35 = tpu.memref_squeeze %dma_start3A_34 : memref<1x128xi32, #tpu.memory_space<vmem>> -> memref<128xi32, #tpu.memory_space<vmem>>
    %dma_start3A_36 = tpu.memref_slice %arg4[%mul3A_19] : memref<320000xi32, #tpu.memory_space<hbm>> -> memref<128xi32, #tpu.memory_space<hbm>>
    %dma_start3A_37 = tpu.memref_slice %arg11[%dma_start3A_32] : memref<4x!tpu.dma_semaphore, #tpu.memory_space<semaphore_mem>> -> memref<1x!tpu.dma_semaphore, #tpu.memory_space<semaphore_mem>>
    %dma_start3A_38 = tpu.memref_squeeze %dma_start3A_37 : memref<1x!tpu.dma_semaphore, #tpu.memory_space<semaphore_mem>> -> memref<!tpu.dma_semaphore, #tpu.memory_space<semaphore_mem>>
    %dma_start3A_39 = arith.constant 0 : i32
    %dma_start3A_40 = tpu.memref_slice %arg7[%dma_start3A_31, %dma_start3A_39] : memref<4x128xi32, #tpu.memory_space<vmem>> -> memref<1x128xi32, #tpu.memory_space<vmem>>
    %dma_start3A_41 = tpu.memref_squeeze %dma_start3A_40 : memref<1x128xi32, #tpu.memory_space<vmem>> -> memref<128xi32, #tpu.memory_space<vmem>>
    %dma_start3A_42 = tpu.memref_slice %arg4[%mul3A_19] : memref<320000xi32, #tpu.memory_space<hbm>> -> memref<128xi32, #tpu.memory_space<hbm>>
    tpu.enqueue_dma source(%dma_start3A_42 : memref<128xi32, #tpu.memory_space<hbm>>) target(%dma_start3A_41 : memref<128xi32, #tpu.memory_space<vmem>>) target_semaphore(%dma_start3A_38 : memref<!tpu.dma_semaphore, #tpu.memory_space<semaphore_mem>>)
    %add3A_43 = arith.constant 32 : i32
    %add3A_44 = arith.addi %add3A, %add3A_43 : i32
    %mul3A_45 = arith.constant 128 : i32
    %mul3A_46 = arith.muli %add3A_44, %mul3A_45 : i32
    %dma_start3A_47 = arith.constant 1 : i32
    %dma_start3A_48 = arith.constant 1 : i32
    %dma_start3A_49 = arith.constant 0 : i32
    %dma_start3A_50 = tpu.memref_slice %arg6[%dma_start3A_47, %dma_start3A_49] : memref<3x128xi32, #tpu.memory_space<vmem>> -> memref<1x128xi32, #tpu.memory_space<vmem>>
    %dma_start3A_51 = tpu.memref_squeeze %dma_start3A_50 : memref<1x128xi32, #tpu.memory_space<vmem>> -> memref<128xi32, #tpu.memory_space<vmem>>
    %dma_start3A_52 = tpu.memref_slice %arg3[%mul3A_46] : memref<320000xi32, #tpu.memory_space<hbm>> -> memref<128xi32, #tpu.memory_space<hbm>>
    %dma_start3A_53 = tpu.memref_slice %arg10[%dma_start3A_48] : memref<3x!tpu.dma_semaphore, #tpu.memory_space<semaphore_mem>> -> memref<1x!tpu.dma_semaphore, #tpu.memory_space<semaphore_mem>>
    %dma_start3A_54 = tpu.memref_squeeze %dma_start3A_53 : memref<1x!tpu.dma_semaphore, #tpu.memory_space<semaphore_mem>> -> memref<!tpu.dma_semaphore, #tpu.memory_space<semaphore_mem>>
    %dma_start3A_55 = arith.constant 0 : i32
    %dma_start3A_56 = tpu.memref_slice %arg6[%dma_start3A_47, %dma_start3A_55] : memref<3x128xi32, #tpu.memory_space<vmem>> -> memref<1x128xi32, #tpu.memory_space<vmem>>
    %dma_start3A_57 = tpu.memref_squeeze %dma_start3A_56 : memref<1x128xi32, #tpu.memory_space<vmem>> -> memref<128xi32, #tpu.memory_space<vmem>>
    %dma_start3A_58 = tpu.memref_slice %arg3[%mul3A_46] : memref<320000xi32, #tpu.memory_space<hbm>> -> memref<128xi32, #tpu.memory_space<hbm>>
    tpu.enqueue_dma source(%dma_start3A_58 : memref<128xi32, #tpu.memory_space<hbm>>) target(%dma_start3A_57 : memref<128xi32, #tpu.memory_space<vmem>>) target_semaphore(%dma_start3A_54 : memref<!tpu.dma_semaphore, #tpu.memory_space<semaphore_mem>>)
    %dma_start3A_59 = arith.constant 1 : i32
    %dma_start3A_60 = arith.constant 1 : i32
    %dma_start3A_61 = arith.constant 0 : i32
    %dma_start3A_62 = tpu.memref_slice %arg7[%dma_start3A_59, %dma_start3A_61] : memref<4x128xi32, #tpu.memory_space<vmem>> -> memref<1x128xi32, #tpu.memory_space<vmem>>
    %dma_start3A_63 = tpu.memref_squeeze %dma_start3A_62 : memref<1x128xi32, #tpu.memory_space<vmem>> -> memref<128xi32, #tpu.memory_space<vmem>>
    %dma_start3A_64 = tpu.memref_slice %arg4[%mul3A_46] : memref<320000xi32, #tpu.memory_space<hbm>> -> memref<128xi32, #tpu.memory_space<hbm>>
    %dma_start3A_65 = tpu.memref_slice %arg11[%dma_start3A_60] : memref<4x!tpu.dma_semaphore, #tpu.memory_space<semaphore_mem>> -> memref<1x!tpu.dma_semaphore, #tpu.memory_space<semaphore_mem>>
    %dma_start3A_66 = tpu.memref_squeeze %dma_start3A_65 : memref<1x!tpu.dma_semaphore, #tpu.memory_space<semaphore_mem>> -> memref<!tpu.dma_semaphore, #tpu.memory_space<semaphore_mem>>
    %dma_start3A_67 = arith.constant 0 : i32
    %dma_start3A_68 = tpu.memref_slice %arg7[%dma_start3A_59, %dma_start3A_67] : memref<4x128xi32, #tpu.memory_space<vmem>> -> memref<1x128xi32, #tpu.memory_space<vmem>>
    %dma_start3A_69 = tpu.memref_squeeze %dma_start3A_68 : memref<1x128xi32, #tpu.memory_space<vmem>> -> memref<128xi32, #tpu.memory_space<vmem>>
    %dma_start3A_70 = tpu.memref_slice %arg4[%mul3A_46] : memref<320000xi32, #tpu.memory_space<hbm>> -> memref<128xi32, #tpu.memory_space<hbm>>
    tpu.enqueue_dma source(%dma_start3A_70 : memref<128xi32, #tpu.memory_space<hbm>>) target(%dma_start3A_69 : memref<128xi32, #tpu.memory_space<vmem>>) target_semaphore(%dma_start3A_66 : memref<!tpu.dma_semaphore, #tpu.memory_space<semaphore_mem>>)
    %add3A_71 = arith.constant 0 : i32
    %add3A_72 = arith.addi %add3A, %add3A_71 : i32
    %mul3A_73 = arith.constant 128 : i32
    %mul3A_74 = arith.muli %add3A_72, %mul3A_73 : i32
    %dma_wait3A = arith.constant 0 : i32
    %dma_wait3A_75 = arith.constant 0 : i32
    %dma_wait3A_76 = arith.constant 0 : i32
    %dma_wait3A_77 = tpu.memref_slice %arg6[%dma_wait3A, %dma_wait3A_76] : memref<3x128xi32, #tpu.memory_space<vmem>> -> memref<1x128xi32, #tpu.memory_space<vmem>>
    %dma_wait3A_78 = tpu.memref_squeeze %dma_wait3A_77 : memref<1x128xi32, #tpu.memory_space<vmem>> -> memref<128xi32, #tpu.memory_space<vmem>>
    %dma_wait3A_79 = tpu.memref_slice %arg3[%mul3A_74] : memref<320000xi32, #tpu.memory_space<hbm>> -> memref<128xi32, #tpu.memory_space<hbm>>
    %dma_wait3A_80 = tpu.memref_slice %arg10[%dma_wait3A_75] : memref<3x!tpu.dma_semaphore, #tpu.memory_space<semaphore_mem>> -> memref<1x!tpu.dma_semaphore, #tpu.memory_space<semaphore_mem>>
    %dma_wait3A_81 = tpu.memref_squeeze %dma_wait3A_80 : memref<1x!tpu.dma_semaphore, #tpu.memory_space<semaphore_mem>> -> memref<!tpu.dma_semaphore, #tpu.memory_space<semaphore_mem>>
    %dma_wait3A_82 = arith.constant 0 : i32
    %dma_wait3A_83 = tpu.memref_slice %arg6[%dma_wait3A, %dma_wait3A_82] : memref<3x128xi32, #tpu.memory_space<vmem>> -> memref<1x128xi32, #tpu.memory_space<vmem>>
    %dma_wait3A_84 = tpu.memref_squeeze %dma_wait3A_83 : memref<1x128xi32, #tpu.memory_space<vmem>> -> memref<128xi32, #tpu.memory_space<vmem>>
    %dma_wait3A_85 = tpu.memref_slice %arg3[%mul3A_74] : memref<320000xi32, #tpu.memory_space<hbm>> -> memref<128xi32, #tpu.memory_space<hbm>>
    tpu.wait_dma2 semaphore(%dma_wait3A_81 : memref<!tpu.dma_semaphore, #tpu.memory_space<semaphore_mem>>) src(%dma_wait3A_85 : memref<128xi32, #tpu.memory_space<hbm>>) dst(%dma_wait3A_84 : memref<128xi32, #tpu.memory_space<vmem>>)
    %dma_start3A_86 = arith.constant 0 : i32
    %dma_start3A_87 = arith.constant 0 : i32
    %dma_start3A_88 = arith.constant 0 : i32
    %dma_start3A_89 = arith.constant 0 : i32
    %dma_start3A_90 = arith.constant 0 : i32
    %dma_start3A_91 = tpu.memref_slice %arg8[%dma_start3A_87, %dma_start3A_89, %dma_start3A_90] : memref<3x128x128xf32, #tpu.memory_space<vmem>> -> memref<1x128x128xf32, #tpu.memory_space<vmem>>
    %dma_start3A_92 = tpu.memref_squeeze %dma_start3A_91 : memref<1x128x128xf32, #tpu.memory_space<vmem>> -> memref<128x128xf32, #tpu.memory_space<vmem>>
    %dma_start3A_93 = arith.constant 0 : i32
    %dma_start3A_94 = tpu.memref_slice %arg6[%dma_start3A_86, %dma_start3A_93] : memref<3x128xi32, #tpu.memory_space<vmem>> -> memref<1x128xi32, #tpu.memory_space<vmem>>
    %dma_start3A_95 = tpu.memref_squeeze %dma_start3A_94 : memref<1x128xi32, #tpu.memory_space<vmem>> -> memref<128xi32, #tpu.memory_space<vmem>>
    %dma_start3A_96 = arith.constant 0 : i32
    %dma_start3A_97 = arith.constant 0 : i32
    %dma_start3A_98 = tpu.memref_slice %arg2[%dma_start3A_96, %dma_start3A_97] : memref<10000x128xf32, #tpu.memory_space<hbm>> -> memref<10000x128xf32, #tpu.memory_space<hbm>>
    %dma_start3A_99 = tpu.memref_slice %arg12[%dma_start3A_88] : memref<3x!tpu.dma_semaphore, #tpu.memory_space<semaphore_mem>> -> memref<1x!tpu.dma_semaphore, #tpu.memory_space<semaphore_mem>>
    %dma_start3A_100 = tpu.memref_squeeze %dma_start3A_99 : memref<1x!tpu.dma_semaphore, #tpu.memory_space<semaphore_mem>> -> memref<!tpu.dma_semaphore, #tpu.memory_space<semaphore_mem>>
    tpu.enqueue_indirect_dma source(%dma_start3A_98 : memref<10000x128xf32, #tpu.memory_space<hbm>>) target(%dma_start3A_92 : memref<128x128xf32, #tpu.memory_space<vmem>>) offsets(%dma_start3A_95 : memref<128xi32, #tpu.memory_space<vmem>>) semaphore(%dma_start3A_100 : memref<!tpu.dma_semaphore, #tpu.memory_space<semaphore_mem>>)
    %while3A = arith.constant 0 : i32
    %while3A_101 = arith.constant 0 : i32
    %while3A_102 = arith.subi %select_n3A, %while3A : i32
    %while3A_103 = arith.addi %while3A, %while3A_102 : i32
    %while3A_104 = arith.constant 1 : i32
    %while3A_105 = arith.divsi %while3A_102, %while3A_104 : i32
    %while3A_106 = arith.muli %while3A_105, %while3A_104 : i32
    %while3A_107 = arith.addi %while3A, %while3A_106 : i32
    %while3A_108 = arith.constant 1 : i32
    %while3A_109 = scf.for %while3A_155 = %while3A to %while3A_107 step %while3A_108 iter_args(%while3A_156 = %while3A_101) -> (i32)  : i32 {
      %rem3A_157 = arith.constant 3 : i32
      %rem3A_158 = arith.remsi %while3A_155, %rem3A_157 : i32
      %rem3A_159 = arith.constant 4 : i32
      %rem3A_160 = arith.remsi %while3A_155, %rem3A_159 : i32
      %mul3A_161 = arith.constant 32 : i32
      %mul3A_162 = arith.muli %while3A_155, %mul3A_161 : i32
      %add3A_163 = arith.addi %add3A, %mul3A_162 : i32
      %mul3A_164 = arith.constant 128 : i32
      %mul3A_165 = arith.muli %add3A_163, %mul3A_164 : i32
      %ge3A = arith.constant 2 : i32
      %ge3A_166 = arith.cmpi sge, %while3A_155, %ge3A : i32
      %convert_element_type3A = arith.extui %ge3A_166 : i1 to i32
      %cond3A = arith.constant 0 : i32
      %cond3A_167 = arith.cmpi ne, %convert_element_type3A, %cond3A : i32
      scf.if %cond3A_167 {
        %sub3A_215 = arith.constant 2 : i32
        %sub3A_216 = arith.subi %while3A_155, %sub3A_215 : i32
        %rem3A_217 = arith.constant 3 : i32
        %rem3A_218 = arith.remsi %sub3A_216, %rem3A_217 : i32
        %sub3A_219 = arith.constant 2 : i32
        %sub3A_220 = arith.subi %while3A_155, %sub3A_219 : i32
        %rem3A_221 = arith.constant 4 : i32
        %rem3A_222 = arith.remsi %sub3A_220, %rem3A_221 : i32
        %sub3A_223 = arith.constant 2 : i32
        %sub3A_224 = arith.subi %while3A_155, %sub3A_223 : i32
        %rem3A_225 = arith.constant 4 : i32
        %rem3A_226 = arith.remsi %sub3A_224, %rem3A_225 : i32
        %dma_wait3A_227 = arith.constant 0 : i32
        %dma_wait3A_228 = arith.constant 0 : i32
        %dma_wait3A_229 = tpu.memref_slice %arg8[%rem3A_218, %dma_wait3A_227, %dma_wait3A_228] : memref<3x128x128xf32, #tpu.memory_space<vmem>> -> memref<1x128x128xf32, #tpu.memory_space<vmem>>
        %dma_wait3A_230 = tpu.memref_squeeze %dma_wait3A_229 : memref<1x128x128xf32, #tpu.memory_space<vmem>> -> memref<128x128xf32, #tpu.memory_space<vmem>>
        %dma_wait3A_231 = arith.constant 0 : i32
        %dma_wait3A_232 = tpu.memref_slice %arg7[%rem3A_222, %dma_wait3A_231] : memref<4x128xi32, #tpu.memory_space<vmem>> -> memref<1x128xi32, #tpu.memory_space<vmem>>
        %dma_wait3A_233 = tpu.memref_squeeze %dma_wait3A_232 : memref<1x128xi32, #tpu.memory_space<vmem>> -> memref<128xi32, #tpu.memory_space<vmem>>
        %dma_wait3A_234 = arith.constant 0 : i32
        %dma_wait3A_235 = arith.constant 0 : i32
        %dma_wait3A_236 = tpu.memref_slice %arg9[%dma_wait3A_234, %dma_wait3A_235] : memref<10112x128xf32, #tpu.memory_space<vmem_shared>> -> memref<10112x128xf32, #tpu.memory_space<vmem_shared>>
        %dma_wait3A_237 = tpu.memref_slice %arg13[%rem3A_226] : memref<4x!tpu.dma_semaphore, #tpu.memory_space<semaphore_mem>> -> memref<1x!tpu.dma_semaphore, #tpu.memory_space<semaphore_mem>>
        %dma_wait3A_238 = tpu.memref_squeeze %dma_wait3A_237 : memref<1x!tpu.dma_semaphore, #tpu.memory_space<semaphore_mem>> -> memref<!tpu.dma_semaphore, #tpu.memory_space<semaphore_mem>>
        tpu.wait_indirect_dma semaphore(%dma_wait3A_238 : memref<!tpu.dma_semaphore, #tpu.memory_space<semaphore_mem>>) src(%dma_wait3A_230 : memref<128x128xf32, #tpu.memory_space<vmem>>) dst(%dma_wait3A_236 : memref<10112x128xf32, #tpu.memory_space<vmem_shared>>)
      } else {
      }
      %add3A_168 = arith.constant 2 : i32
      %add3A_169 = arith.addi %while3A_155, %add3A_168 : i32
      %lt3A_170 = arith.cmpi slt, %add3A_169, %select_n3A : i32
      %convert_element_type3A_171 = arith.extui %lt3A_170 : i1 to i32
      %cond3A_172 = arith.constant 0 : i32
      %cond3A_173 = arith.cmpi ne, %convert_element_type3A_171, %cond3A_172 : i32
      scf.if %cond3A_173 {
        %add3A_215 = arith.constant 2 : i32
        %add3A_216 = arith.addi %while3A_155, %add3A_215 : i32
        %add3A_217 = arith.constant 2 : i32
        %add3A_218 = arith.addi %while3A_155, %add3A_217 : i32
        %rem3A_219 = arith.constant 3 : i32
        %rem3A_220 = arith.remsi %add3A_218, %rem3A_219 : i32
        %add3A_221 = arith.constant 2 : i32
        %add3A_222 = arith.addi %while3A_155, %add3A_221 : i32
        %rem3A_223 = arith.constant 4 : i32
        %rem3A_224 = arith.remsi %add3A_222, %rem3A_223 : i32
        %mul3A_225 = arith.constant 32 : i32
        %mul3A_226 = arith.muli %add3A_216, %mul3A_225 : i32
        %add3A_227 = arith.addi %add3A, %mul3A_226 : i32
        %mul3A_228 = arith.constant 128 : i32
        %mul3A_229 = arith.muli %add3A_227, %mul3A_228 : i32
        %dma_start3A_230 = arith.constant 0 : i32
        %dma_start3A_231 = tpu.memref_slice %arg6[%rem3A_220, %dma_start3A_230] : memref<3x128xi32, #tpu.memory_space<vmem>> -> memref<1x128xi32, #tpu.memory_space<vmem>>
        %dma_start3A_232 = tpu.memref_squeeze %dma_start3A_231 : memref<1x128xi32, #tpu.memory_space<vmem>> -> memref<128xi32, #tpu.memory_space<vmem>>
        %dma_start3A_233 = tpu.memref_slice %arg3[%mul3A_229] : memref<320000xi32, #tpu.memory_space<hbm>> -> memref<128xi32, #tpu.memory_space<hbm>>
        %dma_start3A_234 = tpu.memref_slice %arg10[%rem3A_220] : memref<3x!tpu.dma_semaphore, #tpu.memory_space<semaphore_mem>> -> memref<1x!tpu.dma_semaphore, #tpu.memory_space<semaphore_mem>>
        %dma_start3A_235 = tpu.memref_squeeze %dma_start3A_234 : memref<1x!tpu.dma_semaphore, #tpu.memory_space<semaphore_mem>> -> memref<!tpu.dma_semaphore, #tpu.memory_space<semaphore_mem>>
        %dma_start3A_236 = arith.constant 0 : i32
        %dma_start3A_237 = tpu.memref_slice %arg6[%rem3A_220, %dma_start3A_236] : memref<3x128xi32, #tpu.memory_space<vmem>> -> memref<1x128xi32, #tpu.memory_space<vmem>>
        %dma_start3A_238 = tpu.memref_squeeze %dma_start3A_237 : memref<1x128xi32, #tpu.memory_space<vmem>> -> memref<128xi32, #tpu.memory_space<vmem>>
        %dma_start3A_239 = tpu.memref_slice %arg3[%mul3A_229] : memref<320000xi32, #tpu.memory_space<hbm>> -> memref<128xi32, #tpu.memory_space<hbm>>
        tpu.enqueue_dma source(%dma_start3A_239 : memref<128xi32, #tpu.memory_space<hbm>>) target(%dma_start3A_238 : memref<128xi32, #tpu.memory_space<vmem>>) target_semaphore(%dma_start3A_235 : memref<!tpu.dma_semaphore, #tpu.memory_space<semaphore_mem>>)
        %dma_start3A_240 = arith.constant 0 : i32
        %dma_start3A_241 = tpu.memref_slice %arg7[%rem3A_224, %dma_start3A_240] : memref<4x128xi32, #tpu.memory_space<vmem>> -> memref<1x128xi32, #tpu.memory_space<vmem>>
        %dma_start3A_242 = tpu.memref_squeeze %dma_start3A_241 : memref<1x128xi32, #tpu.memory_space<vmem>> -> memref<128xi32, #tpu.memory_space<vmem>>
        %dma_start3A_243 = tpu.memref_slice %arg4[%mul3A_229] : memref<320000xi32, #tpu.memory_space<hbm>> -> memref<128xi32, #tpu.memory_space<hbm>>
        %dma_start3A_244 = tpu.memref_slice %arg11[%rem3A_224] : memref<4x!tpu.dma_semaphore, #tpu.memory_space<semaphore_mem>> -> memref<1x!tpu.dma_semaphore, #tpu.memory_space<semaphore_mem>>
        %dma_start3A_245 = tpu.memref_squeeze %dma_start3A_244 : memref<1x!tpu.dma_semaphore, #tpu.memory_space<semaphore_mem>> -> memref<!tpu.dma_semaphore, #tpu.memory_space<semaphore_mem>>
        %dma_start3A_246 = arith.constant 0 : i32
        %dma_start3A_247 = tpu.memref_slice %arg7[%rem3A_224, %dma_start3A_246] : memref<4x128xi32, #tpu.memory_space<vmem>> -> memref<1x128xi32, #tpu.memory_space<vmem>>
        %dma_start3A_248 = tpu.memref_squeeze %dma_start3A_247 : memref<1x128xi32, #tpu.memory_space<vmem>> -> memref<128xi32, #tpu.memory_space<vmem>>
        %dma_start3A_249 = tpu.memref_slice %arg4[%mul3A_229] : memref<320000xi32, #tpu.memory_space<hbm>> -> memref<128xi32, #tpu.memory_space<hbm>>
        tpu.enqueue_dma source(%dma_start3A_249 : memref<128xi32, #tpu.memory_space<hbm>>) target(%dma_start3A_248 : memref<128xi32, #tpu.memory_space<vmem>>) target_semaphore(%dma_start3A_245 : memref<!tpu.dma_semaphore, #tpu.memory_space<semaphore_mem>>)
      } else {
      }
      %add3A_174 = arith.constant 1 : i32
      %add3A_175 = arith.addi %while3A_155, %add3A_174 : i32
      %lt3A_176 = arith.cmpi slt, %add3A_175, %select_n3A : i32
      %convert_element_type3A_177 = arith.extui %lt3A_176 : i1 to i32
      %cond3A_178 = arith.constant 0 : i32
      %cond3A_179 = arith.cmpi ne, %convert_element_type3A_177, %cond3A_178 : i32
      scf.if %cond3A_179 {
        %add3A_215 = arith.constant 1 : i32
        %add3A_216 = arith.addi %while3A_155, %add3A_215 : i32
        %rem3A_217 = arith.constant 3 : i32
        %rem3A_218 = arith.remsi %add3A_216, %rem3A_217 : i32
        %add3A_219 = arith.constant 1 : i32
        %add3A_220 = arith.addi %while3A_155, %add3A_219 : i32
        %mul3A_221 = arith.constant 32 : i32
        %mul3A_222 = arith.muli %add3A_220, %mul3A_221 : i32
        %add3A_223 = arith.addi %add3A, %mul3A_222 : i32
        %mul3A_224 = arith.constant 128 : i32
        %mul3A_225 = arith.muli %add3A_223, %mul3A_224 : i32
        %dma_wait3A_226 = arith.constant 0 : i32
        %dma_wait3A_227 = tpu.memref_slice %arg6[%rem3A_218, %dma_wait3A_226] : memref<3x128xi32, #tpu.memory_space<vmem>> -> memref<1x128xi32, #tpu.memory_space<vmem>>
        %dma_wait3A_228 = tpu.memref_squeeze %dma_wait3A_227 : memref<1x128xi32, #tpu.memory_space<vmem>> -> memref<128xi32, #tpu.memory_space<vmem>>
        %dma_wait3A_229 = tpu.memref_slice %arg3[%mul3A_225] : memref<320000xi32, #tpu.memory_space<hbm>> -> memref<128xi32, #tpu.memory_space<hbm>>
        %dma_wait3A_230 = tpu.memref_slice %arg10[%rem3A_218] : memref<3x!tpu.dma_semaphore, #tpu.memory_space<semaphore_mem>> -> memref<1x!tpu.dma_semaphore, #tpu.memory_space<semaphore_mem>>
        %dma_wait3A_231 = tpu.memref_squeeze %dma_wait3A_230 : memref<1x!tpu.dma_semaphore, #tpu.memory_space<semaphore_mem>> -> memref<!tpu.dma_semaphore, #tpu.memory_space<semaphore_mem>>
        %dma_wait3A_232 = arith.constant 0 : i32
        %dma_wait3A_233 = tpu.memref_slice %arg6[%rem3A_218, %dma_wait3A_232] : memref<3x128xi32, #tpu.memory_space<vmem>> -> memref<1x128xi32, #tpu.memory_space<vmem>>
        %dma_wait3A_234 = tpu.memref_squeeze %dma_wait3A_233 : memref<1x128xi32, #tpu.memory_space<vmem>> -> memref<128xi32, #tpu.memory_space<vmem>>
        %dma_wait3A_235 = tpu.memref_slice %arg3[%mul3A_225] : memref<320000xi32, #tpu.memory_space<hbm>> -> memref<128xi32, #tpu.memory_space<hbm>>
        tpu.wait_dma2 semaphore(%dma_wait3A_231 : memref<!tpu.dma_semaphore, #tpu.memory_space<semaphore_mem>>) src(%dma_wait3A_235 : memref<128xi32, #tpu.memory_space<hbm>>) dst(%dma_wait3A_234 : memref<128xi32, #tpu.memory_space<vmem>>)
        %add3A_236 = arith.constant 1 : i32
        %add3A_237 = arith.addi %while3A_155, %add3A_236 : i32
        %dma_start3A_238 = arith.constant 0 : i32
        %dma_start3A_239 = arith.constant 0 : i32
        %dma_start3A_240 = tpu.memref_slice %arg8[%rem3A_218, %dma_start3A_238, %dma_start3A_239] : memref<3x128x128xf32, #tpu.memory_space<vmem>> -> memref<1x128x128xf32, #tpu.memory_space<vmem>>
        %dma_start3A_241 = tpu.memref_squeeze %dma_start3A_240 : memref<1x128x128xf32, #tpu.memory_space<vmem>> -> memref<128x128xf32, #tpu.memory_space<vmem>>
        %dma_start3A_242 = arith.constant 0 : i32
        %dma_start3A_243 = tpu.memref_slice %arg6[%rem3A_218, %dma_start3A_242] : memref<3x128xi32, #tpu.memory_space<vmem>> -> memref<1x128xi32, #tpu.memory_space<vmem>>
        %dma_start3A_244 = tpu.memref_squeeze %dma_start3A_243 : memref<1x128xi32, #tpu.memory_space<vmem>> -> memref<128xi32, #tpu.memory_space<vmem>>
        %dma_start3A_245 = arith.constant 0 : i32
        %dma_start3A_246 = arith.constant 0 : i32
        %dma_start3A_247 = tpu.memref_slice %arg2[%dma_start3A_245, %dma_start3A_246] : memref<10000x128xf32, #tpu.memory_space<hbm>> -> memref<10000x128xf32, #tpu.memory_space<hbm>>
        %dma_start3A_248 = tpu.memref_slice %arg12[%rem3A_218] : memref<3x!tpu.dma_semaphore, #tpu.memory_space<semaphore_mem>> -> memref<1x!tpu.dma_semaphore, #tpu.memory_space<semaphore_mem>>
        %dma_start3A_249 = tpu.memref_squeeze %dma_start3A_248 : memref<1x!tpu.dma_semaphore, #tpu.memory_space<semaphore_mem>> -> memref<!tpu.dma_semaphore, #tpu.memory_space<semaphore_mem>>
        tpu.enqueue_indirect_dma source(%dma_start3A_247 : memref<10000x128xf32, #tpu.memory_space<hbm>>) target(%dma_start3A_241 : memref<128x128xf32, #tpu.memory_space<vmem>>) offsets(%dma_start3A_244 : memref<128xi32, #tpu.memory_space<vmem>>) semaphore(%dma_start3A_249 : memref<!tpu.dma_semaphore, #tpu.memory_space<semaphore_mem>>)
      } else {
      }
      %dma_wait3A_180 = arith.constant 0 : i32
      %dma_wait3A_181 = arith.constant 0 : i32
      %dma_wait3A_182 = tpu.memref_slice %arg8[%rem3A_158, %dma_wait3A_180, %dma_wait3A_181] : memref<3x128x128xf32, #tpu.memory_space<vmem>> -> memref<1x128x128xf32, #tpu.memory_space<vmem>>
      %dma_wait3A_183 = tpu.memref_squeeze %dma_wait3A_182 : memref<1x128x128xf32, #tpu.memory_space<vmem>> -> memref<128x128xf32, #tpu.memory_space<vmem>>
      %dma_wait3A_184 = arith.constant 0 : i32
      %dma_wait3A_185 = tpu.memref_slice %arg6[%rem3A_158, %dma_wait3A_184] : memref<3x128xi32, #tpu.memory_space<vmem>> -> memref<1x128xi32, #tpu.memory_space<vmem>>
      %dma_wait3A_186 = tpu.memref_squeeze %dma_wait3A_185 : memref<1x128xi32, #tpu.memory_space<vmem>> -> memref<128xi32, #tpu.memory_space<vmem>>
      %dma_wait3A_187 = arith.constant 0 : i32
      %dma_wait3A_188 = arith.constant 0 : i32
      %dma_wait3A_189 = tpu.memref_slice %arg2[%dma_wait3A_187, %dma_wait3A_188] : memref<10000x128xf32, #tpu.memory_space<hbm>> -> memref<10000x128xf32, #tpu.memory_space<hbm>>
      %dma_wait3A_190 = tpu.memref_slice %arg12[%rem3A_158] : memref<3x!tpu.dma_semaphore, #tpu.memory_space<semaphore_mem>> -> memref<1x!tpu.dma_semaphore, #tpu.memory_space<semaphore_mem>>
      %dma_wait3A_191 = tpu.memref_squeeze %dma_wait3A_190 : memref<1x!tpu.dma_semaphore, #tpu.memory_space<semaphore_mem>> -> memref<!tpu.dma_semaphore, #tpu.memory_space<semaphore_mem>>
      tpu.wait_indirect_dma semaphore(%dma_wait3A_191 : memref<!tpu.dma_semaphore, #tpu.memory_space<semaphore_mem>>) src(%dma_wait3A_189 : memref<10000x128xf32, #tpu.memory_space<hbm>>) dst(%dma_wait3A_183 : memref<128x128xf32, #tpu.memory_space<vmem>>)
      %dma_wait3A_192 = arith.constant 0 : i32
      %dma_wait3A_193 = tpu.memref_slice %arg7[%rem3A_160, %dma_wait3A_192] : memref<4x128xi32, #tpu.memory_space<vmem>> -> memref<1x128xi32, #tpu.memory_space<vmem>>
      %dma_wait3A_194 = tpu.memref_squeeze %dma_wait3A_193 : memref<1x128xi32, #tpu.memory_space<vmem>> -> memref<128xi32, #tpu.memory_space<vmem>>
      %dma_wait3A_195 = tpu.memref_slice %arg4[%mul3A_165] : memref<320000xi32, #tpu.memory_space<hbm>> -> memref<128xi32, #tpu.memory_space<hbm>>
      %dma_wait3A_196 = tpu.memref_slice %arg11[%rem3A_160] : memref<4x!tpu.dma_semaphore, #tpu.memory_space<semaphore_mem>> -> memref<1x!tpu.dma_semaphore, #tpu.memory_space<semaphore_mem>>
      %dma_wait3A_197 = tpu.memref_squeeze %dma_wait3A_196 : memref<1x!tpu.dma_semaphore, #tpu.memory_space<semaphore_mem>> -> memref<!tpu.dma_semaphore, #tpu.memory_space<semaphore_mem>>
      %dma_wait3A_198 = arith.constant 0 : i32
      %dma_wait3A_199 = tpu.memref_slice %arg7[%rem3A_160, %dma_wait3A_198] : memref<4x128xi32, #tpu.memory_space<vmem>> -> memref<1x128xi32, #tpu.memory_space<vmem>>
      %dma_wait3A_200 = tpu.memref_squeeze %dma_wait3A_199 : memref<1x128xi32, #tpu.memory_space<vmem>> -> memref<128xi32, #tpu.memory_space<vmem>>
      %dma_wait3A_201 = tpu.memref_slice %arg4[%mul3A_165] : memref<320000xi32, #tpu.memory_space<hbm>> -> memref<128xi32, #tpu.memory_space<hbm>>
      tpu.wait_dma2 semaphore(%dma_wait3A_197 : memref<!tpu.dma_semaphore, #tpu.memory_space<semaphore_mem>>) src(%dma_wait3A_201 : memref<128xi32, #tpu.memory_space<hbm>>) dst(%dma_wait3A_200 : memref<128xi32, #tpu.memory_space<vmem>>)
      %dma_start3A_202 = arith.constant 0 : i32
      %dma_start3A_203 = arith.constant 0 : i32
      %dma_start3A_204 = tpu.memref_slice %arg8[%rem3A_158, %dma_start3A_202, %dma_start3A_203] : memref<3x128x128xf32, #tpu.memory_space<vmem>> -> memref<1x128x128xf32, #tpu.memory_space<vmem>>
      %dma_start3A_205 = tpu.memref_squeeze %dma_start3A_204 : memref<1x128x128xf32, #tpu.memory_space<vmem>> -> memref<128x128xf32, #tpu.memory_space<vmem>>
      %dma_start3A_206 = arith.constant 0 : i32
      %dma_start3A_207 = tpu.memref_slice %arg7[%rem3A_160, %dma_start3A_206] : memref<4x128xi32, #tpu.memory_space<vmem>> -> memref<1x128xi32, #tpu.memory_space<vmem>>
      %dma_start3A_208 = tpu.memref_squeeze %dma_start3A_207 : memref<1x128xi32, #tpu.memory_space<vmem>> -> memref<128xi32, #tpu.memory_space<vmem>>
      %dma_start3A_209 = arith.constant 0 : i32
      %dma_start3A_210 = arith.constant 0 : i32
      %dma_start3A_211 = tpu.memref_slice %arg9[%dma_start3A_209, %dma_start3A_210] : memref<10112x128xf32, #tpu.memory_space<vmem_shared>> -> memref<10112x128xf32, #tpu.memory_space<vmem_shared>>
      %dma_start3A_212 = tpu.memref_slice %arg13[%rem3A_160] : memref<4x!tpu.dma_semaphore, #tpu.memory_space<semaphore_mem>> -> memref<1x!tpu.dma_semaphore, #tpu.memory_space<semaphore_mem>>
      %dma_start3A_213 = tpu.memref_squeeze %dma_start3A_212 : memref<1x!tpu.dma_semaphore, #tpu.memory_space<semaphore_mem>> -> memref<!tpu.dma_semaphore, #tpu.memory_space<semaphore_mem>>
      tpu.enqueue_indirect_dma source(%dma_start3A_205 : memref<128x128xf32, #tpu.memory_space<vmem>>) target(%dma_start3A_211 : memref<10112x128xf32, #tpu.memory_space<vmem_shared>>) offsets(%dma_start3A_208 : memref<128xi32, #tpu.memory_space<vmem>>) semaphore(%dma_start3A_213 : memref<!tpu.dma_semaphore, #tpu.memory_space<semaphore_mem>>) {add = true}
      %while3A_214 = arith.constant 0 : i32
      scf.yield %while3A_214 : i32
    }
    %while3A_110 = arith.constant 1 : i32
    %while3A_111 = scf.for %while3A_155 = %while3A_107 to %while3A_103 step %while3A_110 iter_args(%while3A_156 = %while3A_109) -> (i32)  : i32 {
      %rem3A_157 = arith.constant 3 : i32
      %rem3A_158 = arith.remsi %while3A_155, %rem3A_157 : i32
      %rem3A_159 = arith.constant 4 : i32
      %rem3A_160 = arith.remsi %while3A_155, %rem3A_159 : i32
      %mul3A_161 = arith.constant 32 : i32
      %mul3A_162 = arith.muli %while3A_155, %mul3A_161 : i32
      %add3A_163 = arith.addi %add3A, %mul3A_162 : i32
      %mul3A_164 = arith.constant 128 : i32
      %mul3A_165 = arith.muli %add3A_163, %mul3A_164 : i32
      %ge3A = arith.constant 2 : i32
      %ge3A_166 = arith.cmpi sge, %while3A_155, %ge3A : i32
      %convert_element_type3A = arith.extui %ge3A_166 : i1 to i32
      %cond3A = arith.constant 0 : i32
      %cond3A_167 = arith.cmpi ne, %convert_element_type3A, %cond3A : i32
      scf.if %cond3A_167 {
        %sub3A_215 = arith.constant 2 : i32
        %sub3A_216 = arith.subi %while3A_155, %sub3A_215 : i32
        %rem3A_217 = arith.constant 3 : i32
        %rem3A_218 = arith.remsi %sub3A_216, %rem3A_217 : i32
        %sub3A_219 = arith.constant 2 : i32
        %sub3A_220 = arith.subi %while3A_155, %sub3A_219 : i32
        %rem3A_221 = arith.constant 4 : i32
        %rem3A_222 = arith.remsi %sub3A_220, %rem3A_221 : i32
        %sub3A_223 = arith.constant 2 : i32
        %sub3A_224 = arith.subi %while3A_155, %sub3A_223 : i32
        %rem3A_225 = arith.constant 4 : i32
        %rem3A_226 = arith.remsi %sub3A_224, %rem3A_225 : i32
        %dma_wait3A_227 = arith.constant 0 : i32
        %dma_wait3A_228 = arith.constant 0 : i32
        %dma_wait3A_229 = tpu.memref_slice %arg8[%rem3A_218, %dma_wait3A_227, %dma_wait3A_228] : memref<3x128x128xf32, #tpu.memory_space<vmem>> -> memref<1x128x128xf32, #tpu.memory_space<vmem>>
        %dma_wait3A_230 = tpu.memref_squeeze %dma_wait3A_229 : memref<1x128x128xf32, #tpu.memory_space<vmem>> -> memref<128x128xf32, #tpu.memory_space<vmem>>
        %dma_wait3A_231 = arith.constant 0 : i32
        %dma_wait3A_232 = tpu.memref_slice %arg7[%rem3A_222, %dma_wait3A_231] : memref<4x128xi32, #tpu.memory_space<vmem>> -> memref<1x128xi32, #tpu.memory_space<vmem>>
        %dma_wait3A_233 = tpu.memref_squeeze %dma_wait3A_232 : memref<1x128xi32, #tpu.memory_space<vmem>> -> memref<128xi32, #tpu.memory_space<vmem>>
        %dma_wait3A_234 = arith.constant 0 : i32
        %dma_wait3A_235 = arith.constant 0 : i32
        %dma_wait3A_236 = tpu.memref_slice %arg9[%dma_wait3A_234, %dma_wait3A_235] : memref<10112x128xf32, #tpu.memory_space<vmem_shared>> -> memref<10112x128xf32, #tpu.memory_space<vmem_shared>>
        %dma_wait3A_237 = tpu.memref_slice %arg13[%rem3A_226] : memref<4x!tpu.dma_semaphore, #tpu.memory_space<semaphore_mem>> -> memref<1x!tpu.dma_semaphore, #tpu.memory_space<semaphore_mem>>
        %dma_wait3A_238 = tpu.memref_squeeze %dma_wait3A_237 : memref<1x!tpu.dma_semaphore, #tpu.memory_space<semaphore_mem>> -> memref<!tpu.dma_semaphore, #tpu.memory_space<semaphore_mem>>
        tpu.wait_indirect_dma semaphore(%dma_wait3A_238 : memref<!tpu.dma_semaphore, #tpu.memory_space<semaphore_mem>>) src(%dma_wait3A_230 : memref<128x128xf32, #tpu.memory_space<vmem>>) dst(%dma_wait3A_236 : memref<10112x128xf32, #tpu.memory_space<vmem_shared>>)
      } else {
      }
      %add3A_168 = arith.constant 2 : i32
      %add3A_169 = arith.addi %while3A_155, %add3A_168 : i32
      %lt3A_170 = arith.cmpi slt, %add3A_169, %select_n3A : i32
      %convert_element_type3A_171 = arith.extui %lt3A_170 : i1 to i32
      %cond3A_172 = arith.constant 0 : i32
      %cond3A_173 = arith.cmpi ne, %convert_element_type3A_171, %cond3A_172 : i32
      scf.if %cond3A_173 {
        %add3A_215 = arith.constant 2 : i32
        %add3A_216 = arith.addi %while3A_155, %add3A_215 : i32
        %add3A_217 = arith.constant 2 : i32
        %add3A_218 = arith.addi %while3A_155, %add3A_217 : i32
        %rem3A_219 = arith.constant 3 : i32
        %rem3A_220 = arith.remsi %add3A_218, %rem3A_219 : i32
        %add3A_221 = arith.constant 2 : i32
        %add3A_222 = arith.addi %while3A_155, %add3A_221 : i32
        %rem3A_223 = arith.constant 4 : i32
        %rem3A_224 = arith.remsi %add3A_222, %rem3A_223 : i32
        %mul3A_225 = arith.constant 32 : i32
        %mul3A_226 = arith.muli %add3A_216, %mul3A_225 : i32
        %add3A_227 = arith.addi %add3A, %mul3A_226 : i32
        %mul3A_228 = arith.constant 128 : i32
        %mul3A_229 = arith.muli %add3A_227, %mul3A_228 : i32
        %dma_start3A_230 = arith.constant 0 : i32
        %dma_start3A_231 = tpu.memref_slice %arg6[%rem3A_220, %dma_start3A_230] : memref<3x128xi32, #tpu.memory_space<vmem>> -> memref<1x128xi32, #tpu.memory_space<vmem>>
        %dma_start3A_232 = tpu.memref_squeeze %dma_start3A_231 : memref<1x128xi32, #tpu.memory_space<vmem>> -> memref<128xi32, #tpu.memory_space<vmem>>
        %dma_start3A_233 = tpu.memref_slice %arg3[%mul3A_229] : memref<320000xi32, #tpu.memory_space<hbm>> -> memref<128xi32, #tpu.memory_space<hbm>>
        %dma_start3A_234 = tpu.memref_slice %arg10[%rem3A_220] : memref<3x!tpu.dma_semaphore, #tpu.memory_space<semaphore_mem>> -> memref<1x!tpu.dma_semaphore, #tpu.memory_space<semaphore_mem>>
        %dma_start3A_235 = tpu.memref_squeeze %dma_start3A_234 : memref<1x!tpu.dma_semaphore, #tpu.memory_space<semaphore_mem>> -> memref<!tpu.dma_semaphore, #tpu.memory_space<semaphore_mem>>
        %dma_start3A_236 = arith.constant 0 : i32
        %dma_start3A_237 = tpu.memref_slice %arg6[%rem3A_220, %dma_start3A_236] : memref<3x128xi32, #tpu.memory_space<vmem>> -> memref<1x128xi32, #tpu.memory_space<vmem>>
        %dma_start3A_238 = tpu.memref_squeeze %dma_start3A_237 : memref<1x128xi32, #tpu.memory_space<vmem>> -> memref<128xi32, #tpu.memory_space<vmem>>
        %dma_start3A_239 = tpu.memref_slice %arg3[%mul3A_229] : memref<320000xi32, #tpu.memory_space<hbm>> -> memref<128xi32, #tpu.memory_space<hbm>>
        tpu.enqueue_dma source(%dma_start3A_239 : memref<128xi32, #tpu.memory_space<hbm>>) target(%dma_start3A_238 : memref<128xi32, #tpu.memory_space<vmem>>) target_semaphore(%dma_start3A_235 : memref<!tpu.dma_semaphore, #tpu.memory_space<semaphore_mem>>)
        %dma_start3A_240 = arith.constant 0 : i32
        %dma_start3A_241 = tpu.memref_slice %arg7[%rem3A_224, %dma_start3A_240] : memref<4x128xi32, #tpu.memory_space<vmem>> -> memref<1x128xi32, #tpu.memory_space<vmem>>
        %dma_start3A_242 = tpu.memref_squeeze %dma_start3A_241 : memref<1x128xi32, #tpu.memory_space<vmem>> -> memref<128xi32, #tpu.memory_space<vmem>>
        %dma_start3A_243 = tpu.memref_slice %arg4[%mul3A_229] : memref<320000xi32, #tpu.memory_space<hbm>> -> memref<128xi32, #tpu.memory_space<hbm>>
        %dma_start3A_244 = tpu.memref_slice %arg11[%rem3A_224] : memref<4x!tpu.dma_semaphore, #tpu.memory_space<semaphore_mem>> -> memref<1x!tpu.dma_semaphore, #tpu.memory_space<semaphore_mem>>
        %dma_start3A_245 = tpu.memref_squeeze %dma_start3A_244 : memref<1x!tpu.dma_semaphore, #tpu.memory_space<semaphore_mem>> -> memref<!tpu.dma_semaphore, #tpu.memory_space<semaphore_mem>>
        %dma_start3A_246 = arith.constant 0 : i32
        %dma_start3A_247 = tpu.memref_slice %arg7[%rem3A_224, %dma_start3A_246] : memref<4x128xi32, #tpu.memory_space<vmem>> -> memref<1x128xi32, #tpu.memory_space<vmem>>
        %dma_start3A_248 = tpu.memref_squeeze %dma_start3A_247 : memref<1x128xi32, #tpu.memory_space<vmem>> -> memref<128xi32, #tpu.memory_space<vmem>>
        %dma_start3A_249 = tpu.memref_slice %arg4[%mul3A_229] : memref<320000xi32, #tpu.memory_space<hbm>> -> memref<128xi32, #tpu.memory_space<hbm>>
        tpu.enqueue_dma source(%dma_start3A_249 : memref<128xi32, #tpu.memory_space<hbm>>) target(%dma_start3A_248 : memref<128xi32, #tpu.memory_space<vmem>>) target_semaphore(%dma_start3A_245 : memref<!tpu.dma_semaphore, #tpu.memory_space<semaphore_mem>>)
      } else {
      }
      %add3A_174 = arith.constant 1 : i32
      %add3A_175 = arith.addi %while3A_155, %add3A_174 : i32
      %lt3A_176 = arith.cmpi slt, %add3A_175, %select_n3A : i32
      %convert_element_type3A_177 = arith.extui %lt3A_176 : i1 to i32
      %cond3A_178 = arith.constant 0 : i32
      %cond3A_179 = arith.cmpi ne, %convert_element_type3A_177, %cond3A_178 : i32
      scf.if %cond3A_179 {
        %add3A_215 = arith.constant 1 : i32
        %add3A_216 = arith.addi %while3A_155, %add3A_215 : i32
        %rem3A_217 = arith.constant 3 : i32
        %rem3A_218 = arith.remsi %add3A_216, %rem3A_217 : i32
        %add3A_219 = arith.constant 1 : i32
        %add3A_220 = arith.addi %while3A_155, %add3A_219 : i32
        %mul3A_221 = arith.constant 32 : i32
        %mul3A_222 = arith.muli %add3A_220, %mul3A_221 : i32
        %add3A_223 = arith.addi %add3A, %mul3A_222 : i32
        %mul3A_224 = arith.constant 128 : i32
        %mul3A_225 = arith.muli %add3A_223, %mul3A_224 : i32
        %dma_wait3A_226 = arith.constant 0 : i32
        %dma_wait3A_227 = tpu.memref_slice %arg6[%rem3A_218, %dma_wait3A_226] : memref<3x128xi32, #tpu.memory_space<vmem>> -> memref<1x128xi32, #tpu.memory_space<vmem>>
        %dma_wait3A_228 = tpu.memref_squeeze %dma_wait3A_227 : memref<1x128xi32, #tpu.memory_space<vmem>> -> memref<128xi32, #tpu.memory_space<vmem>>
        %dma_wait3A_229 = tpu.memref_slice %arg3[%mul3A_225] : memref<320000xi32, #tpu.memory_space<hbm>> -> memref<128xi32, #tpu.memory_space<hbm>>
        %dma_wait3A_230 = tpu.memref_slice %arg10[%rem3A_218] : memref<3x!tpu.dma_semaphore, #tpu.memory_space<semaphore_mem>> -> memref<1x!tpu.dma_semaphore, #tpu.memory_space<semaphore_mem>>
        %dma_wait3A_231 = tpu.memref_squeeze %dma_wait3A_230 : memref<1x!tpu.dma_semaphore, #tpu.memory_space<semaphore_mem>> -> memref<!tpu.dma_semaphore, #tpu.memory_space<semaphore_mem>>
        %dma_wait3A_232 = arith.constant 0 : i32
        %dma_wait3A_233 = tpu.memref_slice %arg6[%rem3A_218, %dma_wait3A_232] : memref<3x128xi32, #tpu.memory_space<vmem>> -> memref<1x128xi32, #tpu.memory_space<vmem>>
        %dma_wait3A_234 = tpu.memref_squeeze %dma_wait3A_233 : memref<1x128xi32, #tpu.memory_space<vmem>> -> memref<128xi32, #tpu.memory_space<vmem>>
        %dma_wait3A_235 = tpu.memref_slice %arg3[%mul3A_225] : memref<320000xi32, #tpu.memory_space<hbm>> -> memref<128xi32, #tpu.memory_space<hbm>>
        tpu.wait_dma2 semaphore(%dma_wait3A_231 : memref<!tpu.dma_semaphore, #tpu.memory_space<semaphore_mem>>) src(%dma_wait3A_235 : memref<128xi32, #tpu.memory_space<hbm>>) dst(%dma_wait3A_234 : memref<128xi32, #tpu.memory_space<vmem>>)
        %add3A_236 = arith.constant 1 : i32
        %add3A_237 = arith.addi %while3A_155, %add3A_236 : i32
        %dma_start3A_238 = arith.constant 0 : i32
        %dma_start3A_239 = arith.constant 0 : i32
        %dma_start3A_240 = tpu.memref_slice %arg8[%rem3A_218, %dma_start3A_238, %dma_start3A_239] : memref<3x128x128xf32, #tpu.memory_space<vmem>> -> memref<1x128x128xf32, #tpu.memory_space<vmem>>
        %dma_start3A_241 = tpu.memref_squeeze %dma_start3A_240 : memref<1x128x128xf32, #tpu.memory_space<vmem>> -> memref<128x128xf32, #tpu.memory_space<vmem>>
        %dma_start3A_242 = arith.constant 0 : i32
        %dma_start3A_243 = tpu.memref_slice %arg6[%rem3A_218, %dma_start3A_242] : memref<3x128xi32, #tpu.memory_space<vmem>> -> memref<1x128xi32, #tpu.memory_space<vmem>>
        %dma_start3A_244 = tpu.memref_squeeze %dma_start3A_243 : memref<1x128xi32, #tpu.memory_space<vmem>> -> memref<128xi32, #tpu.memory_space<vmem>>
        %dma_start3A_245 = arith.constant 0 : i32
        %dma_start3A_246 = arith.constant 0 : i32
        %dma_start3A_247 = tpu.memref_slice %arg2[%dma_start3A_245, %dma_start3A_246] : memref<10000x128xf32, #tpu.memory_space<hbm>> -> memref<10000x128xf32, #tpu.memory_space<hbm>>
        %dma_start3A_248 = tpu.memref_slice %arg12[%rem3A_218] : memref<3x!tpu.dma_semaphore, #tpu.memory_space<semaphore_mem>> -> memref<1x!tpu.dma_semaphore, #tpu.memory_space<semaphore_mem>>
        %dma_start3A_249 = tpu.memref_squeeze %dma_start3A_248 : memref<1x!tpu.dma_semaphore, #tpu.memory_space<semaphore_mem>> -> memref<!tpu.dma_semaphore, #tpu.memory_space<semaphore_mem>>
        tpu.enqueue_indirect_dma source(%dma_start3A_247 : memref<10000x128xf32, #tpu.memory_space<hbm>>) target(%dma_start3A_241 : memref<128x128xf32, #tpu.memory_space<vmem>>) offsets(%dma_start3A_244 : memref<128xi32, #tpu.memory_space<vmem>>) semaphore(%dma_start3A_249 : memref<!tpu.dma_semaphore, #tpu.memory_space<semaphore_mem>>)
      } else {
      }
      %dma_wait3A_180 = arith.constant 0 : i32
      %dma_wait3A_181 = arith.constant 0 : i32
      %dma_wait3A_182 = tpu.memref_slice %arg8[%rem3A_158, %dma_wait3A_180, %dma_wait3A_181] : memref<3x128x128xf32, #tpu.memory_space<vmem>> -> memref<1x128x128xf32, #tpu.memory_space<vmem>>
      %dma_wait3A_183 = tpu.memref_squeeze %dma_wait3A_182 : memref<1x128x128xf32, #tpu.memory_space<vmem>> -> memref<128x128xf32, #tpu.memory_space<vmem>>
      %dma_wait3A_184 = arith.constant 0 : i32
      %dma_wait3A_185 = tpu.memref_slice %arg6[%rem3A_158, %dma_wait3A_184] : memref<3x128xi32, #tpu.memory_space<vmem>> -> memref<1x128xi32, #tpu.memory_space<vmem>>
      %dma_wait3A_186 = tpu.memref_squeeze %dma_wait3A_185 : memref<1x128xi32, #tpu.memory_space<vmem>> -> memref<128xi32, #tpu.memory_space<vmem>>
      %dma_wait3A_187 = arith.constant 0 : i32
      %dma_wait3A_188 = arith.constant 0 : i32
      %dma_wait3A_189 = tpu.memref_slice %arg2[%dma_wait3A_187, %dma_wait3A_188] : memref<10000x128xf32, #tpu.memory_space<hbm>> -> memref<10000x128xf32, #tpu.memory_space<hbm>>
      %dma_wait3A_190 = tpu.memref_slice %arg12[%rem3A_158] : memref<3x!tpu.dma_semaphore, #tpu.memory_space<semaphore_mem>> -> memref<1x!tpu.dma_semaphore, #tpu.memory_space<semaphore_mem>>
      %dma_wait3A_191 = tpu.memref_squeeze %dma_wait3A_190 : memref<1x!tpu.dma_semaphore, #tpu.memory_space<semaphore_mem>> -> memref<!tpu.dma_semaphore, #tpu.memory_space<semaphore_mem>>
      tpu.wait_indirect_dma semaphore(%dma_wait3A_191 : memref<!tpu.dma_semaphore, #tpu.memory_space<semaphore_mem>>) src(%dma_wait3A_189 : memref<10000x128xf32, #tpu.memory_space<hbm>>) dst(%dma_wait3A_183 : memref<128x128xf32, #tpu.memory_space<vmem>>)
      %dma_wait3A_192 = arith.constant 0 : i32
      %dma_wait3A_193 = tpu.memref_slice %arg7[%rem3A_160, %dma_wait3A_192] : memref<4x128xi32, #tpu.memory_space<vmem>> -> memref<1x128xi32, #tpu.memory_space<vmem>>
      %dma_wait3A_194 = tpu.memref_squeeze %dma_wait3A_193 : memref<1x128xi32, #tpu.memory_space<vmem>> -> memref<128xi32, #tpu.memory_space<vmem>>
      %dma_wait3A_195 = tpu.memref_slice %arg4[%mul3A_165] : memref<320000xi32, #tpu.memory_space<hbm>> -> memref<128xi32, #tpu.memory_space<hbm>>
      %dma_wait3A_196 = tpu.memref_slice %arg11[%rem3A_160] : memref<4x!tpu.dma_semaphore, #tpu.memory_space<semaphore_mem>> -> memref<1x!tpu.dma_semaphore, #tpu.memory_space<semaphore_mem>>
      %dma_wait3A_197 = tpu.memref_squeeze %dma_wait3A_196 : memref<1x!tpu.dma_semaphore, #tpu.memory_space<semaphore_mem>> -> memref<!tpu.dma_semaphore, #tpu.memory_space<semaphore_mem>>
      %dma_wait3A_198 = arith.constant 0 : i32
      %dma_wait3A_199 = tpu.memref_slice %arg7[%rem3A_160, %dma_wait3A_198] : memref<4x128xi32, #tpu.memory_space<vmem>> -> memref<1x128xi32, #tpu.memory_space<vmem>>
      %dma_wait3A_200 = tpu.memref_squeeze %dma_wait3A_199 : memref<1x128xi32, #tpu.memory_space<vmem>> -> memref<128xi32, #tpu.memory_space<vmem>>
      %dma_wait3A_201 = tpu.memref_slice %arg4[%mul3A_165] : memref<320000xi32, #tpu.memory_space<hbm>> -> memref<128xi32, #tpu.memory_space<hbm>>
      tpu.wait_dma2 semaphore(%dma_wait3A_197 : memref<!tpu.dma_semaphore, #tpu.memory_space<semaphore_mem>>) src(%dma_wait3A_201 : memref<128xi32, #tpu.memory_space<hbm>>) dst(%dma_wait3A_200 : memref<128xi32, #tpu.memory_space<vmem>>)
      %dma_start3A_202 = arith.constant 0 : i32
      %dma_start3A_203 = arith.constant 0 : i32
      %dma_start3A_204 = tpu.memref_slice %arg8[%rem3A_158, %dma_start3A_202, %dma_start3A_203] : memref<3x128x128xf32, #tpu.memory_space<vmem>> -> memref<1x128x128xf32, #tpu.memory_space<vmem>>
      %dma_start3A_205 = tpu.memref_squeeze %dma_start3A_204 : memref<1x128x128xf32, #tpu.memory_space<vmem>> -> memref<128x128xf32, #tpu.memory_space<vmem>>
      %dma_start3A_206 = arith.constant 0 : i32
      %dma_start3A_207 = tpu.memref_slice %arg7[%rem3A_160, %dma_start3A_206] : memref<4x128xi32, #tpu.memory_space<vmem>> -> memref<1x128xi32, #tpu.memory_space<vmem>>
      %dma_start3A_208 = tpu.memref_squeeze %dma_start3A_207 : memref<1x128xi32, #tpu.memory_space<vmem>> -> memref<128xi32, #tpu.memory_space<vmem>>
      %dma_start3A_209 = arith.constant 0 : i32
      %dma_start3A_210 = arith.constant 0 : i32
      %dma_start3A_211 = tpu.memref_slice %arg9[%dma_start3A_209, %dma_start3A_210] : memref<10112x128xf32, #tpu.memory_space<vmem_shared>> -> memref<10112x128xf32, #tpu.memory_space<vmem_shared>>
      %dma_start3A_212 = tpu.memref_slice %arg13[%rem3A_160] : memref<4x!tpu.dma_semaphore, #tpu.memory_space<semaphore_mem>> -> memref<1x!tpu.dma_semaphore, #tpu.memory_space<semaphore_mem>>
      %dma_start3A_213 = tpu.memref_squeeze %dma_start3A_212 : memref<1x!tpu.dma_semaphore, #tpu.memory_space<semaphore_mem>> -> memref<!tpu.dma_semaphore, #tpu.memory_space<semaphore_mem>>
      tpu.enqueue_indirect_dma source(%dma_start3A_205 : memref<128x128xf32, #tpu.memory_space<vmem>>) target(%dma_start3A_211 : memref<10112x128xf32, #tpu.memory_space<vmem_shared>>) offsets(%dma_start3A_208 : memref<128xi32, #tpu.memory_space<vmem>>) semaphore(%dma_start3A_213 : memref<!tpu.dma_semaphore, #tpu.memory_space<semaphore_mem>>) {add = true}
      %while3A_214 = arith.constant 0 : i32
      scf.yield %while3A_214 : i32
    }
    %sub3A = arith.constant 2 : i32
    %sub3A_112 = arith.subi %select_n3A, %sub3A : i32
    %rem3A = arith.constant 4 : i32
    %rem3A_113 = arith.remsi %sub3A_112, %rem3A : i32
    %sub3A_114 = arith.constant 2 : i32
    %sub3A_115 = arith.subi %select_n3A, %sub3A_114 : i32
    %rem3A_116 = arith.constant 3 : i32
    %rem3A_117 = arith.remsi %sub3A_115, %rem3A_116 : i32
    %dma_wait3A_118 = arith.constant 0 : i32
    %dma_wait3A_119 = arith.constant 0 : i32
    %dma_wait3A_120 = tpu.memref_slice %arg8[%rem3A_117, %dma_wait3A_118, %dma_wait3A_119] : memref<3x128x128xf32, #tpu.memory_space<vmem>> -> memref<1x128x128xf32, #tpu.memory_space<vmem>>
    %dma_wait3A_121 = tpu.memref_squeeze %dma_wait3A_120 : memref<1x128x128xf32, #tpu.memory_space<vmem>> -> memref<128x128xf32, #tpu.memory_space<vmem>>
    %dma_wait3A_122 = arith.constant 0 : i32
    %dma_wait3A_123 = tpu.memref_slice %arg7[%rem3A_113, %dma_wait3A_122] : memref<4x128xi32, #tpu.memory_space<vmem>> -> memref<1x128xi32, #tpu.memory_space<vmem>>
    %dma_wait3A_124 = tpu.memref_squeeze %dma_wait3A_123 : memref<1x128xi32, #tpu.memory_space<vmem>> -> memref<128xi32, #tpu.memory_space<vmem>>
    %dma_wait3A_125 = arith.constant 0 : i32
    %dma_wait3A_126 = arith.constant 0 : i32
    %dma_wait3A_127 = tpu.memref_slice %arg9[%dma_wait3A_125, %dma_wait3A_126] : memref<10112x128xf32, #tpu.memory_space<vmem_shared>> -> memref<10112x128xf32, #tpu.memory_space<vmem_shared>>
    %dma_wait3A_128 = tpu.memref_slice %arg13[%rem3A_113] : memref<4x!tpu.dma_semaphore, #tpu.memory_space<semaphore_mem>> -> memref<1x!tpu.dma_semaphore, #tpu.memory_space<semaphore_mem>>
    %dma_wait3A_129 = tpu.memref_squeeze %dma_wait3A_128 : memref<1x!tpu.dma_semaphore, #tpu.memory_space<semaphore_mem>> -> memref<!tpu.dma_semaphore, #tpu.memory_space<semaphore_mem>>
    tpu.wait_indirect_dma semaphore(%dma_wait3A_129 : memref<!tpu.dma_semaphore, #tpu.memory_space<semaphore_mem>>) src(%dma_wait3A_121 : memref<128x128xf32, #tpu.memory_space<vmem>>) dst(%dma_wait3A_127 : memref<10112x128xf32, #tpu.memory_space<vmem_shared>>)
    %sub3A_130 = arith.constant 1 : i32
    %sub3A_131 = arith.subi %select_n3A, %sub3A_130 : i32
    %rem3A_132 = arith.constant 4 : i32
    %rem3A_133 = arith.remsi %sub3A_131, %rem3A_132 : i32
    %sub3A_134 = arith.constant 1 : i32
    %sub3A_135 = arith.subi %select_n3A, %sub3A_134 : i32
    %rem3A_136 = arith.constant 3 : i32
    %rem3A_137 = arith.remsi %sub3A_135, %rem3A_136 : i32
    %dma_wait3A_138 = arith.constant 0 : i32
    %dma_wait3A_139 = arith.constant 0 : i32
    %dma_wait3A_140 = tpu.memref_slice %arg8[%rem3A_137, %dma_wait3A_138, %dma_wait3A_139] : memref<3x128x128xf32, #tpu.memory_space<vmem>> -> memref<1x128x128xf32, #tpu.memory_space<vmem>>
    %dma_wait3A_141 = tpu.memref_squeeze %dma_wait3A_140 : memref<1x128x128xf32, #tpu.memory_space<vmem>> -> memref<128x128xf32, #tpu.memory_space<vmem>>
    %dma_wait3A_142 = arith.constant 0 : i32
    %dma_wait3A_143 = tpu.memref_slice %arg7[%rem3A_133, %dma_wait3A_142] : memref<4x128xi32, #tpu.memory_space<vmem>> -> memref<1x128xi32, #tpu.memory_space<vmem>>
    %dma_wait3A_144 = tpu.memref_squeeze %dma_wait3A_143 : memref<1x128xi32, #tpu.memory_space<vmem>> -> memref<128xi32, #tpu.memory_space<vmem>>
    %dma_wait3A_145 = arith.constant 0 : i32
    %dma_wait3A_146 = arith.constant 0 : i32
    %dma_wait3A_147 = tpu.memref_slice %arg9[%dma_wait3A_145, %dma_wait3A_146] : memref<10112x128xf32, #tpu.memory_space<vmem_shared>> -> memref<10112x128xf32, #tpu.memory_space<vmem_shared>>
    %dma_wait3A_148 = tpu.memref_slice %arg13[%rem3A_133] : memref<4x!tpu.dma_semaphore, #tpu.memory_space<semaphore_mem>> -> memref<1x!tpu.dma_semaphore, #tpu.memory_space<semaphore_mem>>
    %dma_wait3A_149 = tpu.memref_squeeze %dma_wait3A_148 : memref<1x!tpu.dma_semaphore, #tpu.memory_space<semaphore_mem>> -> memref<!tpu.dma_semaphore, #tpu.memory_space<semaphore_mem>>
    tpu.wait_indirect_dma semaphore(%dma_wait3A_149 : memref<!tpu.dma_semaphore, #tpu.memory_space<semaphore_mem>>) src(%dma_wait3A_141 : memref<128x128xf32, #tpu.memory_space<vmem>>) dst(%dma_wait3A_147 : memref<10112x128xf32, #tpu.memory_space<vmem_shared>>)
    %barrier3A_150 = arith.constant 0 : index
    tpu.barrier barrier_id(%barrier3A_150)
    %mul3A_151 = arith.constant 632 : i32
    %mul3A_152 = arith.muli %arg1, %mul3A_151 : i32
    %mul3A_153 = arith.constant 632 : i32
    %mul3A_154 = arith.muli %arg1, %mul3A_153 : i32
    "tpu.region"() ({
      %run_scoped3A = tpu.sem_alloc : memref<!tpu.dma_semaphore, #tpu.memory_space<semaphore_mem>>
      %dma_start3A_155 = arith.constant 0 : i32
      %dma_start3A_156 = tpu.memref_slice %arg5[%arg0, %mul3A_154, %dma_start3A_155] : memref<2x10112x128xf32, #tpu.memory_space<hbm>> -> memref<1x632x128xf32, #tpu.memory_space<hbm>>
      %dma_start3A_157 = tpu.memref_squeeze %dma_start3A_156 : memref<1x632x128xf32, #tpu.memory_space<hbm>> -> memref<632x128xf32, #tpu.memory_space<hbm>>
      %dma_start3A_158 = arith.constant 0 : i32
      %dma_start3A_159 = tpu.memref_slice %arg9[%mul3A_152, %dma_start3A_158] : memref<10112x128xf32, #tpu.memory_space<vmem_shared>> -> memref<632x128xf32, #tpu.memory_space<vmem_shared>>
      tpu.enqueue_dma source(%dma_start3A_159 : memref<632x128xf32, #tpu.memory_space<vmem_shared>>) target(%dma_start3A_157 : memref<632x128xf32, #tpu.memory_space<hbm>>) target_semaphore(%run_scoped3A : memref<!tpu.dma_semaphore, #tpu.memory_space<semaphore_mem>>)
      %dma_wait3A_160 = arith.constant 0 : i32
      %dma_wait3A_161 = tpu.memref_slice %arg5[%arg0, %mul3A_154, %dma_wait3A_160] : memref<2x10112x128xf32, #tpu.memory_space<hbm>> -> memref<1x632x128xf32, #tpu.memory_space<hbm>>
      %dma_wait3A_162 = tpu.memref_squeeze %dma_wait3A_161 : memref<1x632x128xf32, #tpu.memory_space<hbm>> -> memref<632x128xf32, #tpu.memory_space<hbm>>
      %dma_wait3A_163 = arith.constant 0 : i32
      %dma_wait3A_164 = tpu.memref_slice %arg9[%mul3A_152, %dma_wait3A_163] : memref<10112x128xf32, #tpu.memory_space<vmem_shared>> -> memref<632x128xf32, #tpu.memory_space<vmem_shared>>
      tpu.wait_dma2 semaphore(%run_scoped3A : memref<!tpu.dma_semaphore, #tpu.memory_space<semaphore_mem>>) src(%dma_wait3A_164 : memref<632x128xf32, #tpu.memory_space<vmem_shared>>) dst(%dma_wait3A_162 : memref<632x128xf32, #tpu.memory_space<hbm>>)
      tpu.yield
    }) : () -> ()
    return
  }
}

#map = affine_map<(d0, d1) -> (0, 0)>
#map1 = affine_map<(d0, d1) -> (0)>
#map2 = affine_map<(d0, d1) -> (0, 0, 0)>
module attributes {stable_mosaic.version = 14 : i64} {
  func.func @_seg_body(%arg0: i32, %arg1: i32, %arg2: memref<10000x128xf32, #tpu.memory_space<hbm>>, %arg3: memref<320000xi32, #tpu.memory_space<hbm>>, %arg4: memref<320000xi32, #tpu.memory_space<hbm>>, %arg5: memref<2x10112x128xf32, #tpu.memory_space<hbm>>, %arg6: memref<3x128xi32, #tpu.memory_space<vmem>>, %arg7: memref<4x128xi32, #tpu.memory_space<vmem>>, %arg8: memref<3x128x128xf32, #tpu.memory_space<vmem>>, %arg9: memref<10112x128xf32, #tpu.memory_space<vmem_shared>>, %arg10: memref<3x!tpu.dma_semaphore, #tpu.memory_space<semaphore_mem>>, %arg11: memref<4x!tpu.dma_semaphore, #tpu.memory_space<semaphore_mem>>, %arg12: memref<3x!tpu.dma_semaphore, #tpu.memory_space<semaphore_mem>>, %arg13: memref<4x!tpu.dma_semaphore, #tpu.memory_space<semaphore_mem>>) attributes {dimension_semantics = [#tpu.dimension_semantics<core_parallel>, #tpu.dimension_semantics<subcore_parallel>], iteration_bounds = array<i64: 2, 16>, scalar_prefetch = 0 : i64, scratch_operands = 8 : i64, tpu.core_type = #tpu.core_type<sc_vector_subcore>, window_params = [{transform_indices = #map}, {transform_indices = #map1}, {transform_indices = #map1}, {transform_indices = #map2}]} {
    %mul3A = arith.constant 16 : i32
    %mul3A_0 = arith.muli %arg0, %mul3A : i32
    %add3A = arith.addi %mul3A_0, %arg1 : i32
    %scan3A = arith.constant 0 : i32
    %scan3A_1 = arith.constant 0 : i32
    %scan3A_2 = arith.constant 79 : i32
    %scan3A_3 = arith.addi %scan3A_1, %scan3A_2 : i32
    %scan3A_4 = arith.constant 1 : i32
    %scan3A_5 = scf.for %scan3A_155 = %scan3A_1 to %scan3A_3 step %scan3A_4 iter_args(%scan3A_156 = %scan3A) -> (i32)  : i32 {
      %broadcast_in_dim3A = arith.constant 0.000000e+00 : f32
      %broadcast_in_dim3A_157 = vector.broadcast %broadcast_in_dim3A : f32 to vector<16xf32>
      %swap3A = arith.constant 0 : i32
      %swap3A_158 = arith.index_cast %swap3A : i32 to index
      %swap3A_159 = arith.index_cast %scan3A_155 : i32 to index
      %swap3A_160 = arith.constant 0 : index
      %swap3A_161 = tpu.vector_load %arg8[%swap3A_158, %swap3A_159, %swap3A_160] {strides = array<i32>} : memref<3x128x128xf32, #tpu.memory_space<vmem>>, vector<1x1x16xf32>,
      %swap3A_162 = vector.shape_cast %swap3A_161 : vector<1x1x16xf32> to vector<16xf32>
      %swap3A_163 = vector.shape_cast %broadcast_in_dim3A_157 : vector<16xf32> to vector<1x1x16xf32>
      tpu.vector_store %arg8[%swap3A_158, %swap3A_159, %swap3A_160], %swap3A_163 {strides = array<i32>} : memref<3x128x128xf32, #tpu.memory_space<vmem>>, vector<1x1x16xf32>,
      %broadcast_in_dim3A_164 = arith.constant 0.000000e+00 : f32
      %broadcast_in_dim3A_165 = vector.broadcast %broadcast_in_dim3A_164 : f32 to vector<16xf32>
      %swap3A_166 = arith.constant 0 : i32
      %swap3A_167 = arith.index_cast %swap3A_166 : i32 to index
      %swap3A_168 = arith.index_cast %scan3A_155 : i32 to index
      %swap3A_169 = arith.constant 16 : index
      %swap3A_170 = tpu.vector_load %arg8[%swap3A_167, %swap3A_168, %swap3A_169] {strides = array<i32>} : memref<3x128x128xf32, #tpu.memory_space<vmem>>, vector<1x1x16xf32>,
      %swap3A_171 = vector.shape_cast %swap3A_170 : vector<1x1x16xf32> to vector<16xf32>
      %swap3A_172 = vector.shape_cast %broadcast_in_dim3A_165 : vector<16xf32> to vector<1x1x16xf32>
      tpu.vector_store %arg8[%swap3A_167, %swap3A_168, %swap3A_169], %swap3A_172 {strides = array<i32>} : memref<3x128x128xf32, #tpu.memory_space<vmem>>, vector<1x1x16xf32>,
      %broadcast_in_dim3A_173 = arith.constant 0.000000e+00 : f32
      %broadcast_in_dim3A_174 = vector.broadcast %broadcast_in_dim3A_173 : f32 to vector<16xf32>
      %swap3A_175 = arith.constant 0 : i32
      %swap3A_176 = arith.index_cast %swap3A_175 : i32 to index
      %swap3A_177 = arith.index_cast %scan3A_155 : i32 to index
      %swap3A_178 = arith.constant 32 : index
      %swap3A_179 = tpu.vector_load %arg8[%swap3A_176, %swap3A_177, %swap3A_178] {strides = array<i32>} : memref<3x128x128xf32, #tpu.memory_space<vmem>>, vector<1x1x16xf32>,
      %swap3A_180 = vector.shape_cast %swap3A_179 : vector<1x1x16xf32> to vector<16xf32>
      %swap3A_181 = vector.shape_cast %broadcast_in_dim3A_174 : vector<16xf32> to vector<1x1x16xf32>
      tpu.vector_store %arg8[%swap3A_176, %swap3A_177, %swap3A_178], %swap3A_181 {strides = array<i32>} : memref<3x128x128xf32, #tpu.memory_space<vmem>>, vector<1x1x16xf32>,
      %broadcast_in_dim3A_182 = arith.constant 0.000000e+00 : f32
      %broadcast_in_dim3A_183 = vector.broadcast %broadcast_in_dim3A_182 : f32 to vector<16xf32>
      %swap3A_184 = arith.constant 0 : i32
      %swap3A_185 = arith.index_cast %swap3A_184 : i32 to index
      %swap3A_186 = arith.index_cast %scan3A_155 : i32 to index
      %swap3A_187 = arith.constant 48 : index
      %swap3A_188 = tpu.vector_load %arg8[%swap3A_185, %swap3A_186, %swap3A_187] {strides = array<i32>} : memref<3x128x128xf32, #tpu.memory_space<vmem>>, vector<1x1x16xf32>,
      %swap3A_189 = vector.shape_cast %swap3A_188 : vector<1x1x16xf32> to vector<16xf32>
      %swap3A_190 = vector.shape_cast %broadcast_in_dim3A_183 : vector<16xf32> to vector<1x1x16xf32>
      tpu.vector_store %arg8[%swap3A_185, %swap3A_186, %swap3A_187], %swap3A_190 {strides = array<i32>} : memref<3x128x128xf32, #tpu.memory_space<vmem>>, vector<1x1x16xf32>,
      %broadcast_in_dim3A_191 = arith.constant 0.000000e+00 : f32
      %broadcast_in_dim3A_192 = vector.broadcast %broadcast_in_dim3A_191 : f32 to vector<16xf32>
      %swap3A_193 = arith.constant 0 : i32
      %swap3A_194 = arith.index_cast %swap3A_193 : i32 to index
      %swap3A_195 = arith.index_cast %scan3A_155 : i32 to index
      %swap3A_196 = arith.constant 64 : index
      %swap3A_197 = tpu.vector_load %arg8[%swap3A_194, %swap3A_195, %swap3A_196] {strides = array<i32>} : memref<3x128x128xf32, #tpu.memory_space<vmem>>, vector<1x1x16xf32>,
      %swap3A_198 = vector.shape_cast %swap3A_197 : vector<1x1x16xf32> to vector<16xf32>
      %swap3A_199 = vector.shape_cast %broadcast_in_dim3A_192 : vector<16xf32> to vector<1x1x16xf32>
      tpu.vector_store %arg8[%swap3A_194, %swap3A_195, %swap3A_196], %swap3A_199 {strides = array<i32>} : memref<3x128x128xf32, #tpu.memory_space<vmem>>, vector<1x1x16xf32>,
      %broadcast_in_dim3A_200 = arith.constant 0.000000e+00 : f32
      %broadcast_in_dim3A_201 = vector.broadcast %broadcast_in_dim3A_200 : f32 to vector<16xf32>
      %swap3A_202 = arith.constant 0 : i32
      %swap3A_203 = arith.index_cast %swap3A_202 : i32 to index
      %swap3A_204 = arith.index_cast %scan3A_155 : i32 to index
      %swap3A_205 = arith.constant 80 : index
      %swap3A_206 = tpu.vector_load %arg8[%swap3A_203, %swap3A_204, %swap3A_205] {strides = array<i32>} : memref<3x128x128xf32, #tpu.memory_space<vmem>>, vector<1x1x16xf32>,
      %swap3A_207 = vector.shape_cast %swap3A_206 : vector<1x1x16xf32> to vector<16xf32>
      %swap3A_208 = vector.shape_cast %broadcast_in_dim3A_201 : vector<16xf32> to vector<1x1x16xf32>
      tpu.vector_store %arg8[%swap3A_203, %swap3A_204, %swap3A_205], %swap3A_208 {strides = array<i32>} : memref<3x128x128xf32, #tpu.memory_space<vmem>>, vector<1x1x16xf32>,
      %broadcast_in_dim3A_209 = arith.constant 0.000000e+00 : f32
      %broadcast_in_dim3A_210 = vector.broadcast %broadcast_in_dim3A_209 : f32 to vector<16xf32>
      %swap3A_211 = arith.constant 0 : i32
      %swap3A_212 = arith.index_cast %swap3A_211 : i32 to index
      %swap3A_213 = arith.index_cast %scan3A_155 : i32 to index
      %swap3A_214 = arith.constant 96 : index
      %swap3A_215 = tpu.vector_load %arg8[%swap3A_212, %swap3A_213, %swap3A_214] {strides = array<i32>} : memref<3x128x128xf32, #tpu.memory_space<vmem>>, vector<1x1x16xf32>,
      %swap3A_216 = vector.shape_cast %swap3A_215 : vector<1x1x16xf32> to vector<16xf32>
      %swap3A_217 = vector.shape_cast %broadcast_in_dim3A_210 : vector<16xf32> to vector<1x1x16xf32>
      tpu.vector_store %arg8[%swap3A_212, %swap3A_213, %swap3A_214], %swap3A_217 {strides = array<i32>} : memref<3x128x128xf32, #tpu.memory_space<vmem>>, vector<1x1x16xf32>,
      %broadcast_in_dim3A_218 = arith.constant 0.000000e+00 : f32
      %broadcast_in_dim3A_219 = vector.broadcast %broadcast_in_dim3A_218 : f32 to vector<16xf32>
      %swap3A_220 = arith.constant 0 : i32
      %swap3A_221 = arith.index_cast %swap3A_220 : i32 to index
      %swap3A_222 = arith.index_cast %scan3A_155 : i32 to index
      %swap3A_223 = arith.constant 112 : index
      %swap3A_224 = tpu.vector_load %arg8[%swap3A_221, %swap3A_222, %swap3A_223] {strides = array<i32>} : memref<3x128x128xf32, #tpu.memory_space<vmem>>, vector<1x1x16xf32>,
      %swap3A_225 = vector.shape_cast %swap3A_224 : vector<1x1x16xf32> to vector<16xf32>
      %swap3A_226 = vector.shape_cast %broadcast_in_dim3A_219 : vector<16xf32> to vector<1x1x16xf32>
      tpu.vector_store %arg8[%swap3A_221, %swap3A_222, %swap3A_223], %swap3A_226 {strides = array<i32>} : memref<3x128x128xf32, #tpu.memory_space<vmem>>, vector<1x1x16xf32>,
      %scan3A_227 = arith.constant 0 : i32
      scf.yield %scan3A_227 : i32
    }
    %scan3A_6 = arith.constant 79 : i32
    %scan3A_7 = arith.constant 0 : i32
    %scan3A_8 = arith.constant 0 : i32
    %scan3A_9 = arith.constant 8 : i32
    %scan3A_10 = arith.addi %scan3A_8, %scan3A_9 : i32
    %scan3A_11 = arith.constant 1 : i32
    %scan3A_12 = scf.for %scan3A_155 = %scan3A_8 to %scan3A_10 step %scan3A_11 iter_args(%scan3A_156 = %scan3A_7) -> (i32)  : i32 {
      %mul3A_157 = arith.constant 632 : i32
      %mul3A_158 = arith.muli %arg1, %mul3A_157 : i32
      %mul3A_159 = arith.constant 79 : i32
      %mul3A_160 = arith.muli %scan3A_155, %mul3A_159 : i32
      %add3A_161 = arith.addi %mul3A_158, %mul3A_160 : i32
      %run_scoped3A = arith.constant 0 : i32
      "tpu.region"() ({
        %run_scoped3A_163 = tpu.sem_alloc : memref<!tpu.dma_semaphore, #tpu.memory_space<semaphore_mem>>
        %dma_start3A_164 = arith.constant 0 : i32
        %dma_start3A_165 = arith.constant 0 : i32
        %dma_start3A_166 = tpu.memref_slice %arg8[%run_scoped3A, %dma_start3A_164, %dma_start3A_165] : memref<3x128x128xf32, #tpu.memory_space<vmem>> -> memref<1x79x128xf32, #tpu.memory_space<vmem>>
        %dma_start3A_167 = tpu.memref_squeeze %dma_start3A_166 : memref<1x79x128xf32, #tpu.memory_space<vmem>> -> memref<79x128xf32, #tpu.memory_space<vmem>>
        %dma_start3A_168 = arith.constant 0 : i32
        %dma_start3A_169 = tpu.memref_slice %arg9[%add3A_161, %dma_start3A_168] : memref<10112x128xf32, #tpu.memory_space<vmem_shared>> -> memref<79x128xf32, #tpu.memory_space<vmem_shared>>
        %dma_start3A_170 = arith.constant 0 : i32
        %dma_start3A_171 = tpu.memref_slice %arg9[%add3A_161, %dma_start3A_170] : memref<10112x128xf32, #tpu.memory_space<vmem_shared>> -> memref<79x128xf32, #tpu.memory_space<vmem_shared>>
        %dma_start3A_172 = arith.constant 0 : i32
        %dma_start3A_173 = arith.constant 0 : i32
        %dma_start3A_174 = tpu.memref_slice %arg8[%run_scoped3A, %dma_start3A_172, %dma_start3A_173] : memref<3x128x128xf32, #tpu.memory_space<vmem>> -> memref<1x79x128xf32, #tpu.memory_space<vmem>>
        %dma_start3A_175 = tpu.memref_squeeze %dma_start3A_174 : memref<1x79x128xf32, #tpu.memory_space<vmem>> -> memref<79x128xf32, #tpu.memory_space<vmem>>
        tpu.enqueue_dma source(%dma_start3A_175 : memref<79x128xf32, #tpu.memory_space<vmem>>) target(%dma_start3A_171 : memref<79x128xf32, #tpu.memory_space<vmem_shared>>) target_semaphore(%run_scoped3A_163 : memref<!tpu.dma_semaphore, #tpu.memory_space<semaphore_mem>>)
        %dma_wait3A_176 = arith.constant 0 : i32
        %dma_wait3A_177 = arith.constant 0 : i32
        %dma_wait3A_178 = tpu.memref_slice %arg8[%run_scoped3A, %dma_wait3A_176, %dma_wait3A_177] : memref<3x128x128xf32, #tpu.memory_space<vmem>> -> memref<1x79x128xf32, #tpu.memory_space<vmem>>
        %dma_wait3A_179 = tpu.memref_squeeze %dma_wait3A_178 : memref<1x79x128xf32, #tpu.memory_space<vmem>> -> memref<79x128xf32, #tpu.memory_space<vmem>>
        %dma_wait3A_180 = arith.constant 0 : i32
        %dma_wait3A_181 = tpu.memref_slice %arg9[%add3A_161, %dma_wait3A_180] : memref<10112x128xf32, #tpu.memory_space<vmem_shared>> -> memref<79x128xf32, #tpu.memory_space<vmem_shared>>
        %dma_wait3A_182 = arith.constant 0 : i32
        %dma_wait3A_183 = tpu.memref_slice %arg9[%add3A_161, %dma_wait3A_182] : memref<10112x128xf32, #tpu.memory_space<vmem_shared>> -> memref<79x128xf32, #tpu.memory_space<vmem_shared>>
        %dma_wait3A_184 = arith.constant 0 : i32
        %dma_wait3A_185 = arith.constant 0 : i32
        %dma_wait3A_186 = tpu.memref_slice %arg8[%run_scoped3A, %dma_wait3A_184, %dma_wait3A_185] : memref<3x128x128xf32, #tpu.memory_space<vmem>> -> memref<1x79x128xf32, #tpu.memory_space<vmem>>
        %dma_wait3A_187 = tpu.memref_squeeze %dma_wait3A_186 : memref<1x79x128xf32, #tpu.memory_space<vmem>> -> memref<79x128xf32, #tpu.memory_space<vmem>>
        tpu.wait_dma2 semaphore(%run_scoped3A_163 : memref<!tpu.dma_semaphore, #tpu.memory_space<semaphore_mem>>) src(%dma_wait3A_187 : memref<79x128xf32, #tpu.memory_space<vmem>>) dst(%dma_wait3A_183 : memref<79x128xf32, #tpu.memory_space<vmem_shared>>)
        tpu.yield
      }) : () -> ()
      %scan3A_162 = arith.constant 0 : i32
      scf.yield %scan3A_162 : i32
    }
    %scan3A_13 = arith.constant 8 : i32
    %barrier3A = arith.constant 0 : index
    tpu.barrier barrier_id(%barrier3A)
    %lt3A = arith.constant 4 : i32
    %lt3A_14 = arith.cmpi slt, %add3A, %lt3A : i32
    %jit3A = arith.constant 79 : i32
    %jit3A_15 = arith.constant 78 : i32
    %select_n3A = arith.select %lt3A_14, %jit3A, %jit3A_15 : i32
    %add3A_16 = arith.constant 0 : i32
    %add3A_17 = arith.addi %add3A, %add3A_16 : i32
    %mul3A_18 = arith.constant 128 : i32
    %mul3A_19 = arith.muli %add3A_17, %mul3A_18 : i32
    %dma_start3A = arith.constant 0 : i32
    %dma_start3A_20 = arith.constant 0 : i32
    %dma_start3A_21 = arith.constant 0 : i32
    %dma_start3A_22 = tpu.memref_slice %arg6[%dma_start3A, %dma_start3A_21] : memref<3x128xi32, #tpu.memory_space<vmem>> -> memref<1x128xi32, #tpu.memory_space<vmem>>
    %dma_start3A_23 = tpu.memref_squeeze %dma_start3A_22 : memref<1x128xi32, #tpu.memory_space<vmem>> -> memref<128xi32, #tpu.memory_space<vmem>>
    %dma_start3A_24 = tpu.memref_slice %arg3[%mul3A_19] : memref<320000xi32, #tpu.memory_space<hbm>> -> memref<128xi32, #tpu.memory_space<hbm>>
    %dma_start3A_25 = tpu.memref_slice %arg10[%dma_start3A_20] : memref<3x!tpu.dma_semaphore, #tpu.memory_space<semaphore_mem>> -> memref<1x!tpu.dma_semaphore, #tpu.memory_space<semaphore_mem>>
    %dma_start3A_26 = tpu.memref_squeeze %dma_start3A_25 : memref<1x!tpu.dma_semaphore, #tpu.memory_space<semaphore_mem>> -> memref<!tpu.dma_semaphore, #tpu.memory_space<semaphore_mem>>
    %dma_start3A_27 = arith.constant 0 : i32
    %dma_start3A_28 = tpu.memref_slice %arg6[%dma_start3A, %dma_start3A_27] : memref<3x128xi32, #tpu.memory_space<vmem>> -> memref<1x128xi32, #tpu.memory_space<vmem>>
    %dma_start3A_29 = tpu.memref_squeeze %dma_start3A_28 : memref<1x128xi32, #tpu.memory_space<vmem>> -> memref<128xi32, #tpu.memory_space<vmem>>
    %dma_start3A_30 = tpu.memref_slice %arg3[%mul3A_19] : memref<320000xi32, #tpu.memory_space<hbm>> -> memref<128xi32, #tpu.memory_space<hbm>>
    tpu.enqueue_dma source(%dma_start3A_30 : memref<128xi32, #tpu.memory_space<hbm>>) target(%dma_start3A_29 : memref<128xi32, #tpu.memory_space<vmem>>) target_semaphore(%dma_start3A_26 : memref<!tpu.dma_semaphore, #tpu.memory_space<semaphore_mem>>)
    %dma_start3A_31 = arith.constant 0 : i32
    %dma_start3A_32 = arith.constant 0 : i32
    %dma_start3A_33 = arith.constant 0 : i32
    %dma_start3A_34 = tpu.memref_slice %arg7[%dma_start3A_31, %dma_start3A_33] : memref<4x128xi32, #tpu.memory_space<vmem>> -> memref<1x128xi32, #tpu.memory_space<vmem>>
    %dma_start3A_35 = tpu.memref_squeeze %dma_start3A_34 : memref<1x128xi32, #tpu.memory_space<vmem>> -> memref<128xi32, #tpu.memory_space<vmem>>
    %dma_start3A_36 = tpu.memref_slice %arg4[%mul3A_19] : memref<320000xi32, #tpu.memory_space<hbm>> -> memref<128xi32, #tpu.memory_space<hbm>>
    %dma_start3A_37 = tpu.memref_slice %arg11[%dma_start3A_32] : memref<4x!tpu.dma_semaphore, #tpu.memory_space<semaphore_mem>> -> memref<1x!tpu.dma_semaphore, #tpu.memory_space<semaphore_mem>>
    %dma_start3A_38 = tpu.memref_squeeze %dma_start3A_37 : memref<1x!tpu.dma_semaphore, #tpu.memory_space<semaphore_mem>> -> memref<!tpu.dma_semaphore, #tpu.memory_space<semaphore_mem>>
    %dma_start3A_39 = arith.constant 0 : i32
    %dma_start3A_40 = tpu.memref_slice %arg7[%dma_start3A_31, %dma_start3A_39] : memref<4x128xi32, #tpu.memory_space<vmem>> -> memref<1x128xi32, #tpu.memory_space<vmem>>
    %dma_start3A_41 = tpu.memref_squeeze %dma_start3A_40 : memref<1x128xi32, #tpu.memory_space<vmem>> -> memref<128xi32, #tpu.memory_space<vmem>>
    %dma_start3A_42 = tpu.memref_slice %arg4[%mul3A_19] : memref<320000xi32, #tpu.memory_space<hbm>> -> memref<128xi32, #tpu.memory_space<hbm>>
    tpu.enqueue_dma source(%dma_start3A_42 : memref<128xi32, #tpu.memory_space<hbm>>) target(%dma_start3A_41 : memref<128xi32, #tpu.memory_space<vmem>>) target_semaphore(%dma_start3A_38 : memref<!tpu.dma_semaphore, #tpu.memory_space<semaphore_mem>>)
    %add3A_43 = arith.constant 32 : i32
    %add3A_44 = arith.addi %add3A, %add3A_43 : i32
    %mul3A_45 = arith.constant 128 : i32
    %mul3A_46 = arith.muli %add3A_44, %mul3A_45 : i32
    %dma_start3A_47 = arith.constant 1 : i32
    %dma_start3A_48 = arith.constant 1 : i32
    %dma_start3A_49 = arith.constant 0 : i32
    %dma_start3A_50 = tpu.memref_slice %arg6[%dma_start3A_47, %dma_start3A_49] : memref<3x128xi32, #tpu.memory_space<vmem>> -> memref<1x128xi32, #tpu.memory_space<vmem>>
    %dma_start3A_51 = tpu.memref_squeeze %dma_start3A_50 : memref<1x128xi32, #tpu.memory_space<vmem>> -> memref<128xi32, #tpu.memory_space<vmem>>
    %dma_start3A_52 = tpu.memref_slice %arg3[%mul3A_46] : memref<320000xi32, #tpu.memory_space<hbm>> -> memref<128xi32, #tpu.memory_space<hbm>>
    %dma_start3A_53 = tpu.memref_slice %arg10[%dma_start3A_48] : memref<3x!tpu.dma_semaphore, #tpu.memory_space<semaphore_mem>> -> memref<1x!tpu.dma_semaphore, #tpu.memory_space<semaphore_mem>>
    %dma_start3A_54 = tpu.memref_squeeze %dma_start3A_53 : memref<1x!tpu.dma_semaphore, #tpu.memory_space<semaphore_mem>> -> memref<!tpu.dma_semaphore, #tpu.memory_space<semaphore_mem>>
    %dma_start3A_55 = arith.constant 0 : i32
    %dma_start3A_56 = tpu.memref_slice %arg6[%dma_start3A_47, %dma_start3A_55] : memref<3x128xi32, #tpu.memory_space<vmem>> -> memref<1x128xi32, #tpu.memory_space<vmem>>
    %dma_start3A_57 = tpu.memref_squeeze %dma_start3A_56 : memref<1x128xi32, #tpu.memory_space<vmem>> -> memref<128xi32, #tpu.memory_space<vmem>>
    %dma_start3A_58 = tpu.memref_slice %arg3[%mul3A_46] : memref<320000xi32, #tpu.memory_space<hbm>> -> memref<128xi32, #tpu.memory_space<hbm>>
    tpu.enqueue_dma source(%dma_start3A_58 : memref<128xi32, #tpu.memory_space<hbm>>) target(%dma_start3A_57 : memref<128xi32, #tpu.memory_space<vmem>>) target_semaphore(%dma_start3A_54 : memref<!tpu.dma_semaphore, #tpu.memory_space<semaphore_mem>>)
    %dma_start3A_59 = arith.constant 1 : i32
    %dma_start3A_60 = arith.constant 1 : i32
    %dma_start3A_61 = arith.constant 0 : i32
    %dma_start3A_62 = tpu.memref_slice %arg7[%dma_start3A_59, %dma_start3A_61] : memref<4x128xi32, #tpu.memory_space<vmem>> -> memref<1x128xi32, #tpu.memory_space<vmem>>
    %dma_start3A_63 = tpu.memref_squeeze %dma_start3A_62 : memref<1x128xi32, #tpu.memory_space<vmem>> -> memref<128xi32, #tpu.memory_space<vmem>>
    %dma_start3A_64 = tpu.memref_slice %arg4[%mul3A_46] : memref<320000xi32, #tpu.memory_space<hbm>> -> memref<128xi32, #tpu.memory_space<hbm>>
    %dma_start3A_65 = tpu.memref_slice %arg11[%dma_start3A_60] : memref<4x!tpu.dma_semaphore, #tpu.memory_space<semaphore_mem>> -> memref<1x!tpu.dma_semaphore, #tpu.memory_space<semaphore_mem>>
    %dma_start3A_66 = tpu.memref_squeeze %dma_start3A_65 : memref<1x!tpu.dma_semaphore, #tpu.memory_space<semaphore_mem>> -> memref<!tpu.dma_semaphore, #tpu.memory_space<semaphore_mem>>
    %dma_start3A_67 = arith.constant 0 : i32
    %dma_start3A_68 = tpu.memref_slice %arg7[%dma_start3A_59, %dma_start3A_67] : memref<4x128xi32, #tpu.memory_space<vmem>> -> memref<1x128xi32, #tpu.memory_space<vmem>>
    %dma_start3A_69 = tpu.memref_squeeze %dma_start3A_68 : memref<1x128xi32, #tpu.memory_space<vmem>> -> memref<128xi32, #tpu.memory_space<vmem>>
    %dma_start3A_70 = tpu.memref_slice %arg4[%mul3A_46] : memref<320000xi32, #tpu.memory_space<hbm>> -> memref<128xi32, #tpu.memory_space<hbm>>
    tpu.enqueue_dma source(%dma_start3A_70 : memref<128xi32, #tpu.memory_space<hbm>>) target(%dma_start3A_69 : memref<128xi32, #tpu.memory_space<vmem>>) target_semaphore(%dma_start3A_66 : memref<!tpu.dma_semaphore, #tpu.memory_space<semaphore_mem>>)
    %add3A_71 = arith.constant 0 : i32
    %add3A_72 = arith.addi %add3A, %add3A_71 : i32
    %mul3A_73 = arith.constant 128 : i32
    %mul3A_74 = arith.muli %add3A_72, %mul3A_73 : i32
    %dma_wait3A = arith.constant 0 : i32
    %dma_wait3A_75 = arith.constant 0 : i32
    %dma_wait3A_76 = arith.constant 0 : i32
    %dma_wait3A_77 = tpu.memref_slice %arg6[%dma_wait3A, %dma_wait3A_76] : memref<3x128xi32, #tpu.memory_space<vmem>> -> memref<1x128xi32, #tpu.memory_space<vmem>>
    %dma_wait3A_78 = tpu.memref_squeeze %dma_wait3A_77 : memref<1x128xi32, #tpu.memory_space<vmem>> -> memref<128xi32, #tpu.memory_space<vmem>>
    %dma_wait3A_79 = tpu.memref_slice %arg3[%mul3A_74] : memref<320000xi32, #tpu.memory_space<hbm>> -> memref<128xi32, #tpu.memory_space<hbm>>
    %dma_wait3A_80 = tpu.memref_slice %arg10[%dma_wait3A_75] : memref<3x!tpu.dma_semaphore, #tpu.memory_space<semaphore_mem>> -> memref<1x!tpu.dma_semaphore, #tpu.memory_space<semaphore_mem>>
    %dma_wait3A_81 = tpu.memref_squeeze %dma_wait3A_80 : memref<1x!tpu.dma_semaphore, #tpu.memory_space<semaphore_mem>> -> memref<!tpu.dma_semaphore, #tpu.memory_space<semaphore_mem>>
    %dma_wait3A_82 = arith.constant 0 : i32
    %dma_wait3A_83 = tpu.memref_slice %arg6[%dma_wait3A, %dma_wait3A_82] : memref<3x128xi32, #tpu.memory_space<vmem>> -> memref<1x128xi32, #tpu.memory_space<vmem>>
    %dma_wait3A_84 = tpu.memref_squeeze %dma_wait3A_83 : memref<1x128xi32, #tpu.memory_space<vmem>> -> memref<128xi32, #tpu.memory_space<vmem>>
    %dma_wait3A_85 = tpu.memref_slice %arg3[%mul3A_74] : memref<320000xi32, #tpu.memory_space<hbm>> -> memref<128xi32, #tpu.memory_space<hbm>>
    tpu.wait_dma2 semaphore(%dma_wait3A_81 : memref<!tpu.dma_semaphore, #tpu.memory_space<semaphore_mem>>) src(%dma_wait3A_85 : memref<128xi32, #tpu.memory_space<hbm>>) dst(%dma_wait3A_84 : memref<128xi32, #tpu.memory_space<vmem>>)
    %dma_start3A_86 = arith.constant 0 : i32
    %dma_start3A_87 = arith.constant 0 : i32
    %dma_start3A_88 = arith.constant 0 : i32
    %dma_start3A_89 = arith.constant 0 : i32
    %dma_start3A_90 = arith.constant 0 : i32
    %dma_start3A_91 = tpu.memref_slice %arg8[%dma_start3A_87, %dma_start3A_89, %dma_start3A_90] : memref<3x128x128xf32, #tpu.memory_space<vmem>> -> memref<1x128x128xf32, #tpu.memory_space<vmem>>
    %dma_start3A_92 = tpu.memref_squeeze %dma_start3A_91 : memref<1x128x128xf32, #tpu.memory_space<vmem>> -> memref<128x128xf32, #tpu.memory_space<vmem>>
    %dma_start3A_93 = arith.constant 0 : i32
    %dma_start3A_94 = tpu.memref_slice %arg6[%dma_start3A_86, %dma_start3A_93] : memref<3x128xi32, #tpu.memory_space<vmem>> -> memref<1x128xi32, #tpu.memory_space<vmem>>
    %dma_start3A_95 = tpu.memref_squeeze %dma_start3A_94 : memref<1x128xi32, #tpu.memory_space<vmem>> -> memref<128xi32, #tpu.memory_space<vmem>>
    %dma_start3A_96 = arith.constant 0 : i32
    %dma_start3A_97 = arith.constant 0 : i32
    %dma_start3A_98 = tpu.memref_slice %arg2[%dma_start3A_96, %dma_start3A_97] : memref<10000x128xf32, #tpu.memory_space<hbm>> -> memref<10000x128xf32, #tpu.memory_space<hbm>>
    %dma_start3A_99 = tpu.memref_slice %arg12[%dma_start3A_88] : memref<3x!tpu.dma_semaphore, #tpu.memory_space<semaphore_mem>> -> memref<1x!tpu.dma_semaphore, #tpu.memory_space<semaphore_mem>>
    %dma_start3A_100 = tpu.memref_squeeze %dma_start3A_99 : memref<1x!tpu.dma_semaphore, #tpu.memory_space<semaphore_mem>> -> memref<!tpu.dma_semaphore, #tpu.memory_space<semaphore_mem>>
    tpu.enqueue_indirect_dma source(%dma_start3A_98 : memref<10000x128xf32, #tpu.memory_space<hbm>>) target(%dma_start3A_92 : memref<128x128xf32, #tpu.memory_space<vmem>>) offsets(%dma_start3A_95 : memref<128xi32, #tpu.memory_space<vmem>>) semaphore(%dma_start3A_100 : memref<!tpu.dma_semaphore, #tpu.memory_space<semaphore_mem>>)
    %while3A = arith.constant 0 : i32
    %while3A_101 = arith.constant 0 : i32
    %while3A_102 = arith.subi %select_n3A, %while3A : i32
    %while3A_103 = arith.addi %while3A, %while3A_102 : i32
    %while3A_104 = arith.constant 1 : i32
    %while3A_105 = arith.divsi %while3A_102, %while3A_104 : i32
    %while3A_106 = arith.muli %while3A_105, %while3A_104 : i32
    %while3A_107 = arith.addi %while3A, %while3A_106 : i32
    %while3A_108 = arith.constant 1 : i32
    %while3A_109 = scf.for %while3A_155 = %while3A to %while3A_107 step %while3A_108 iter_args(%while3A_156 = %while3A_101) -> (i32)  : i32 {
      %rem3A_157 = arith.constant 3 : i32
      %rem3A_158 = arith.remsi %while3A_155, %rem3A_157 : i32
      %rem3A_159 = arith.constant 4 : i32
      %rem3A_160 = arith.remsi %while3A_155, %rem3A_159 : i32
      %mul3A_161 = arith.constant 32 : i32
      %mul3A_162 = arith.muli %while3A_155, %mul3A_161 : i32
      %add3A_163 = arith.addi %add3A, %mul3A_162 : i32
      %mul3A_164 = arith.constant 128 : i32
      %mul3A_165 = arith.muli %add3A_163, %mul3A_164 : i32
      %ge3A = arith.constant 2 : i32
      %ge3A_166 = arith.cmpi sge, %while3A_155, %ge3A : i32
      %convert_element_type3A = arith.extui %ge3A_166 : i1 to i32
      %cond3A = arith.constant 0 : i32
      %cond3A_167 = arith.cmpi ne, %convert_element_type3A, %cond3A : i32
      scf.if %cond3A_167 {
        %sub3A_215 = arith.constant 2 : i32
        %sub3A_216 = arith.subi %while3A_155, %sub3A_215 : i32
        %rem3A_217 = arith.constant 3 : i32
        %rem3A_218 = arith.remsi %sub3A_216, %rem3A_217 : i32
        %sub3A_219 = arith.constant 2 : i32
        %sub3A_220 = arith.subi %while3A_155, %sub3A_219 : i32
        %rem3A_221 = arith.constant 4 : i32
        %rem3A_222 = arith.remsi %sub3A_220, %rem3A_221 : i32
        %sub3A_223 = arith.constant 2 : i32
        %sub3A_224 = arith.subi %while3A_155, %sub3A_223 : i32
        %rem3A_225 = arith.constant 4 : i32
        %rem3A_226 = arith.remsi %sub3A_224, %rem3A_225 : i32
        %dma_wait3A_227 = arith.constant 0 : i32
        %dma_wait3A_228 = arith.constant 0 : i32
        %dma_wait3A_229 = tpu.memref_slice %arg8[%rem3A_218, %dma_wait3A_227, %dma_wait3A_228] : memref<3x128x128xf32, #tpu.memory_space<vmem>> -> memref<1x128x128xf32, #tpu.memory_space<vmem>>
        %dma_wait3A_230 = tpu.memref_squeeze %dma_wait3A_229 : memref<1x128x128xf32, #tpu.memory_space<vmem>> -> memref<128x128xf32, #tpu.memory_space<vmem>>
        %dma_wait3A_231 = arith.constant 0 : i32
        %dma_wait3A_232 = tpu.memref_slice %arg7[%rem3A_222, %dma_wait3A_231] : memref<4x128xi32, #tpu.memory_space<vmem>> -> memref<1x128xi32, #tpu.memory_space<vmem>>
        %dma_wait3A_233 = tpu.memref_squeeze %dma_wait3A_232 : memref<1x128xi32, #tpu.memory_space<vmem>> -> memref<128xi32, #tpu.memory_space<vmem>>
        %dma_wait3A_234 = arith.constant 0 : i32
        %dma_wait3A_235 = arith.constant 0 : i32
        %dma_wait3A_236 = tpu.memref_slice %arg9[%dma_wait3A_234, %dma_wait3A_235] : memref<10112x128xf32, #tpu.memory_space<vmem_shared>> -> memref<10112x128xf32, #tpu.memory_space<vmem_shared>>
        %dma_wait3A_237 = tpu.memref_slice %arg13[%rem3A_226] : memref<4x!tpu.dma_semaphore, #tpu.memory_space<semaphore_mem>> -> memref<1x!tpu.dma_semaphore, #tpu.memory_space<semaphore_mem>>
        %dma_wait3A_238 = tpu.memref_squeeze %dma_wait3A_237 : memref<1x!tpu.dma_semaphore, #tpu.memory_space<semaphore_mem>> -> memref<!tpu.dma_semaphore, #tpu.memory_space<semaphore_mem>>
        tpu.wait_indirect_dma semaphore(%dma_wait3A_238 : memref<!tpu.dma_semaphore, #tpu.memory_space<semaphore_mem>>) src(%dma_wait3A_230 : memref<128x128xf32, #tpu.memory_space<vmem>>) dst(%dma_wait3A_236 : memref<10112x128xf32, #tpu.memory_space<vmem_shared>>)
      } else {
      }
      %add3A_168 = arith.constant 2 : i32
      %add3A_169 = arith.addi %while3A_155, %add3A_168 : i32
      %lt3A_170 = arith.cmpi slt, %add3A_169, %select_n3A : i32
      %convert_element_type3A_171 = arith.extui %lt3A_170 : i1 to i32
      %cond3A_172 = arith.constant 0 : i32
      %cond3A_173 = arith.cmpi ne, %convert_element_type3A_171, %cond3A_172 : i32
      scf.if %cond3A_173 {
        %add3A_215 = arith.constant 2 : i32
        %add3A_216 = arith.addi %while3A_155, %add3A_215 : i32
        %add3A_217 = arith.constant 2 : i32
        %add3A_218 = arith.addi %while3A_155, %add3A_217 : i32
        %rem3A_219 = arith.constant 3 : i32
        %rem3A_220 = arith.remsi %add3A_218, %rem3A_219 : i32
        %add3A_221 = arith.constant 2 : i32
        %add3A_222 = arith.addi %while3A_155, %add3A_221 : i32
        %rem3A_223 = arith.constant 4 : i32
        %rem3A_224 = arith.remsi %add3A_222, %rem3A_223 : i32
        %mul3A_225 = arith.constant 32 : i32
        %mul3A_226 = arith.muli %add3A_216, %mul3A_225 : i32
        %add3A_227 = arith.addi %add3A, %mul3A_226 : i32
        %mul3A_228 = arith.constant 128 : i32
        %mul3A_229 = arith.muli %add3A_227, %mul3A_228 : i32
        %dma_start3A_230 = arith.constant 0 : i32
        %dma_start3A_231 = tpu.memref_slice %arg6[%rem3A_220, %dma_start3A_230] : memref<3x128xi32, #tpu.memory_space<vmem>> -> memref<1x128xi32, #tpu.memory_space<vmem>>
        %dma_start3A_232 = tpu.memref_squeeze %dma_start3A_231 : memref<1x128xi32, #tpu.memory_space<vmem>> -> memref<128xi32, #tpu.memory_space<vmem>>
        %dma_start3A_233 = tpu.memref_slice %arg3[%mul3A_229] : memref<320000xi32, #tpu.memory_space<hbm>> -> memref<128xi32, #tpu.memory_space<hbm>>
        %dma_start3A_234 = tpu.memref_slice %arg10[%rem3A_220] : memref<3x!tpu.dma_semaphore, #tpu.memory_space<semaphore_mem>> -> memref<1x!tpu.dma_semaphore, #tpu.memory_space<semaphore_mem>>
        %dma_start3A_235 = tpu.memref_squeeze %dma_start3A_234 : memref<1x!tpu.dma_semaphore, #tpu.memory_space<semaphore_mem>> -> memref<!tpu.dma_semaphore, #tpu.memory_space<semaphore_mem>>
        %dma_start3A_236 = arith.constant 0 : i32
        %dma_start3A_237 = tpu.memref_slice %arg6[%rem3A_220, %dma_start3A_236] : memref<3x128xi32, #tpu.memory_space<vmem>> -> memref<1x128xi32, #tpu.memory_space<vmem>>
        %dma_start3A_238 = tpu.memref_squeeze %dma_start3A_237 : memref<1x128xi32, #tpu.memory_space<vmem>> -> memref<128xi32, #tpu.memory_space<vmem>>
        %dma_start3A_239 = tpu.memref_slice %arg3[%mul3A_229] : memref<320000xi32, #tpu.memory_space<hbm>> -> memref<128xi32, #tpu.memory_space<hbm>>
        tpu.enqueue_dma source(%dma_start3A_239 : memref<128xi32, #tpu.memory_space<hbm>>) target(%dma_start3A_238 : memref<128xi32, #tpu.memory_space<vmem>>) target_semaphore(%dma_start3A_235 : memref<!tpu.dma_semaphore, #tpu.memory_space<semaphore_mem>>)
        %dma_start3A_240 = arith.constant 0 : i32
        %dma_start3A_241 = tpu.memref_slice %arg7[%rem3A_224, %dma_start3A_240] : memref<4x128xi32, #tpu.memory_space<vmem>> -> memref<1x128xi32, #tpu.memory_space<vmem>>
        %dma_start3A_242 = tpu.memref_squeeze %dma_start3A_241 : memref<1x128xi32, #tpu.memory_space<vmem>> -> memref<128xi32, #tpu.memory_space<vmem>>
        %dma_start3A_243 = tpu.memref_slice %arg4[%mul3A_229] : memref<320000xi32, #tpu.memory_space<hbm>> -> memref<128xi32, #tpu.memory_space<hbm>>
        %dma_start3A_244 = tpu.memref_slice %arg11[%rem3A_224] : memref<4x!tpu.dma_semaphore, #tpu.memory_space<semaphore_mem>> -> memref<1x!tpu.dma_semaphore, #tpu.memory_space<semaphore_mem>>
        %dma_start3A_245 = tpu.memref_squeeze %dma_start3A_244 : memref<1x!tpu.dma_semaphore, #tpu.memory_space<semaphore_mem>> -> memref<!tpu.dma_semaphore, #tpu.memory_space<semaphore_mem>>
        %dma_start3A_246 = arith.constant 0 : i32
        %dma_start3A_247 = tpu.memref_slice %arg7[%rem3A_224, %dma_start3A_246] : memref<4x128xi32, #tpu.memory_space<vmem>> -> memref<1x128xi32, #tpu.memory_space<vmem>>
        %dma_start3A_248 = tpu.memref_squeeze %dma_start3A_247 : memref<1x128xi32, #tpu.memory_space<vmem>> -> memref<128xi32, #tpu.memory_space<vmem>>
        %dma_start3A_249 = tpu.memref_slice %arg4[%mul3A_229] : memref<320000xi32, #tpu.memory_space<hbm>> -> memref<128xi32, #tpu.memory_space<hbm>>
        tpu.enqueue_dma source(%dma_start3A_249 : memref<128xi32, #tpu.memory_space<hbm>>) target(%dma_start3A_248 : memref<128xi32, #tpu.memory_space<vmem>>) target_semaphore(%dma_start3A_245 : memref<!tpu.dma_semaphore, #tpu.memory_space<semaphore_mem>>)
      } else {
      }
      %add3A_174 = arith.constant 1 : i32
      %add3A_175 = arith.addi %while3A_155, %add3A_174 : i32
      %lt3A_176 = arith.cmpi slt, %add3A_175, %select_n3A : i32
      %convert_element_type3A_177 = arith.extui %lt3A_176 : i1 to i32
      %cond3A_178 = arith.constant 0 : i32
      %cond3A_179 = arith.cmpi ne, %convert_element_type3A_177, %cond3A_178 : i32
      scf.if %cond3A_179 {
        %add3A_215 = arith.constant 1 : i32
        %add3A_216 = arith.addi %while3A_155, %add3A_215 : i32
        %rem3A_217 = arith.constant 3 : i32
        %rem3A_218 = arith.remsi %add3A_216, %rem3A_217 : i32
        %add3A_219 = arith.constant 1 : i32
        %add3A_220 = arith.addi %while3A_155, %add3A_219 : i32
        %mul3A_221 = arith.constant 32 : i32
        %mul3A_222 = arith.muli %add3A_220, %mul3A_221 : i32
        %add3A_223 = arith.addi %add3A, %mul3A_222 : i32
        %mul3A_224 = arith.constant 128 : i32
        %mul3A_225 = arith.muli %add3A_223, %mul3A_224 : i32
        %dma_wait3A_226 = arith.constant 0 : i32
        %dma_wait3A_227 = tpu.memref_slice %arg6[%rem3A_218, %dma_wait3A_226] : memref<3x128xi32, #tpu.memory_space<vmem>> -> memref<1x128xi32, #tpu.memory_space<vmem>>
        %dma_wait3A_228 = tpu.memref_squeeze %dma_wait3A_227 : memref<1x128xi32, #tpu.memory_space<vmem>> -> memref<128xi32, #tpu.memory_space<vmem>>
        %dma_wait3A_229 = tpu.memref_slice %arg3[%mul3A_225] : memref<320000xi32, #tpu.memory_space<hbm>> -> memref<128xi32, #tpu.memory_space<hbm>>
        %dma_wait3A_230 = tpu.memref_slice %arg10[%rem3A_218] : memref<3x!tpu.dma_semaphore, #tpu.memory_space<semaphore_mem>> -> memref<1x!tpu.dma_semaphore, #tpu.memory_space<semaphore_mem>>
        %dma_wait3A_231 = tpu.memref_squeeze %dma_wait3A_230 : memref<1x!tpu.dma_semaphore, #tpu.memory_space<semaphore_mem>> -> memref<!tpu.dma_semaphore, #tpu.memory_space<semaphore_mem>>
        %dma_wait3A_232 = arith.constant 0 : i32
        %dma_wait3A_233 = tpu.memref_slice %arg6[%rem3A_218, %dma_wait3A_232] : memref<3x128xi32, #tpu.memory_space<vmem>> -> memref<1x128xi32, #tpu.memory_space<vmem>>
        %dma_wait3A_234 = tpu.memref_squeeze %dma_wait3A_233 : memref<1x128xi32, #tpu.memory_space<vmem>> -> memref<128xi32, #tpu.memory_space<vmem>>
        %dma_wait3A_235 = tpu.memref_slice %arg3[%mul3A_225] : memref<320000xi32, #tpu.memory_space<hbm>> -> memref<128xi32, #tpu.memory_space<hbm>>
        tpu.wait_dma2 semaphore(%dma_wait3A_231 : memref<!tpu.dma_semaphore, #tpu.memory_space<semaphore_mem>>) src(%dma_wait3A_235 : memref<128xi32, #tpu.memory_space<hbm>>) dst(%dma_wait3A_234 : memref<128xi32, #tpu.memory_space<vmem>>)
        %add3A_236 = arith.constant 1 : i32
        %add3A_237 = arith.addi %while3A_155, %add3A_236 : i32
        %dma_start3A_238 = arith.constant 0 : i32
        %dma_start3A_239 = arith.constant 0 : i32
        %dma_start3A_240 = tpu.memref_slice %arg8[%rem3A_218, %dma_start3A_238, %dma_start3A_239] : memref<3x128x128xf32, #tpu.memory_space<vmem>> -> memref<1x128x128xf32, #tpu.memory_space<vmem>>
        %dma_start3A_241 = tpu.memref_squeeze %dma_start3A_240 : memref<1x128x128xf32, #tpu.memory_space<vmem>> -> memref<128x128xf32, #tpu.memory_space<vmem>>
        %dma_start3A_242 = arith.constant 0 : i32
        %dma_start3A_243 = tpu.memref_slice %arg6[%rem3A_218, %dma_start3A_242] : memref<3x128xi32, #tpu.memory_space<vmem>> -> memref<1x128xi32, #tpu.memory_space<vmem>>
        %dma_start3A_244 = tpu.memref_squeeze %dma_start3A_243 : memref<1x128xi32, #tpu.memory_space<vmem>> -> memref<128xi32, #tpu.memory_space<vmem>>
        %dma_start3A_245 = arith.constant 0 : i32
        %dma_start3A_246 = arith.constant 0 : i32
        %dma_start3A_247 = tpu.memref_slice %arg2[%dma_start3A_245, %dma_start3A_246] : memref<10000x128xf32, #tpu.memory_space<hbm>> -> memref<10000x128xf32, #tpu.memory_space<hbm>>
        %dma_start3A_248 = tpu.memref_slice %arg12[%rem3A_218] : memref<3x!tpu.dma_semaphore, #tpu.memory_space<semaphore_mem>> -> memref<1x!tpu.dma_semaphore, #tpu.memory_space<semaphore_mem>>
        %dma_start3A_249 = tpu.memref_squeeze %dma_start3A_248 : memref<1x!tpu.dma_semaphore, #tpu.memory_space<semaphore_mem>> -> memref<!tpu.dma_semaphore, #tpu.memory_space<semaphore_mem>>
        tpu.enqueue_indirect_dma source(%dma_start3A_247 : memref<10000x128xf32, #tpu.memory_space<hbm>>) target(%dma_start3A_241 : memref<128x128xf32, #tpu.memory_space<vmem>>) offsets(%dma_start3A_244 : memref<128xi32, #tpu.memory_space<vmem>>) semaphore(%dma_start3A_249 : memref<!tpu.dma_semaphore, #tpu.memory_space<semaphore_mem>>)
      } else {
      }
      %dma_wait3A_180 = arith.constant 0 : i32
      %dma_wait3A_181 = arith.constant 0 : i32
      %dma_wait3A_182 = tpu.memref_slice %arg8[%rem3A_158, %dma_wait3A_180, %dma_wait3A_181] : memref<3x128x128xf32, #tpu.memory_space<vmem>> -> memref<1x128x128xf32, #tpu.memory_space<vmem>>
      %dma_wait3A_183 = tpu.memref_squeeze %dma_wait3A_182 : memref<1x128x128xf32, #tpu.memory_space<vmem>> -> memref<128x128xf32, #tpu.memory_space<vmem>>
      %dma_wait3A_184 = arith.constant 0 : i32
      %dma_wait3A_185 = tpu.memref_slice %arg6[%rem3A_158, %dma_wait3A_184] : memref<3x128xi32, #tpu.memory_space<vmem>> -> memref<1x128xi32, #tpu.memory_space<vmem>>
      %dma_wait3A_186 = tpu.memref_squeeze %dma_wait3A_185 : memref<1x128xi32, #tpu.memory_space<vmem>> -> memref<128xi32, #tpu.memory_space<vmem>>
      %dma_wait3A_187 = arith.constant 0 : i32
      %dma_wait3A_188 = arith.constant 0 : i32
      %dma_wait3A_189 = tpu.memref_slice %arg2[%dma_wait3A_187, %dma_wait3A_188] : memref<10000x128xf32, #tpu.memory_space<hbm>> -> memref<10000x128xf32, #tpu.memory_space<hbm>>
      %dma_wait3A_190 = tpu.memref_slice %arg12[%rem3A_158] : memref<3x!tpu.dma_semaphore, #tpu.memory_space<semaphore_mem>> -> memref<1x!tpu.dma_semaphore, #tpu.memory_space<semaphore_mem>>
      %dma_wait3A_191 = tpu.memref_squeeze %dma_wait3A_190 : memref<1x!tpu.dma_semaphore, #tpu.memory_space<semaphore_mem>> -> memref<!tpu.dma_semaphore, #tpu.memory_space<semaphore_mem>>
      tpu.wait_indirect_dma semaphore(%dma_wait3A_191 : memref<!tpu.dma_semaphore, #tpu.memory_space<semaphore_mem>>) src(%dma_wait3A_189 : memref<10000x128xf32, #tpu.memory_space<hbm>>) dst(%dma_wait3A_183 : memref<128x128xf32, #tpu.memory_space<vmem>>)
      %dma_wait3A_192 = arith.constant 0 : i32
      %dma_wait3A_193 = tpu.memref_slice %arg7[%rem3A_160, %dma_wait3A_192] : memref<4x128xi32, #tpu.memory_space<vmem>> -> memref<1x128xi32, #tpu.memory_space<vmem>>
      %dma_wait3A_194 = tpu.memref_squeeze %dma_wait3A_193 : memref<1x128xi32, #tpu.memory_space<vmem>> -> memref<128xi32, #tpu.memory_space<vmem>>
      %dma_wait3A_195 = tpu.memref_slice %arg4[%mul3A_165] : memref<320000xi32, #tpu.memory_space<hbm>> -> memref<128xi32, #tpu.memory_space<hbm>>
      %dma_wait3A_196 = tpu.memref_slice %arg11[%rem3A_160] : memref<4x!tpu.dma_semaphore, #tpu.memory_space<semaphore_mem>> -> memref<1x!tpu.dma_semaphore, #tpu.memory_space<semaphore_mem>>
      %dma_wait3A_197 = tpu.memref_squeeze %dma_wait3A_196 : memref<1x!tpu.dma_semaphore, #tpu.memory_space<semaphore_mem>> -> memref<!tpu.dma_semaphore, #tpu.memory_space<semaphore_mem>>
      %dma_wait3A_198 = arith.constant 0 : i32
      %dma_wait3A_199 = tpu.memref_slice %arg7[%rem3A_160, %dma_wait3A_198] : memref<4x128xi32, #tpu.memory_space<vmem>> -> memref<1x128xi32, #tpu.memory_space<vmem>>
      %dma_wait3A_200 = tpu.memref_squeeze %dma_wait3A_199 : memref<1x128xi32, #tpu.memory_space<vmem>> -> memref<128xi32, #tpu.memory_space<vmem>>
      %dma_wait3A_201 = tpu.memref_slice %arg4[%mul3A_165] : memref<320000xi32, #tpu.memory_space<hbm>> -> memref<128xi32, #tpu.memory_space<hbm>>
      tpu.wait_dma2 semaphore(%dma_wait3A_197 : memref<!tpu.dma_semaphore, #tpu.memory_space<semaphore_mem>>) src(%dma_wait3A_201 : memref<128xi32, #tpu.memory_space<hbm>>) dst(%dma_wait3A_200 : memref<128xi32, #tpu.memory_space<vmem>>)
      %dma_start3A_202 = arith.constant 0 : i32
      %dma_start3A_203 = arith.constant 0 : i32
      %dma_start3A_204 = tpu.memref_slice %arg8[%rem3A_158, %dma_start3A_202, %dma_start3A_203] : memref<3x128x128xf32, #tpu.memory_space<vmem>> -> memref<1x128x128xf32, #tpu.memory_space<vmem>>
      %dma_start3A_205 = tpu.memref_squeeze %dma_start3A_204 : memref<1x128x128xf32, #tpu.memory_space<vmem>> -> memref<128x128xf32, #tpu.memory_space<vmem>>
      %dma_start3A_206 = arith.constant 0 : i32
      %dma_start3A_207 = tpu.memref_slice %arg7[%rem3A_160, %dma_start3A_206] : memref<4x128xi32, #tpu.memory_space<vmem>> -> memref<1x128xi32, #tpu.memory_space<vmem>>
      %dma_start3A_208 = tpu.memref_squeeze %dma_start3A_207 : memref<1x128xi32, #tpu.memory_space<vmem>> -> memref<128xi32, #tpu.memory_space<vmem>>
      %dma_start3A_209 = arith.constant 0 : i32
      %dma_start3A_210 = arith.constant 0 : i32
      %dma_start3A_211 = tpu.memref_slice %arg9[%dma_start3A_209, %dma_start3A_210] : memref<10112x128xf32, #tpu.memory_space<vmem_shared>> -> memref<10112x128xf32, #tpu.memory_space<vmem_shared>>
      %dma_start3A_212 = tpu.memref_slice %arg13[%rem3A_160] : memref<4x!tpu.dma_semaphore, #tpu.memory_space<semaphore_mem>> -> memref<1x!tpu.dma_semaphore, #tpu.memory_space<semaphore_mem>>
      %dma_start3A_213 = tpu.memref_squeeze %dma_start3A_212 : memref<1x!tpu.dma_semaphore, #tpu.memory_space<semaphore_mem>> -> memref<!tpu.dma_semaphore, #tpu.memory_space<semaphore_mem>>
      tpu.enqueue_indirect_dma source(%dma_start3A_205 : memref<128x128xf32, #tpu.memory_space<vmem>>) target(%dma_start3A_211 : memref<10112x128xf32, #tpu.memory_space<vmem_shared>>) offsets(%dma_start3A_208 : memref<128xi32, #tpu.memory_space<vmem>>) semaphore(%dma_start3A_213 : memref<!tpu.dma_semaphore, #tpu.memory_space<semaphore_mem>>) {add = true}
      %while3A_214 = arith.constant 0 : i32
      scf.yield %while3A_214 : i32
    }
    %while3A_110 = arith.constant 1 : i32
    %while3A_111 = scf.for %while3A_155 = %while3A_107 to %while3A_103 step %while3A_110 iter_args(%while3A_156 = %while3A_109) -> (i32)  : i32 {
      %rem3A_157 = arith.constant 3 : i32
      %rem3A_158 = arith.remsi %while3A_155, %rem3A_157 : i32
      %rem3A_159 = arith.constant 4 : i32
      %rem3A_160 = arith.remsi %while3A_155, %rem3A_159 : i32
      %mul3A_161 = arith.constant 32 : i32
      %mul3A_162 = arith.muli %while3A_155, %mul3A_161 : i32
      %add3A_163 = arith.addi %add3A, %mul3A_162 : i32
      %mul3A_164 = arith.constant 128 : i32
      %mul3A_165 = arith.muli %add3A_163, %mul3A_164 : i32
      %ge3A = arith.constant 2 : i32
      %ge3A_166 = arith.cmpi sge, %while3A_155, %ge3A : i32
      %convert_element_type3A = arith.extui %ge3A_166 : i1 to i32
      %cond3A = arith.constant 0 : i32
      %cond3A_167 = arith.cmpi ne, %convert_element_type3A, %cond3A : i32
      scf.if %cond3A_167 {
        %sub3A_215 = arith.constant 2 : i32
        %sub3A_216 = arith.subi %while3A_155, %sub3A_215 : i32
        %rem3A_217 = arith.constant 3 : i32
        %rem3A_218 = arith.remsi %sub3A_216, %rem3A_217 : i32
        %sub3A_219 = arith.constant 2 : i32
        %sub3A_220 = arith.subi %while3A_155, %sub3A_219 : i32
        %rem3A_221 = arith.constant 4 : i32
        %rem3A_222 = arith.remsi %sub3A_220, %rem3A_221 : i32
        %sub3A_223 = arith.constant 2 : i32
        %sub3A_224 = arith.subi %while3A_155, %sub3A_223 : i32
        %rem3A_225 = arith.constant 4 : i32
        %rem3A_226 = arith.remsi %sub3A_224, %rem3A_225 : i32
        %dma_wait3A_227 = arith.constant 0 : i32
        %dma_wait3A_228 = arith.constant 0 : i32
        %dma_wait3A_229 = tpu.memref_slice %arg8[%rem3A_218, %dma_wait3A_227, %dma_wait3A_228] : memref<3x128x128xf32, #tpu.memory_space<vmem>> -> memref<1x128x128xf32, #tpu.memory_space<vmem>>
        %dma_wait3A_230 = tpu.memref_squeeze %dma_wait3A_229 : memref<1x128x128xf32, #tpu.memory_space<vmem>> -> memref<128x128xf32, #tpu.memory_space<vmem>>
        %dma_wait3A_231 = arith.constant 0 : i32
        %dma_wait3A_232 = tpu.memref_slice %arg7[%rem3A_222, %dma_wait3A_231] : memref<4x128xi32, #tpu.memory_space<vmem>> -> memref<1x128xi32, #tpu.memory_space<vmem>>
        %dma_wait3A_233 = tpu.memref_squeeze %dma_wait3A_232 : memref<1x128xi32, #tpu.memory_space<vmem>> -> memref<128xi32, #tpu.memory_space<vmem>>
        %dma_wait3A_234 = arith.constant 0 : i32
        %dma_wait3A_235 = arith.constant 0 : i32
        %dma_wait3A_236 = tpu.memref_slice %arg9[%dma_wait3A_234, %dma_wait3A_235] : memref<10112x128xf32, #tpu.memory_space<vmem_shared>> -> memref<10112x128xf32, #tpu.memory_space<vmem_shared>>
        %dma_wait3A_237 = tpu.memref_slice %arg13[%rem3A_226] : memref<4x!tpu.dma_semaphore, #tpu.memory_space<semaphore_mem>> -> memref<1x!tpu.dma_semaphore, #tpu.memory_space<semaphore_mem>>
        %dma_wait3A_238 = tpu.memref_squeeze %dma_wait3A_237 : memref<1x!tpu.dma_semaphore, #tpu.memory_space<semaphore_mem>> -> memref<!tpu.dma_semaphore, #tpu.memory_space<semaphore_mem>>
        tpu.wait_indirect_dma semaphore(%dma_wait3A_238 : memref<!tpu.dma_semaphore, #tpu.memory_space<semaphore_mem>>) src(%dma_wait3A_230 : memref<128x128xf32, #tpu.memory_space<vmem>>) dst(%dma_wait3A_236 : memref<10112x128xf32, #tpu.memory_space<vmem_shared>>)
      } else {
      }
      %add3A_168 = arith.constant 2 : i32
      %add3A_169 = arith.addi %while3A_155, %add3A_168 : i32
      %lt3A_170 = arith.cmpi slt, %add3A_169, %select_n3A : i32
      %convert_element_type3A_171 = arith.extui %lt3A_170 : i1 to i32
      %cond3A_172 = arith.constant 0 : i32
      %cond3A_173 = arith.cmpi ne, %convert_element_type3A_171, %cond3A_172 : i32
      scf.if %cond3A_173 {
        %add3A_215 = arith.constant 2 : i32
        %add3A_216 = arith.addi %while3A_155, %add3A_215 : i32
        %add3A_217 = arith.constant 2 : i32
        %add3A_218 = arith.addi %while3A_155, %add3A_217 : i32
        %rem3A_219 = arith.constant 3 : i32
        %rem3A_220 = arith.remsi %add3A_218, %rem3A_219 : i32
        %add3A_221 = arith.constant 2 : i32
        %add3A_222 = arith.addi %while3A_155, %add3A_221 : i32
        %rem3A_223 = arith.constant 4 : i32
        %rem3A_224 = arith.remsi %add3A_222, %rem3A_223 : i32
        %mul3A_225 = arith.constant 32 : i32
        %mul3A_226 = arith.muli %add3A_216, %mul3A_225 : i32
        %add3A_227 = arith.addi %add3A, %mul3A_226 : i32
        %mul3A_228 = arith.constant 128 : i32
        %mul3A_229 = arith.muli %add3A_227, %mul3A_228 : i32
        %dma_start3A_230 = arith.constant 0 : i32
        %dma_start3A_231 = tpu.memref_slice %arg6[%rem3A_220, %dma_start3A_230] : memref<3x128xi32, #tpu.memory_space<vmem>> -> memref<1x128xi32, #tpu.memory_space<vmem>>
        %dma_start3A_232 = tpu.memref_squeeze %dma_start3A_231 : memref<1x128xi32, #tpu.memory_space<vmem>> -> memref<128xi32, #tpu.memory_space<vmem>>
        %dma_start3A_233 = tpu.memref_slice %arg3[%mul3A_229] : memref<320000xi32, #tpu.memory_space<hbm>> -> memref<128xi32, #tpu.memory_space<hbm>>
        %dma_start3A_234 = tpu.memref_slice %arg10[%rem3A_220] : memref<3x!tpu.dma_semaphore, #tpu.memory_space<semaphore_mem>> -> memref<1x!tpu.dma_semaphore, #tpu.memory_space<semaphore_mem>>
        %dma_start3A_235 = tpu.memref_squeeze %dma_start3A_234 : memref<1x!tpu.dma_semaphore, #tpu.memory_space<semaphore_mem>> -> memref<!tpu.dma_semaphore, #tpu.memory_space<semaphore_mem>>
        %dma_start3A_236 = arith.constant 0 : i32
        %dma_start3A_237 = tpu.memref_slice %arg6[%rem3A_220, %dma_start3A_236] : memref<3x128xi32, #tpu.memory_space<vmem>> -> memref<1x128xi32, #tpu.memory_space<vmem>>
        %dma_start3A_238 = tpu.memref_squeeze %dma_start3A_237 : memref<1x128xi32, #tpu.memory_space<vmem>> -> memref<128xi32, #tpu.memory_space<vmem>>
        %dma_start3A_239 = tpu.memref_slice %arg3[%mul3A_229] : memref<320000xi32, #tpu.memory_space<hbm>> -> memref<128xi32, #tpu.memory_space<hbm>>
        tpu.enqueue_dma source(%dma_start3A_239 : memref<128xi32, #tpu.memory_space<hbm>>) target(%dma_start3A_238 : memref<128xi32, #tpu.memory_space<vmem>>) target_semaphore(%dma_start3A_235 : memref<!tpu.dma_semaphore, #tpu.memory_space<semaphore_mem>>)
        %dma_start3A_240 = arith.constant 0 : i32
        %dma_start3A_241 = tpu.memref_slice %arg7[%rem3A_224, %dma_start3A_240] : memref<4x128xi32, #tpu.memory_space<vmem>> -> memref<1x128xi32, #tpu.memory_space<vmem>>
        %dma_start3A_242 = tpu.memref_squeeze %dma_start3A_241 : memref<1x128xi32, #tpu.memory_space<vmem>> -> memref<128xi32, #tpu.memory_space<vmem>>
        %dma_start3A_243 = tpu.memref_slice %arg4[%mul3A_229] : memref<320000xi32, #tpu.memory_space<hbm>> -> memref<128xi32, #tpu.memory_space<hbm>>
        %dma_start3A_244 = tpu.memref_slice %arg11[%rem3A_224] : memref<4x!tpu.dma_semaphore, #tpu.memory_space<semaphore_mem>> -> memref<1x!tpu.dma_semaphore, #tpu.memory_space<semaphore_mem>>
        %dma_start3A_245 = tpu.memref_squeeze %dma_start3A_244 : memref<1x!tpu.dma_semaphore, #tpu.memory_space<semaphore_mem>> -> memref<!tpu.dma_semaphore, #tpu.memory_space<semaphore_mem>>
        %dma_start3A_246 = arith.constant 0 : i32
        %dma_start3A_247 = tpu.memref_slice %arg7[%rem3A_224, %dma_start3A_246] : memref<4x128xi32, #tpu.memory_space<vmem>> -> memref<1x128xi32, #tpu.memory_space<vmem>>
        %dma_start3A_248 = tpu.memref_squeeze %dma_start3A_247 : memref<1x128xi32, #tpu.memory_space<vmem>> -> memref<128xi32, #tpu.memory_space<vmem>>
        %dma_start3A_249 = tpu.memref_slice %arg4[%mul3A_229] : memref<320000xi32, #tpu.memory_space<hbm>> -> memref<128xi32, #tpu.memory_space<hbm>>
        tpu.enqueue_dma source(%dma_start3A_249 : memref<128xi32, #tpu.memory_space<hbm>>) target(%dma_start3A_248 : memref<128xi32, #tpu.memory_space<vmem>>) target_semaphore(%dma_start3A_245 : memref<!tpu.dma_semaphore, #tpu.memory_space<semaphore_mem>>)
      } else {
      }
      %add3A_174 = arith.constant 1 : i32
      %add3A_175 = arith.addi %while3A_155, %add3A_174 : i32
      %lt3A_176 = arith.cmpi slt, %add3A_175, %select_n3A : i32
      %convert_element_type3A_177 = arith.extui %lt3A_176 : i1 to i32
      %cond3A_178 = arith.constant 0 : i32
      %cond3A_179 = arith.cmpi ne, %convert_element_type3A_177, %cond3A_178 : i32
      scf.if %cond3A_179 {
        %add3A_215 = arith.constant 1 : i32
        %add3A_216 = arith.addi %while3A_155, %add3A_215 : i32
        %rem3A_217 = arith.constant 3 : i32
        %rem3A_218 = arith.remsi %add3A_216, %rem3A_217 : i32
        %add3A_219 = arith.constant 1 : i32
        %add3A_220 = arith.addi %while3A_155, %add3A_219 : i32
        %mul3A_221 = arith.constant 32 : i32
        %mul3A_222 = arith.muli %add3A_220, %mul3A_221 : i32
        %add3A_223 = arith.addi %add3A, %mul3A_222 : i32
        %mul3A_224 = arith.constant 128 : i32
        %mul3A_225 = arith.muli %add3A_223, %mul3A_224 : i32
        %dma_wait3A_226 = arith.constant 0 : i32
        %dma_wait3A_227 = tpu.memref_slice %arg6[%rem3A_218, %dma_wait3A_226] : memref<3x128xi32, #tpu.memory_space<vmem>> -> memref<1x128xi32, #tpu.memory_space<vmem>>
        %dma_wait3A_228 = tpu.memref_squeeze %dma_wait3A_227 : memref<1x128xi32, #tpu.memory_space<vmem>> -> memref<128xi32, #tpu.memory_space<vmem>>
        %dma_wait3A_229 = tpu.memref_slice %arg3[%mul3A_225] : memref<320000xi32, #tpu.memory_space<hbm>> -> memref<128xi32, #tpu.memory_space<hbm>>
        %dma_wait3A_230 = tpu.memref_slice %arg10[%rem3A_218] : memref<3x!tpu.dma_semaphore, #tpu.memory_space<semaphore_mem>> -> memref<1x!tpu.dma_semaphore, #tpu.memory_space<semaphore_mem>>
        %dma_wait3A_231 = tpu.memref_squeeze %dma_wait3A_230 : memref<1x!tpu.dma_semaphore, #tpu.memory_space<semaphore_mem>> -> memref<!tpu.dma_semaphore, #tpu.memory_space<semaphore_mem>>
        %dma_wait3A_232 = arith.constant 0 : i32
        %dma_wait3A_233 = tpu.memref_slice %arg6[%rem3A_218, %dma_wait3A_232] : memref<3x128xi32, #tpu.memory_space<vmem>> -> memref<1x128xi32, #tpu.memory_space<vmem>>
        %dma_wait3A_234 = tpu.memref_squeeze %dma_wait3A_233 : memref<1x128xi32, #tpu.memory_space<vmem>> -> memref<128xi32, #tpu.memory_space<vmem>>
        %dma_wait3A_235 = tpu.memref_slice %arg3[%mul3A_225] : memref<320000xi32, #tpu.memory_space<hbm>> -> memref<128xi32, #tpu.memory_space<hbm>>
        tpu.wait_dma2 semaphore(%dma_wait3A_231 : memref<!tpu.dma_semaphore, #tpu.memory_space<semaphore_mem>>) src(%dma_wait3A_235 : memref<128xi32, #tpu.memory_space<hbm>>) dst(%dma_wait3A_234 : memref<128xi32, #tpu.memory_space<vmem>>)
        %add3A_236 = arith.constant 1 : i32
        %add3A_237 = arith.addi %while3A_155, %add3A_236 : i32
        %dma_start3A_238 = arith.constant 0 : i32
        %dma_start3A_239 = arith.constant 0 : i32
        %dma_start3A_240 = tpu.memref_slice %arg8[%rem3A_218, %dma_start3A_238, %dma_start3A_239] : memref<3x128x128xf32, #tpu.memory_space<vmem>> -> memref<1x128x128xf32, #tpu.memory_space<vmem>>
        %dma_start3A_241 = tpu.memref_squeeze %dma_start3A_240 : memref<1x128x128xf32, #tpu.memory_space<vmem>> -> memref<128x128xf32, #tpu.memory_space<vmem>>
        %dma_start3A_242 = arith.constant 0 : i32
        %dma_start3A_243 = tpu.memref_slice %arg6[%rem3A_218, %dma_start3A_242] : memref<3x128xi32, #tpu.memory_space<vmem>> -> memref<1x128xi32, #tpu.memory_space<vmem>>
        %dma_start3A_244 = tpu.memref_squeeze %dma_start3A_243 : memref<1x128xi32, #tpu.memory_space<vmem>> -> memref<128xi32, #tpu.memory_space<vmem>>
        %dma_start3A_245 = arith.constant 0 : i32
        %dma_start3A_246 = arith.constant 0 : i32
        %dma_start3A_247 = tpu.memref_slice %arg2[%dma_start3A_245, %dma_start3A_246] : memref<10000x128xf32, #tpu.memory_space<hbm>> -> memref<10000x128xf32, #tpu.memory_space<hbm>>
        %dma_start3A_248 = tpu.memref_slice %arg12[%rem3A_218] : memref<3x!tpu.dma_semaphore, #tpu.memory_space<semaphore_mem>> -> memref<1x!tpu.dma_semaphore, #tpu.memory_space<semaphore_mem>>
        %dma_start3A_249 = tpu.memref_squeeze %dma_start3A_248 : memref<1x!tpu.dma_semaphore, #tpu.memory_space<semaphore_mem>> -> memref<!tpu.dma_semaphore, #tpu.memory_space<semaphore_mem>>
        tpu.enqueue_indirect_dma source(%dma_start3A_247 : memref<10000x128xf32, #tpu.memory_space<hbm>>) target(%dma_start3A_241 : memref<128x128xf32, #tpu.memory_space<vmem>>) offsets(%dma_start3A_244 : memref<128xi32, #tpu.memory_space<vmem>>) semaphore(%dma_start3A_249 : memref<!tpu.dma_semaphore, #tpu.memory_space<semaphore_mem>>)
      } else {
      }
      %dma_wait3A_180 = arith.constant 0 : i32
      %dma_wait3A_181 = arith.constant 0 : i32
      %dma_wait3A_182 = tpu.memref_slice %arg8[%rem3A_158, %dma_wait3A_180, %dma_wait3A_181] : memref<3x128x128xf32, #tpu.memory_space<vmem>> -> memref<1x128x128xf32, #tpu.memory_space<vmem>>
      %dma_wait3A_183 = tpu.memref_squeeze %dma_wait3A_182 : memref<1x128x128xf32, #tpu.memory_space<vmem>> -> memref<128x128xf32, #tpu.memory_space<vmem>>
      %dma_wait3A_184 = arith.constant 0 : i32
      %dma_wait3A_185 = tpu.memref_slice %arg6[%rem3A_158, %dma_wait3A_184] : memref<3x128xi32, #tpu.memory_space<vmem>> -> memref<1x128xi32, #tpu.memory_space<vmem>>
      %dma_wait3A_186 = tpu.memref_squeeze %dma_wait3A_185 : memref<1x128xi32, #tpu.memory_space<vmem>> -> memref<128xi32, #tpu.memory_space<vmem>>
      %dma_wait3A_187 = arith.constant 0 : i32
      %dma_wait3A_188 = arith.constant 0 : i32
      %dma_wait3A_189 = tpu.memref_slice %arg2[%dma_wait3A_187, %dma_wait3A_188] : memref<10000x128xf32, #tpu.memory_space<hbm>> -> memref<10000x128xf32, #tpu.memory_space<hbm>>
      %dma_wait3A_190 = tpu.memref_slice %arg12[%rem3A_158] : memref<3x!tpu.dma_semaphore, #tpu.memory_space<semaphore_mem>> -> memref<1x!tpu.dma_semaphore, #tpu.memory_space<semaphore_mem>>
      %dma_wait3A_191 = tpu.memref_squeeze %dma_wait3A_190 : memref<1x!tpu.dma_semaphore, #tpu.memory_space<semaphore_mem>> -> memref<!tpu.dma_semaphore, #tpu.memory_space<semaphore_mem>>
      tpu.wait_indirect_dma semaphore(%dma_wait3A_191 : memref<!tpu.dma_semaphore, #tpu.memory_space<semaphore_mem>>) src(%dma_wait3A_189 : memref<10000x128xf32, #tpu.memory_space<hbm>>) dst(%dma_wait3A_183 : memref<128x128xf32, #tpu.memory_space<vmem>>)
      %dma_wait3A_192 = arith.constant 0 : i32
      %dma_wait3A_193 = tpu.memref_slice %arg7[%rem3A_160, %dma_wait3A_192] : memref<4x128xi32, #tpu.memory_space<vmem>> -> memref<1x128xi32, #tpu.memory_space<vmem>>
      %dma_wait3A_194 = tpu.memref_squeeze %dma_wait3A_193 : memref<1x128xi32, #tpu.memory_space<vmem>> -> memref<128xi32, #tpu.memory_space<vmem>>
      %dma_wait3A_195 = tpu.memref_slice %arg4[%mul3A_165] : memref<320000xi32, #tpu.memory_space<hbm>> -> memref<128xi32, #tpu.memory_space<hbm>>
      %dma_wait3A_196 = tpu.memref_slice %arg11[%rem3A_160] : memref<4x!tpu.dma_semaphore, #tpu.memory_space<semaphore_mem>> -> memref<1x!tpu.dma_semaphore, #tpu.memory_space<semaphore_mem>>
      %dma_wait3A_197 = tpu.memref_squeeze %dma_wait3A_196 : memref<1x!tpu.dma_semaphore, #tpu.memory_space<semaphore_mem>> -> memref<!tpu.dma_semaphore, #tpu.memory_space<semaphore_mem>>
      %dma_wait3A_198 = arith.constant 0 : i32
      %dma_wait3A_199 = tpu.memref_slice %arg7[%rem3A_160, %dma_wait3A_198] : memref<4x128xi32, #tpu.memory_space<vmem>> -> memref<1x128xi32, #tpu.memory_space<vmem>>
      %dma_wait3A_200 = tpu.memref_squeeze %dma_wait3A_199 : memref<1x128xi32, #tpu.memory_space<vmem>> -> memref<128xi32, #tpu.memory_space<vmem>>
      %dma_wait3A_201 = tpu.memref_slice %arg4[%mul3A_165] : memref<320000xi32, #tpu.memory_space<hbm>> -> memref<128xi32, #tpu.memory_space<hbm>>
      tpu.wait_dma2 semaphore(%dma_wait3A_197 : memref<!tpu.dma_semaphore, #tpu.memory_space<semaphore_mem>>) src(%dma_wait3A_201 : memref<128xi32, #tpu.memory_space<hbm>>) dst(%dma_wait3A_200 : memref<128xi32, #tpu.memory_space<vmem>>)
      %dma_start3A_202 = arith.constant 0 : i32
      %dma_start3A_203 = arith.constant 0 : i32
      %dma_start3A_204 = tpu.memref_slice %arg8[%rem3A_158, %dma_start3A_202, %dma_start3A_203] : memref<3x128x128xf32, #tpu.memory_space<vmem>> -> memref<1x128x128xf32, #tpu.memory_space<vmem>>
      %dma_start3A_205 = tpu.memref_squeeze %dma_start3A_204 : memref<1x128x128xf32, #tpu.memory_space<vmem>> -> memref<128x128xf32, #tpu.memory_space<vmem>>
      %dma_start3A_206 = arith.constant 0 : i32
      %dma_start3A_207 = tpu.memref_slice %arg7[%rem3A_160, %dma_start3A_206] : memref<4x128xi32, #tpu.memory_space<vmem>> -> memref<1x128xi32, #tpu.memory_space<vmem>>
      %dma_start3A_208 = tpu.memref_squeeze %dma_start3A_207 : memref<1x128xi32, #tpu.memory_space<vmem>> -> memref<128xi32, #tpu.memory_space<vmem>>
      %dma_start3A_209 = arith.constant 0 : i32
      %dma_start3A_210 = arith.constant 0 : i32
      %dma_start3A_211 = tpu.memref_slice %arg9[%dma_start3A_209, %dma_start3A_210] : memref<10112x128xf32, #tpu.memory_space<vmem_shared>> -> memref<10112x128xf32, #tpu.memory_space<vmem_shared>>
      %dma_start3A_212 = tpu.memref_slice %arg13[%rem3A_160] : memref<4x!tpu.dma_semaphore, #tpu.memory_space<semaphore_mem>> -> memref<1x!tpu.dma_semaphore, #tpu.memory_space<semaphore_mem>>
      %dma_start3A_213 = tpu.memref_squeeze %dma_start3A_212 : memref<1x!tpu.dma_semaphore, #tpu.memory_space<semaphore_mem>> -> memref<!tpu.dma_semaphore, #tpu.memory_space<semaphore_mem>>
      tpu.enqueue_indirect_dma source(%dma_start3A_205 : memref<128x128xf32, #tpu.memory_space<vmem>>) target(%dma_start3A_211 : memref<10112x128xf32, #tpu.memory_space<vmem_shared>>) offsets(%dma_start3A_208 : memref<128xi32, #tpu.memory_space<vmem>>) semaphore(%dma_start3A_213 : memref<!tpu.dma_semaphore, #tpu.memory_space<semaphore_mem>>) {add = true}
      %while3A_214 = arith.constant 0 : i32
      scf.yield %while3A_214 : i32
    }
    %sub3A = arith.constant 2 : i32
    %sub3A_112 = arith.subi %select_n3A, %sub3A : i32
    %rem3A = arith.constant 4 : i32
    %rem3A_113 = arith.remsi %sub3A_112, %rem3A : i32
    %sub3A_114 = arith.constant 2 : i32
    %sub3A_115 = arith.subi %select_n3A, %sub3A_114 : i32
    %rem3A_116 = arith.constant 3 : i32
    %rem3A_117 = arith.remsi %sub3A_115, %rem3A_116 : i32
    %dma_wait3A_118 = arith.constant 0 : i32
    %dma_wait3A_119 = arith.constant 0 : i32
    %dma_wait3A_120 = tpu.memref_slice %arg8[%rem3A_117, %dma_wait3A_118, %dma_wait3A_119] : memref<3x128x128xf32, #tpu.memory_space<vmem>> -> memref<1x128x128xf32, #tpu.memory_space<vmem>>
    %dma_wait3A_121 = tpu.memref_squeeze %dma_wait3A_120 : memref<1x128x128xf32, #tpu.memory_space<vmem>> -> memref<128x128xf32, #tpu.memory_space<vmem>>
    %dma_wait3A_122 = arith.constant 0 : i32
    %dma_wait3A_123 = tpu.memref_slice %arg7[%rem3A_113, %dma_wait3A_122] : memref<4x128xi32, #tpu.memory_space<vmem>> -> memref<1x128xi32, #tpu.memory_space<vmem>>
    %dma_wait3A_124 = tpu.memref_squeeze %dma_wait3A_123 : memref<1x128xi32, #tpu.memory_space<vmem>> -> memref<128xi32, #tpu.memory_space<vmem>>
    %dma_wait3A_125 = arith.constant 0 : i32
    %dma_wait3A_126 = arith.constant 0 : i32
    %dma_wait3A_127 = tpu.memref_slice %arg9[%dma_wait3A_125, %dma_wait3A_126] : memref<10112x128xf32, #tpu.memory_space<vmem_shared>> -> memref<10112x128xf32, #tpu.memory_space<vmem_shared>>
    %dma_wait3A_128 = tpu.memref_slice %arg13[%rem3A_113] : memref<4x!tpu.dma_semaphore, #tpu.memory_space<semaphore_mem>> -> memref<1x!tpu.dma_semaphore, #tpu.memory_space<semaphore_mem>>
    %dma_wait3A_129 = tpu.memref_squeeze %dma_wait3A_128 : memref<1x!tpu.dma_semaphore, #tpu.memory_space<semaphore_mem>> -> memref<!tpu.dma_semaphore, #tpu.memory_space<semaphore_mem>>
    tpu.wait_indirect_dma semaphore(%dma_wait3A_129 : memref<!tpu.dma_semaphore, #tpu.memory_space<semaphore_mem>>) src(%dma_wait3A_121 : memref<128x128xf32, #tpu.memory_space<vmem>>) dst(%dma_wait3A_127 : memref<10112x128xf32, #tpu.memory_space<vmem_shared>>)
    %sub3A_130 = arith.constant 1 : i32
    %sub3A_131 = arith.subi %select_n3A, %sub3A_130 : i32
    %rem3A_132 = arith.constant 4 : i32
    %rem3A_133 = arith.remsi %sub3A_131, %rem3A_132 : i32
    %sub3A_134 = arith.constant 1 : i32
    %sub3A_135 = arith.subi %select_n3A, %sub3A_134 : i32
    %rem3A_136 = arith.constant 3 : i32
    %rem3A_137 = arith.remsi %sub3A_135, %rem3A_136 : i32
    %dma_wait3A_138 = arith.constant 0 : i32
    %dma_wait3A_139 = arith.constant 0 : i32
    %dma_wait3A_140 = tpu.memref_slice %arg8[%rem3A_137, %dma_wait3A_138, %dma_wait3A_139] : memref<3x128x128xf32, #tpu.memory_space<vmem>> -> memref<1x128x128xf32, #tpu.memory_space<vmem>>
    %dma_wait3A_141 = tpu.memref_squeeze %dma_wait3A_140 : memref<1x128x128xf32, #tpu.memory_space<vmem>> -> memref<128x128xf32, #tpu.memory_space<vmem>>
    %dma_wait3A_142 = arith.constant 0 : i32
    %dma_wait3A_143 = tpu.memref_slice %arg7[%rem3A_133, %dma_wait3A_142] : memref<4x128xi32, #tpu.memory_space<vmem>> -> memref<1x128xi32, #tpu.memory_space<vmem>>
    %dma_wait3A_144 = tpu.memref_squeeze %dma_wait3A_143 : memref<1x128xi32, #tpu.memory_space<vmem>> -> memref<128xi32, #tpu.memory_space<vmem>>
    %dma_wait3A_145 = arith.constant 0 : i32
    %dma_wait3A_146 = arith.constant 0 : i32
    %dma_wait3A_147 = tpu.memref_slice %arg9[%dma_wait3A_145, %dma_wait3A_146] : memref<10112x128xf32, #tpu.memory_space<vmem_shared>> -> memref<10112x128xf32, #tpu.memory_space<vmem_shared>>
    %dma_wait3A_148 = tpu.memref_slice %arg13[%rem3A_133] : memref<4x!tpu.dma_semaphore, #tpu.memory_space<semaphore_mem>> -> memref<1x!tpu.dma_semaphore, #tpu.memory_space<semaphore_mem>>
    %dma_wait3A_149 = tpu.memref_squeeze %dma_wait3A_148 : memref<1x!tpu.dma_semaphore, #tpu.memory_space<semaphore_mem>> -> memref<!tpu.dma_semaphore, #tpu.memory_space<semaphore_mem>>
    tpu.wait_indirect_dma semaphore(%dma_wait3A_149 : memref<!tpu.dma_semaphore, #tpu.memory_space<semaphore_mem>>) src(%dma_wait3A_141 : memref<128x128xf32, #tpu.memory_space<vmem>>) dst(%dma_wait3A_147 : memref<10112x128xf32, #tpu.memory_space<vmem_shared>>)
    %barrier3A_150 = arith.constant 0 : index
    tpu.barrier barrier_id(%barrier3A_150)
    %mul3A_151 = arith.constant 632 : i32
    %mul3A_152 = arith.muli %arg1, %mul3A_151 : i32
    %mul3A_153 = arith.constant 632 : i32
    %mul3A_154 = arith.muli %arg1, %mul3A_153 : i32
    "tpu.region"() ({
      %run_scoped3A = tpu.sem_alloc : memref<!tpu.dma_semaphore, #tpu.memory_space<semaphore_mem>>
      %dma_start3A_155 = arith.constant 0 : i32
      %dma_start3A_156 = tpu.memref_slice %arg5[%arg0, %mul3A_154, %dma_start3A_155] : memref<2x10112x128xf32, #tpu.memory_space<hbm>> -> memref<1x632x128xf32, #tpu.memory_space<hbm>>
      %dma_start3A_157 = tpu.memref_squeeze %dma_start3A_156 : memref<1x632x128xf32, #tpu.memory_space<hbm>> -> memref<632x128xf32, #tpu.memory_space<hbm>>
      %dma_start3A_158 = arith.constant 0 : i32
      %dma_start3A_159 = tpu.memref_slice %arg9[%mul3A_152, %dma_start3A_158] : memref<10112x128xf32, #tpu.memory_space<vmem_shared>> -> memref<632x128xf32, #tpu.memory_space<vmem_shared>>
      tpu.enqueue_dma source(%dma_start3A_159 : memref<632x128xf32, #tpu.memory_space<vmem_shared>>) target(%dma_start3A_157 : memref<632x128xf32, #tpu.memory_space<hbm>>) target_semaphore(%run_scoped3A : memref<!tpu.dma_semaphore, #tpu.memory_space<semaphore_mem>>)
      %dma_wait3A_160 = arith.constant 0 : i32
      %dma_wait3A_161 = tpu.memref_slice %arg5[%arg0, %mul3A_154, %dma_wait3A_160] : memref<2x10112x128xf32, #tpu.memory_space<hbm>> -> memref<1x632x128xf32, #tpu.memory_space<hbm>>
      %dma_wait3A_162 = tpu.memref_squeeze %dma_wait3A_161 : memref<1x632x128xf32, #tpu.memory_space<hbm>> -> memref<632x128xf32, #tpu.memory_space<hbm>>
      %dma_wait3A_163 = arith.constant 0 : i32
      %dma_wait3A_164 = tpu.memref_slice %arg9[%mul3A_152, %dma_wait3A_163] : memref<10112x128xf32, #tpu.memory_space<vmem_shared>> -> memref<632x128xf32, #tpu.memory_space<vmem_shared>>
      tpu.wait_dma2 semaphore(%run_scoped3A : memref<!tpu.dma_semaphore, #tpu.memory_space<semaphore_mem>>) src(%dma_wait3A_164 : memref<632x128xf32, #tpu.memory_space<vmem_shared>>) dst(%dma_wait3A_162 : memref<632x128xf32, #tpu.memory_space<hbm>>)
      tpu.yield
    }) : () -> ()
    return
  }
}

#map = affine_map<(d0, d1) -> (0)>
#map1 = affine_map<(d0, d1) -> (0, 0)>
module attributes {stable_mosaic.version = 14 : i64} {
  func.func @_deg_body(%arg0: i32, %arg1: i32, %arg2: memref<320000xi32, #tpu.memory_space<hbm>>, %arg3: memref<2x10240xf32, #tpu.memory_space<hbm>>, %arg4: memref<8x128xi32, #tpu.memory_space<vmem>>, %arg5: memref<128xf32, #tpu.memory_space<vmem>>, %arg6: memref<640xf32, #tpu.memory_space<vmem>>, %arg7: memref<10240xf32, #tpu.memory_space<vmem_shared>>, %arg8: memref<8x!tpu.dma_semaphore, #tpu.memory_space<semaphore_mem>>, %arg9: memref<8x!tpu.dma_semaphore, #tpu.memory_space<semaphore_mem>>) attributes {dimension_semantics = [#tpu.dimension_semantics<core_parallel>, #tpu.dimension_semantics<subcore_parallel>], iteration_bounds = array<i64: 2, 16>, scalar_prefetch = 0 : i64, scratch_operands = 6 : i64, tpu.core_type = #tpu.core_type<sc_vector_subcore>, window_params = [{transform_indices = #map}, {transform_indices = #map1}]} {
    %mul3A = arith.constant 16 : i32
    %mul3A_0 = arith.muli %arg0, %mul3A : i32
    %add3A = arith.addi %mul3A_0, %arg1 : i32
    %scan3A = arith.constant 0 : i32
    %scan3A_1 = arith.constant 0 : i32
    %scan3A_2 = arith.constant 8 : i32
    %scan3A_3 = arith.addi %scan3A_1, %scan3A_2 : i32
    %scan3A_4 = arith.constant 1 : i32
    %scan3A_5 = scf.for %scan3A_138 = %scan3A_1 to %scan3A_3 step %scan3A_4 iter_args(%scan3A_139 = %scan3A) -> (i32)  : i32 {
      %broadcast_in_dim3A = arith.constant 1.000000e+00 : f32
      %broadcast_in_dim3A_140 = vector.broadcast %broadcast_in_dim3A : f32 to vector<16xf32>
      %mul3A_141 = arith.constant 16 : i32
      %mul3A_142 = arith.muli %scan3A_138, %mul3A_141 : i32
      %swap3A = arith.index_cast %mul3A_142 : i32 to index
      %swap3A_143 = tpu.vector_load %arg5[%swap3A] {strides = array<i32>} : memref<128xf32, #tpu.memory_space<vmem>>, vector<16xf32>,
      %swap3A_144 = vector.shape_cast %swap3A_143 : vector<16xf32> to vector<16xf32>
      %swap3A_145 = vector.shape_cast %broadcast_in_dim3A_140 : vector<16xf32> to vector<16xf32>
      tpu.vector_store %arg5[%swap3A], %swap3A_145 {strides = array<i32>} : memref<128xf32, #tpu.memory_space<vmem>>, vector<16xf32>,
      %scan3A_146 = arith.constant 0 : i32
      scf.yield %scan3A_146 : i32
    }
    %scan3A_6 = arith.constant 8 : i32
    %scan3A_7 = arith.constant 0 : i32
    %scan3A_8 = arith.constant 0 : i32
    %scan3A_9 = arith.constant 40 : i32
    %scan3A_10 = arith.addi %scan3A_8, %scan3A_9 : i32
    %scan3A_11 = arith.constant 1 : i32
    %scan3A_12 = scf.for %scan3A_138 = %scan3A_8 to %scan3A_10 step %scan3A_11 iter_args(%scan3A_139 = %scan3A_7) -> (i32)  : i32 {
      %broadcast_in_dim3A = arith.constant 0.000000e+00 : f32
      %broadcast_in_dim3A_140 = vector.broadcast %broadcast_in_dim3A : f32 to vector<16xf32>
      %mul3A_141 = arith.constant 16 : i32
      %mul3A_142 = arith.muli %scan3A_138, %mul3A_141 : i32
      %swap3A = arith.index_cast %mul3A_142 : i32 to index
      %swap3A_143 = tpu.vector_load %arg6[%swap3A] {strides = array<i32>} : memref<640xf32, #tpu.memory_space<vmem>>, vector<16xf32>,
      %swap3A_144 = vector.shape_cast %swap3A_143 : vector<16xf32> to vector<16xf32>
      %swap3A_145 = vector.shape_cast %broadcast_in_dim3A_140 : vector<16xf32> to vector<16xf32>
      tpu.vector_store %arg6[%swap3A], %swap3A_145 {strides = array<i32>} : memref<640xf32, #tpu.memory_space<vmem>>, vector<16xf32>,
      %scan3A_146 = arith.constant 0 : i32
      scf.yield %scan3A_146 : i32
    }
    %scan3A_13 = arith.constant 40 : i32
    %mul3A_14 = arith.constant 640 : i32
    %mul3A_15 = arith.muli %arg1, %mul3A_14 : i32
    "tpu.region"() ({
      %run_scoped3A = tpu.sem_alloc : memref<!tpu.dma_semaphore, #tpu.memory_space<semaphore_mem>>
      %dma_start3A_138 = tpu.memref_slice %arg7[%mul3A_15] : memref<10240xf32, #tpu.memory_space<vmem_shared>> -> memref<640xf32, #tpu.memory_space<vmem_shared>>
      %dma_start3A_139 = tpu.memref_slice %arg7[%mul3A_15] : memref<10240xf32, #tpu.memory_space<vmem_shared>> -> memref<640xf32, #tpu.memory_space<vmem_shared>>
      tpu.enqueue_dma source(%arg6 : memref<640xf32, #tpu.memory_space<vmem>>) target(%dma_start3A_139 : memref<640xf32, #tpu.memory_space<vmem_shared>>) target_semaphore(%run_scoped3A : memref<!tpu.dma_semaphore, #tpu.memory_space<semaphore_mem>>)
      %dma_wait3A_140 = tpu.memref_slice %arg7[%mul3A_15] : memref<10240xf32, #tpu.memory_space<vmem_shared>> -> memref<640xf32, #tpu.memory_space<vmem_shared>>
      %dma_wait3A_141 = tpu.memref_slice %arg7[%mul3A_15] : memref<10240xf32, #tpu.memory_space<vmem_shared>> -> memref<640xf32, #tpu.memory_space<vmem_shared>>
      tpu.wait_dma2 semaphore(%run_scoped3A : memref<!tpu.dma_semaphore, #tpu.memory_space<semaphore_mem>>) src(%arg6 : memref<640xf32, #tpu.memory_space<vmem>>) dst(%dma_wait3A_141 : memref<640xf32, #tpu.memory_space<vmem_shared>>)
      tpu.yield
    }) : () -> ()
    %barrier3A = arith.constant 0 : index
    tpu.barrier barrier_id(%barrier3A)
    %lt3A = arith.constant 4 : i32
    %lt3A_16 = arith.cmpi slt, %add3A, %lt3A : i32
    %jit3A = arith.constant 79 : i32
    %jit3A_17 = arith.constant 78 : i32
    %select_n3A = arith.select %lt3A_16, %jit3A, %jit3A_17 : i32
    %add3A_18 = arith.constant 0 : i32
    %add3A_19 = arith.addi %add3A, %add3A_18 : i32
    %mul3A_20 = arith.constant 128 : i32
    %mul3A_21 = arith.muli %add3A_19, %mul3A_20 : i32
    %dma_start3A = arith.constant 0 : i32
    %dma_start3A_22 = arith.constant 0 : i32
    %dma_start3A_23 = arith.constant 0 : i32
    %dma_start3A_24 = tpu.memref_slice %arg4[%dma_start3A, %dma_start3A_23] : memref<8x128xi32, #tpu.memory_space<vmem>> -> memref<1x128xi32, #tpu.memory_space<vmem>>
    %dma_start3A_25 = tpu.memref_squeeze %dma_start3A_24 : memref<1x128xi32, #tpu.memory_space<vmem>> -> memref<128xi32, #tpu.memory_space<vmem>>
    %dma_start3A_26 = tpu.memref_slice %arg2[%mul3A_21] : memref<320000xi32, #tpu.memory_space<hbm>> -> memref<128xi32, #tpu.memory_space<hbm>>
    %dma_start3A_27 = tpu.memref_slice %arg8[%dma_start3A_22] : memref<8x!tpu.dma_semaphore, #tpu.memory_space<semaphore_mem>> -> memref<1x!tpu.dma_semaphore, #tpu.memory_space<semaphore_mem>>
    %dma_start3A_28 = tpu.memref_squeeze %dma_start3A_27 : memref<1x!tpu.dma_semaphore, #tpu.memory_space<semaphore_mem>> -> memref<!tpu.dma_semaphore, #tpu.memory_space<semaphore_mem>>
    %dma_start3A_29 = arith.constant 0 : i32
    %dma_start3A_30 = tpu.memref_slice %arg4[%dma_start3A, %dma_start3A_29] : memref<8x128xi32, #tpu.memory_space<vmem>> -> memref<1x128xi32, #tpu.memory_space<vmem>>
    %dma_start3A_31 = tpu.memref_squeeze %dma_start3A_30 : memref<1x128xi32, #tpu.memory_space<vmem>> -> memref<128xi32, #tpu.memory_space<vmem>>
    %dma_start3A_32 = tpu.memref_slice %arg2[%mul3A_21] : memref<320000xi32, #tpu.memory_space<hbm>> -> memref<128xi32, #tpu.memory_space<hbm>>
    tpu.enqueue_dma source(%dma_start3A_32 : memref<128xi32, #tpu.memory_space<hbm>>) target(%dma_start3A_31 : memref<128xi32, #tpu.memory_space<vmem>>) target_semaphore(%dma_start3A_28 : memref<!tpu.dma_semaphore, #tpu.memory_space<semaphore_mem>>)
    %add3A_33 = arith.constant 32 : i32
    %add3A_34 = arith.addi %add3A, %add3A_33 : i32
    %mul3A_35 = arith.constant 128 : i32
    %mul3A_36 = arith.muli %add3A_34, %mul3A_35 : i32
    %dma_start3A_37 = arith.constant 1 : i32
    %dma_start3A_38 = arith.constant 1 : i32
    %dma_start3A_39 = arith.constant 0 : i32
    %dma_start3A_40 = tpu.memref_slice %arg4[%dma_start3A_37, %dma_start3A_39] : memref<8x128xi32, #tpu.memory_space<vmem>> -> memref<1x128xi32, #tpu.memory_space<vmem>>
    %dma_start3A_41 = tpu.memref_squeeze %dma_start3A_40 : memref<1x128xi32, #tpu.memory_space<vmem>> -> memref<128xi32, #tpu.memory_space<vmem>>
    %dma_start3A_42 = tpu.memref_slice %arg2[%mul3A_36] : memref<320000xi32, #tpu.memory_space<hbm>> -> memref<128xi32, #tpu.memory_space<hbm>>
    %dma_start3A_43 = tpu.memref_slice %arg8[%dma_start3A_38] : memref<8x!tpu.dma_semaphore, #tpu.memory_space<semaphore_mem>> -> memref<1x!tpu.dma_semaphore, #tpu.memory_space<semaphore_mem>>
    %dma_start3A_44 = tpu.memref_squeeze %dma_start3A_43 : memref<1x!tpu.dma_semaphore, #tpu.memory_space<semaphore_mem>> -> memref<!tpu.dma_semaphore, #tpu.memory_space<semaphore_mem>>
    %dma_start3A_45 = arith.constant 0 : i32
    %dma_start3A_46 = tpu.memref_slice %arg4[%dma_start3A_37, %dma_start3A_45] : memref<8x128xi32, #tpu.memory_space<vmem>> -> memref<1x128xi32, #tpu.memory_space<vmem>>
    %dma_start3A_47 = tpu.memref_squeeze %dma_start3A_46 : memref<1x128xi32, #tpu.memory_space<vmem>> -> memref<128xi32, #tpu.memory_space<vmem>>
    %dma_start3A_48 = tpu.memref_slice %arg2[%mul3A_36] : memref<320000xi32, #tpu.memory_space<hbm>> -> memref<128xi32, #tpu.memory_space<hbm>>
    tpu.enqueue_dma source(%dma_start3A_48 : memref<128xi32, #tpu.memory_space<hbm>>) target(%dma_start3A_47 : memref<128xi32, #tpu.memory_space<vmem>>) target_semaphore(%dma_start3A_44 : memref<!tpu.dma_semaphore, #tpu.memory_space<semaphore_mem>>)
    %add3A_49 = arith.constant 64 : i32
    %add3A_50 = arith.addi %add3A, %add3A_49 : i32
    %mul3A_51 = arith.constant 128 : i32
    %mul3A_52 = arith.muli %add3A_50, %mul3A_51 : i32
    %dma_start3A_53 = arith.constant 2 : i32
    %dma_start3A_54 = arith.constant 2 : i32
    %dma_start3A_55 = arith.constant 0 : i32
    %dma_start3A_56 = tpu.memref_slice %arg4[%dma_start3A_53, %dma_start3A_55] : memref<8x128xi32, #tpu.memory_space<vmem>> -> memref<1x128xi32, #tpu.memory_space<vmem>>
    %dma_start3A_57 = tpu.memref_squeeze %dma_start3A_56 : memref<1x128xi32, #tpu.memory_space<vmem>> -> memref<128xi32, #tpu.memory_space<vmem>>
    %dma_start3A_58 = tpu.memref_slice %arg2[%mul3A_52] : memref<320000xi32, #tpu.memory_space<hbm>> -> memref<128xi32, #tpu.memory_space<hbm>>
    %dma_start3A_59 = tpu.memref_slice %arg8[%dma_start3A_54] : memref<8x!tpu.dma_semaphore, #tpu.memory_space<semaphore_mem>> -> memref<1x!tpu.dma_semaphore, #tpu.memory_space<semaphore_mem>>
    %dma_start3A_60 = tpu.memref_squeeze %dma_start3A_59 : memref<1x!tpu.dma_semaphore, #tpu.memory_space<semaphore_mem>> -> memref<!tpu.dma_semaphore, #tpu.memory_space<semaphore_mem>>
    %dma_start3A_61 = arith.constant 0 : i32
    %dma_start3A_62 = tpu.memref_slice %arg4[%dma_start3A_53, %dma_start3A_61] : memref<8x128xi32, #tpu.memory_space<vmem>> -> memref<1x128xi32, #tpu.memory_space<vmem>>
    %dma_start3A_63 = tpu.memref_squeeze %dma_start3A_62 : memref<1x128xi32, #tpu.memory_space<vmem>> -> memref<128xi32, #tpu.memory_space<vmem>>
    %dma_start3A_64 = tpu.memref_slice %arg2[%mul3A_52] : memref<320000xi32, #tpu.memory_space<hbm>> -> memref<128xi32, #tpu.memory_space<hbm>>
    tpu.enqueue_dma source(%dma_start3A_64 : memref<128xi32, #tpu.memory_space<hbm>>) target(%dma_start3A_63 : memref<128xi32, #tpu.memory_space<vmem>>) target_semaphore(%dma_start3A_60 : memref<!tpu.dma_semaphore, #tpu.memory_space<semaphore_mem>>)
    %add3A_65 = arith.constant 96 : i32
    %add3A_66 = arith.addi %add3A, %add3A_65 : i32
    %mul3A_67 = arith.constant 128 : i32
    %mul3A_68 = arith.muli %add3A_66, %mul3A_67 : i32
    %dma_start3A_69 = arith.constant 3 : i32
    %dma_start3A_70 = arith.constant 3 : i32
    %dma_start3A_71 = arith.constant 0 : i32
    %dma_start3A_72 = tpu.memref_slice %arg4[%dma_start3A_69, %dma_start3A_71] : memref<8x128xi32, #tpu.memory_space<vmem>> -> memref<1x128xi32, #tpu.memory_space<vmem>>
    %dma_start3A_73 = tpu.memref_squeeze %dma_start3A_72 : memref<1x128xi32, #tpu.memory_space<vmem>> -> memref<128xi32, #tpu.memory_space<vmem>>
    %dma_start3A_74 = tpu.memref_slice %arg2[%mul3A_68] : memref<320000xi32, #tpu.memory_space<hbm>> -> memref<128xi32, #tpu.memory_space<hbm>>
    %dma_start3A_75 = tpu.memref_slice %arg8[%dma_start3A_70] : memref<8x!tpu.dma_semaphore, #tpu.memory_space<semaphore_mem>> -> memref<1x!tpu.dma_semaphore, #tpu.memory_space<semaphore_mem>>
    %dma_start3A_76 = tpu.memref_squeeze %dma_start3A_75 : memref<1x!tpu.dma_semaphore, #tpu.memory_space<semaphore_mem>> -> memref<!tpu.dma_semaphore, #tpu.memory_space<semaphore_mem>>
    %dma_start3A_77 = arith.constant 0 : i32
    %dma_start3A_78 = tpu.memref_slice %arg4[%dma_start3A_69, %dma_start3A_77] : memref<8x128xi32, #tpu.memory_space<vmem>> -> memref<1x128xi32, #tpu.memory_space<vmem>>
    %dma_start3A_79 = tpu.memref_squeeze %dma_start3A_78 : memref<1x128xi32, #tpu.memory_space<vmem>> -> memref<128xi32, #tpu.memory_space<vmem>>
    %dma_start3A_80 = tpu.memref_slice %arg2[%mul3A_68] : memref<320000xi32, #tpu.memory_space<hbm>> -> memref<128xi32, #tpu.memory_space<hbm>>
    tpu.enqueue_dma source(%dma_start3A_80 : memref<128xi32, #tpu.memory_space<hbm>>) target(%dma_start3A_79 : memref<128xi32, #tpu.memory_space<vmem>>) target_semaphore(%dma_start3A_76 : memref<!tpu.dma_semaphore, #tpu.memory_space<semaphore_mem>>)
    %while3A = arith.constant 0 : i32
    %while3A_81 = arith.constant 0 : i32
    %while3A_82 = arith.subi %select_n3A, %while3A : i32
    %while3A_83 = arith.addi %while3A, %while3A_82 : i32
    %while3A_84 = arith.constant 1 : i32
    %while3A_85 = arith.divsi %while3A_82, %while3A_84 : i32
    %while3A_86 = arith.muli %while3A_85, %while3A_84 : i32
    %while3A_87 = arith.addi %while3A, %while3A_86 : i32
    %while3A_88 = arith.constant 1 : i32
    %while3A_89 = scf.for %while3A_138 = %while3A to %while3A_87 step %while3A_88 iter_args(%while3A_139 = %while3A_81) -> (i32)  : i32 {
      %rem3A_140 = arith.constant 8 : i32
      %rem3A_141 = arith.remsi %while3A_138, %rem3A_140 : i32
      %mul3A_142 = arith.constant 32 : i32
      %mul3A_143 = arith.muli %while3A_138, %mul3A_142 : i32
      %add3A_144 = arith.addi %add3A, %mul3A_143 : i32
      %mul3A_145 = arith.constant 128 : i32
      %mul3A_146 = arith.muli %add3A_144, %mul3A_145 : i32
      %dma_wait3A_147 = arith.constant 0 : i32
      %dma_wait3A_148 = tpu.memref_slice %arg4[%rem3A_141, %dma_wait3A_147] : memref<8x128xi32, #tpu.memory_space<vmem>> -> memref<1x128xi32, #tpu.memory_space<vmem>>
      %dma_wait3A_149 = tpu.memref_squeeze %dma_wait3A_148 : memref<1x128xi32, #tpu.memory_space<vmem>> -> memref<128xi32, #tpu.memory_space<vmem>>
      %dma_wait3A_150 = tpu.memref_slice %arg2[%mul3A_146] : memref<320000xi32, #tpu.memory_space<hbm>> -> memref<128xi32, #tpu.memory_space<hbm>>
      %dma_wait3A_151 = tpu.memref_slice %arg8[%rem3A_141] : memref<8x!tpu.dma_semaphore, #tpu.memory_space<semaphore_mem>> -> memref<1x!tpu.dma_semaphore, #tpu.memory_space<semaphore_mem>>
      %dma_wait3A_152 = tpu.memref_squeeze %dma_wait3A_151 : memref<1x!tpu.dma_semaphore, #tpu.memory_space<semaphore_mem>> -> memref<!tpu.dma_semaphore, #tpu.memory_space<semaphore_mem>>
      %dma_wait3A_153 = arith.constant 0 : i32
      %dma_wait3A_154 = tpu.memref_slice %arg4[%rem3A_141, %dma_wait3A_153] : memref<8x128xi32, #tpu.memory_space<vmem>> -> memref<1x128xi32, #tpu.memory_space<vmem>>
      %dma_wait3A_155 = tpu.memref_squeeze %dma_wait3A_154 : memref<1x128xi32, #tpu.memory_space<vmem>> -> memref<128xi32, #tpu.memory_space<vmem>>
      %dma_wait3A_156 = tpu.memref_slice %arg2[%mul3A_146] : memref<320000xi32, #tpu.memory_space<hbm>> -> memref<128xi32, #tpu.memory_space<hbm>>
      tpu.wait_dma2 semaphore(%dma_wait3A_152 : memref<!tpu.dma_semaphore, #tpu.memory_space<semaphore_mem>>) src(%dma_wait3A_156 : memref<128xi32, #tpu.memory_space<hbm>>) dst(%dma_wait3A_155 : memref<128xi32, #tpu.memory_space<vmem>>)
      %ge3A = arith.constant 4 : i32
      %ge3A_157 = arith.cmpi sge, %while3A_138, %ge3A : i32
      %convert_element_type3A = arith.extui %ge3A_157 : i1 to i32
      %cond3A = arith.constant 0 : i32
      %cond3A_158 = arith.cmpi ne, %convert_element_type3A, %cond3A : i32
      scf.if %cond3A_158 {
        %sub3A_173 = arith.constant 4 : i32
        %sub3A_174 = arith.subi %while3A_138, %sub3A_173 : i32
        %rem3A_175 = arith.constant 8 : i32
        %rem3A_176 = arith.remsi %sub3A_174, %rem3A_175 : i32
        %dma_wait3A_177 = arith.constant 0 : i32
        %dma_wait3A_178 = tpu.memref_slice %arg4[%rem3A_176, %dma_wait3A_177] : memref<8x128xi32, #tpu.memory_space<vmem>> -> memref<1x128xi32, #tpu.memory_space<vmem>>
        %dma_wait3A_179 = tpu.memref_squeeze %dma_wait3A_178 : memref<1x128xi32, #tpu.memory_space<vmem>> -> memref<128xi32, #tpu.memory_space<vmem>>
        %dma_wait3A_180 = arith.constant 0 : i32
        %dma_wait3A_181 = tpu.memref_slice %arg7[%dma_wait3A_180] : memref<10240xf32, #tpu.memory_space<vmem_shared>> -> memref<10240xf32, #tpu.memory_space<vmem_shared>>
        %dma_wait3A_182 = tpu.memref_slice %arg9[%rem3A_176] : memref<8x!tpu.dma_semaphore, #tpu.memory_space<semaphore_mem>> -> memref<1x!tpu.dma_semaphore, #tpu.memory_space<semaphore_mem>>
        %dma_wait3A_183 = tpu.memref_squeeze %dma_wait3A_182 : memref<1x!tpu.dma_semaphore, #tpu.memory_space<semaphore_mem>> -> memref<!tpu.dma_semaphore, #tpu.memory_space<semaphore_mem>>
        tpu.wait_indirect_dma semaphore(%dma_wait3A_183 : memref<!tpu.dma_semaphore, #tpu.memory_space<semaphore_mem>>) src(%arg5 : memref<128xf32, #tpu.memory_space<vmem>>) dst(%dma_wait3A_181 : memref<10240xf32, #tpu.memory_space<vmem_shared>>)
      } else {
      }
      %add3A_159 = arith.constant 4 : i32
      %add3A_160 = arith.addi %while3A_138, %add3A_159 : i32
      %lt3A_161 = arith.cmpi slt, %add3A_160, %select_n3A : i32
      %convert_element_type3A_162 = arith.extui %lt3A_161 : i1 to i32
      %cond3A_163 = arith.constant 0 : i32
      %cond3A_164 = arith.cmpi ne, %convert_element_type3A_162, %cond3A_163 : i32
      scf.if %cond3A_164 {
        %add3A_173 = arith.constant 4 : i32
        %add3A_174 = arith.addi %while3A_138, %add3A_173 : i32
        %add3A_175 = arith.constant 4 : i32
        %add3A_176 = arith.addi %while3A_138, %add3A_175 : i32
        %rem3A_177 = arith.constant 8 : i32
        %rem3A_178 = arith.remsi %add3A_176, %rem3A_177 : i32
        %mul3A_179 = arith.constant 32 : i32
        %mul3A_180 = arith.muli %add3A_174, %mul3A_179 : i32
        %add3A_181 = arith.addi %add3A, %mul3A_180 : i32
        %mul3A_182 = arith.constant 128 : i32
        %mul3A_183 = arith.muli %add3A_181, %mul3A_182 : i32
        %dma_start3A_184 = arith.constant 0 : i32
        %dma_start3A_185 = tpu.memref_slice %arg4[%rem3A_178, %dma_start3A_184] : memref<8x128xi32, #tpu.memory_space<vmem>> -> memref<1x128xi32, #tpu.memory_space<vmem>>
        %dma_start3A_186 = tpu.memref_squeeze %dma_start3A_185 : memref<1x128xi32, #tpu.memory_space<vmem>> -> memref<128xi32, #tpu.memory_space<vmem>>
        %dma_start3A_187 = tpu.memref_slice %arg2[%mul3A_183] : memref<320000xi32, #tpu.memory_space<hbm>> -> memref<128xi32, #tpu.memory_space<hbm>>
        %dma_start3A_188 = tpu.memref_slice %arg8[%rem3A_178] : memref<8x!tpu.dma_semaphore, #tpu.memory_space<semaphore_mem>> -> memref<1x!tpu.dma_semaphore, #tpu.memory_space<semaphore_mem>>
        %dma_start3A_189 = tpu.memref_squeeze %dma_start3A_188 : memref<1x!tpu.dma_semaphore, #tpu.memory_space<semaphore_mem>> -> memref<!tpu.dma_semaphore, #tpu.memory_space<semaphore_mem>>
        %dma_start3A_190 = arith.constant 0 : i32
        %dma_start3A_191 = tpu.memref_slice %arg4[%rem3A_178, %dma_start3A_190] : memref<8x128xi32, #tpu.memory_space<vmem>> -> memref<1x128xi32, #tpu.memory_space<vmem>>
        %dma_start3A_192 = tpu.memref_squeeze %dma_start3A_191 : memref<1x128xi32, #tpu.memory_space<vmem>> -> memref<128xi32, #tpu.memory_space<vmem>>
        %dma_start3A_193 = tpu.memref_slice %arg2[%mul3A_183] : memref<320000xi32, #tpu.memory_space<hbm>> -> memref<128xi32, #tpu.memory_space<hbm>>
        tpu.enqueue_dma source(%dma_start3A_193 : memref<128xi32, #tpu.memory_space<hbm>>) target(%dma_start3A_192 : memref<128xi32, #tpu.memory_space<vmem>>) target_semaphore(%dma_start3A_189 : memref<!tpu.dma_semaphore, #tpu.memory_space<semaphore_mem>>)
      } else {
      }
      %dma_start3A_165 = arith.constant 0 : i32
      %dma_start3A_166 = tpu.memref_slice %arg4[%rem3A_141, %dma_start3A_165] : memref<8x128xi32, #tpu.memory_space<vmem>> -> memref<1x128xi32, #tpu.memory_space<vmem>>
      %dma_start3A_167 = tpu.memref_squeeze %dma_start3A_166 : memref<1x128xi32, #tpu.memory_space<vmem>> -> memref<128xi32, #tpu.memory_space<vmem>>
      %dma_start3A_168 = arith.constant 0 : i32
      %dma_start3A_169 = tpu.memref_slice %arg7[%dma_start3A_168] : memref<10240xf32, #tpu.memory_space<vmem_shared>> -> memref<10240xf32, #tpu.memory_space<vmem_shared>>
      %dma_start3A_170 = tpu.memref_slice %arg9[%rem3A_141] : memref<8x!tpu.dma_semaphore, #tpu.memory_space<semaphore_mem>> -> memref<1x!tpu.dma_semaphore, #tpu.memory_space<semaphore_mem>>
      %dma_start3A_171 = tpu.memref_squeeze %dma_start3A_170 : memref<1x!tpu.dma_semaphore, #tpu.memory_space<semaphore_mem>> -> memref<!tpu.dma_semaphore, #tpu.memory_space<semaphore_mem>>
      tpu.enqueue_indirect_dma source(%arg5 : memref<128xf32, #tpu.memory_space<vmem>>) target(%dma_start3A_169 : memref<10240xf32, #tpu.memory_space<vmem_shared>>) offsets(%dma_start3A_167 : memref<128xi32, #tpu.memory_space<vmem>>) semaphore(%dma_start3A_171 : memref<!tpu.dma_semaphore, #tpu.memory_space<semaphore_mem>>) {add = true}
      %while3A_172 = arith.constant 0 : i32
      scf.yield %while3A_172 : i32
    }
    %while3A_90 = arith.constant 1 : i32
    %while3A_91 = scf.for %while3A_138 = %while3A_87 to %while3A_83 step %while3A_90 iter_args(%while3A_139 = %while3A_89) -> (i32)  : i32 {
      %rem3A_140 = arith.constant 8 : i32
      %rem3A_141 = arith.remsi %while3A_138, %rem3A_140 : i32
      %mul3A_142 = arith.constant 32 : i32
      %mul3A_143 = arith.muli %while3A_138, %mul3A_142 : i32
      %add3A_144 = arith.addi %add3A, %mul3A_143 : i32
      %mul3A_145 = arith.constant 128 : i32
      %mul3A_146 = arith.muli %add3A_144, %mul3A_145 : i32
      %dma_wait3A_147 = arith.constant 0 : i32
      %dma_wait3A_148 = tpu.memref_slice %arg4[%rem3A_141, %dma_wait3A_147] : memref<8x128xi32, #tpu.memory_space<vmem>> -> memref<1x128xi32, #tpu.memory_space<vmem>>
      %dma_wait3A_149 = tpu.memref_squeeze %dma_wait3A_148 : memref<1x128xi32, #tpu.memory_space<vmem>> -> memref<128xi32, #tpu.memory_space<vmem>>
      %dma_wait3A_150 = tpu.memref_slice %arg2[%mul3A_146] : memref<320000xi32, #tpu.memory_space<hbm>> -> memref<128xi32, #tpu.memory_space<hbm>>
      %dma_wait3A_151 = tpu.memref_slice %arg8[%rem3A_141] : memref<8x!tpu.dma_semaphore, #tpu.memory_space<semaphore_mem>> -> memref<1x!tpu.dma_semaphore, #tpu.memory_space<semaphore_mem>>
      %dma_wait3A_152 = tpu.memref_squeeze %dma_wait3A_151 : memref<1x!tpu.dma_semaphore, #tpu.memory_space<semaphore_mem>> -> memref<!tpu.dma_semaphore, #tpu.memory_space<semaphore_mem>>
      %dma_wait3A_153 = arith.constant 0 : i32
      %dma_wait3A_154 = tpu.memref_slice %arg4[%rem3A_141, %dma_wait3A_153] : memref<8x128xi32, #tpu.memory_space<vmem>> -> memref<1x128xi32, #tpu.memory_space<vmem>>
      %dma_wait3A_155 = tpu.memref_squeeze %dma_wait3A_154 : memref<1x128xi32, #tpu.memory_space<vmem>> -> memref<128xi32, #tpu.memory_space<vmem>>
      %dma_wait3A_156 = tpu.memref_slice %arg2[%mul3A_146] : memref<320000xi32, #tpu.memory_space<hbm>> -> memref<128xi32, #tpu.memory_space<hbm>>
      tpu.wait_dma2 semaphore(%dma_wait3A_152 : memref<!tpu.dma_semaphore, #tpu.memory_space<semaphore_mem>>) src(%dma_wait3A_156 : memref<128xi32, #tpu.memory_space<hbm>>) dst(%dma_wait3A_155 : memref<128xi32, #tpu.memory_space<vmem>>)
      %ge3A = arith.constant 4 : i32
      %ge3A_157 = arith.cmpi sge, %while3A_138, %ge3A : i32
      %convert_element_type3A = arith.extui %ge3A_157 : i1 to i32
      %cond3A = arith.constant 0 : i32
      %cond3A_158 = arith.cmpi ne, %convert_element_type3A, %cond3A : i32
      scf.if %cond3A_158 {
        %sub3A_173 = arith.constant 4 : i32
        %sub3A_174 = arith.subi %while3A_138, %sub3A_173 : i32
        %rem3A_175 = arith.constant 8 : i32
        %rem3A_176 = arith.remsi %sub3A_174, %rem3A_175 : i32
        %dma_wait3A_177 = arith.constant 0 : i32
        %dma_wait3A_178 = tpu.memref_slice %arg4[%rem3A_176, %dma_wait3A_177] : memref<8x128xi32, #tpu.memory_space<vmem>> -> memref<1x128xi32, #tpu.memory_space<vmem>>
        %dma_wait3A_179 = tpu.memref_squeeze %dma_wait3A_178 : memref<1x128xi32, #tpu.memory_space<vmem>> -> memref<128xi32, #tpu.memory_space<vmem>>
        %dma_wait3A_180 = arith.constant 0 : i32
        %dma_wait3A_181 = tpu.memref_slice %arg7[%dma_wait3A_180] : memref<10240xf32, #tpu.memory_space<vmem_shared>> -> memref<10240xf32, #tpu.memory_space<vmem_shared>>
        %dma_wait3A_182 = tpu.memref_slice %arg9[%rem3A_176] : memref<8x!tpu.dma_semaphore, #tpu.memory_space<semaphore_mem>> -> memref<1x!tpu.dma_semaphore, #tpu.memory_space<semaphore_mem>>
        %dma_wait3A_183 = tpu.memref_squeeze %dma_wait3A_182 : memref<1x!tpu.dma_semaphore, #tpu.memory_space<semaphore_mem>> -> memref<!tpu.dma_semaphore, #tpu.memory_space<semaphore_mem>>
        tpu.wait_indirect_dma semaphore(%dma_wait3A_183 : memref<!tpu.dma_semaphore, #tpu.memory_space<semaphore_mem>>) src(%arg5 : memref<128xf32, #tpu.memory_space<vmem>>) dst(%dma_wait3A_181 : memref<10240xf32, #tpu.memory_space<vmem_shared>>)
      } else {
      }
      %add3A_159 = arith.constant 4 : i32
      %add3A_160 = arith.addi %while3A_138, %add3A_159 : i32
      %lt3A_161 = arith.cmpi slt, %add3A_160, %select_n3A : i32
      %convert_element_type3A_162 = arith.extui %lt3A_161 : i1 to i32
      %cond3A_163 = arith.constant 0 : i32
      %cond3A_164 = arith.cmpi ne, %convert_element_type3A_162, %cond3A_163 : i32
      scf.if %cond3A_164 {
        %add3A_173 = arith.constant 4 : i32
        %add3A_174 = arith.addi %while3A_138, %add3A_173 : i32
        %add3A_175 = arith.constant 4 : i32
        %add3A_176 = arith.addi %while3A_138, %add3A_175 : i32
        %rem3A_177 = arith.constant 8 : i32
        %rem3A_178 = arith.remsi %add3A_176, %rem3A_177 : i32
        %mul3A_179 = arith.constant 32 : i32
        %mul3A_180 = arith.muli %add3A_174, %mul3A_179 : i32
        %add3A_181 = arith.addi %add3A, %mul3A_180 : i32
        %mul3A_182 = arith.constant 128 : i32
        %mul3A_183 = arith.muli %add3A_181, %mul3A_182 : i32
        %dma_start3A_184 = arith.constant 0 : i32
        %dma_start3A_185 = tpu.memref_slice %arg4[%rem3A_178, %dma_start3A_184] : memref<8x128xi32, #tpu.memory_space<vmem>> -> memref<1x128xi32, #tpu.memory_space<vmem>>
        %dma_start3A_186 = tpu.memref_squeeze %dma_start3A_185 : memref<1x128xi32, #tpu.memory_space<vmem>> -> memref<128xi32, #tpu.memory_space<vmem>>
        %dma_start3A_187 = tpu.memref_slice %arg2[%mul3A_183] : memref<320000xi32, #tpu.memory_space<hbm>> -> memref<128xi32, #tpu.memory_space<hbm>>
        %dma_start3A_188 = tpu.memref_slice %arg8[%rem3A_178] : memref<8x!tpu.dma_semaphore, #tpu.memory_space<semaphore_mem>> -> memref<1x!tpu.dma_semaphore, #tpu.memory_space<semaphore_mem>>
        %dma_start3A_189 = tpu.memref_squeeze %dma_start3A_188 : memref<1x!tpu.dma_semaphore, #tpu.memory_space<semaphore_mem>> -> memref<!tpu.dma_semaphore, #tpu.memory_space<semaphore_mem>>
        %dma_start3A_190 = arith.constant 0 : i32
        %dma_start3A_191 = tpu.memref_slice %arg4[%rem3A_178, %dma_start3A_190] : memref<8x128xi32, #tpu.memory_space<vmem>> -> memref<1x128xi32, #tpu.memory_space<vmem>>
        %dma_start3A_192 = tpu.memref_squeeze %dma_start3A_191 : memref<1x128xi32, #tpu.memory_space<vmem>> -> memref<128xi32, #tpu.memory_space<vmem>>
        %dma_start3A_193 = tpu.memref_slice %arg2[%mul3A_183] : memref<320000xi32, #tpu.memory_space<hbm>> -> memref<128xi32, #tpu.memory_space<hbm>>
        tpu.enqueue_dma source(%dma_start3A_193 : memref<128xi32, #tpu.memory_space<hbm>>) target(%dma_start3A_192 : memref<128xi32, #tpu.memory_space<vmem>>) target_semaphore(%dma_start3A_189 : memref<!tpu.dma_semaphore, #tpu.memory_space<semaphore_mem>>)
      } else {
      }
      %dma_start3A_165 = arith.constant 0 : i32
      %dma_start3A_166 = tpu.memref_slice %arg4[%rem3A_141, %dma_start3A_165] : memref<8x128xi32, #tpu.memory_space<vmem>> -> memref<1x128xi32, #tpu.memory_space<vmem>>
      %dma_start3A_167 = tpu.memref_squeeze %dma_start3A_166 : memref<1x128xi32, #tpu.memory_space<vmem>> -> memref<128xi32, #tpu.memory_space<vmem>>
      %dma_start3A_168 = arith.constant 0 : i32
      %dma_start3A_169 = tpu.memref_slice %arg7[%dma_start3A_168] : memref<10240xf32, #tpu.memory_space<vmem_shared>> -> memref<10240xf32, #tpu.memory_space<vmem_shared>>
      %dma_start3A_170 = tpu.memref_slice %arg9[%rem3A_141] : memref<8x!tpu.dma_semaphore, #tpu.memory_space<semaphore_mem>> -> memref<1x!tpu.dma_semaphore, #tpu.memory_space<semaphore_mem>>
      %dma_start3A_171 = tpu.memref_squeeze %dma_start3A_170 : memref<1x!tpu.dma_semaphore, #tpu.memory_space<semaphore_mem>> -> memref<!tpu.dma_semaphore, #tpu.memory_space<semaphore_mem>>
      tpu.enqueue_indirect_dma source(%arg5 : memref<128xf32, #tpu.memory_space<vmem>>) target(%dma_start3A_169 : memref<10240xf32, #tpu.memory_space<vmem_shared>>) offsets(%dma_start3A_167 : memref<128xi32, #tpu.memory_space<vmem>>) semaphore(%dma_start3A_171 : memref<!tpu.dma_semaphore, #tpu.memory_space<semaphore_mem>>) {add = true}
      %while3A_172 = arith.constant 0 : i32
      scf.yield %while3A_172 : i32
    }
    %sub3A = arith.constant 4 : i32
    %sub3A_92 = arith.subi %select_n3A, %sub3A : i32
    %rem3A = arith.constant 8 : i32
    %rem3A_93 = arith.remsi %sub3A_92, %rem3A : i32
    %dma_wait3A = arith.constant 0 : i32
    %dma_wait3A_94 = tpu.memref_slice %arg4[%rem3A_93, %dma_wait3A] : memref<8x128xi32, #tpu.memory_space<vmem>> -> memref<1x128xi32, #tpu.memory_space<vmem>>
    %dma_wait3A_95 = tpu.memref_squeeze %dma_wait3A_94 : memref<1x128xi32, #tpu.memory_space<vmem>> -> memref<128xi32, #tpu.memory_space<vmem>>
    %dma_wait3A_96 = arith.constant 0 : i32
    %dma_wait3A_97 = tpu.memref_slice %arg7[%dma_wait3A_96] : memref<10240xf32, #tpu.memory_space<vmem_shared>> -> memref<10240xf32, #tpu.memory_space<vmem_shared>>
    %dma_wait3A_98 = tpu.memref_slice %arg9[%rem3A_93] : memref<8x!tpu.dma_semaphore, #tpu.memory_space<semaphore_mem>> -> memref<1x!tpu.dma_semaphore, #tpu.memory_space<semaphore_mem>>
    %dma_wait3A_99 = tpu.memref_squeeze %dma_wait3A_98 : memref<1x!tpu.dma_semaphore, #tpu.memory_space<semaphore_mem>> -> memref<!tpu.dma_semaphore, #tpu.memory_space<semaphore_mem>>
    tpu.wait_indirect_dma semaphore(%dma_wait3A_99 : memref<!tpu.dma_semaphore, #tpu.memory_space<semaphore_mem>>) src(%arg5 : memref<128xf32, #tpu.memory_space<vmem>>) dst(%dma_wait3A_97 : memref<10240xf32, #tpu.memory_space<vmem_shared>>)
    %sub3A_100 = arith.constant 3 : i32
    %sub3A_101 = arith.subi %select_n3A, %sub3A_100 : i32
    %rem3A_102 = arith.constant 8 : i32
    %rem3A_103 = arith.remsi %sub3A_101, %rem3A_102 : i32
    %dma_wait3A_104 = arith.constant 0 : i32
    %dma_wait3A_105 = tpu.memref_slice %arg4[%rem3A_103, %dma_wait3A_104] : memref<8x128xi32, #tpu.memory_space<vmem>> -> memref<1x128xi32, #tpu.memory_space<vmem>>
    %dma_wait3A_106 = tpu.memref_squeeze %dma_wait3A_105 : memref<1x128xi32, #tpu.memory_space<vmem>> -> memref<128xi32, #tpu.memory_space<vmem>>
    %dma_wait3A_107 = arith.constant 0 : i32
    %dma_wait3A_108 = tpu.memref_slice %arg7[%dma_wait3A_107] : memref<10240xf32, #tpu.memory_space<vmem_shared>> -> memref<10240xf32, #tpu.memory_space<vmem_shared>>
    %dma_wait3A_109 = tpu.memref_slice %arg9[%rem3A_103] : memref<8x!tpu.dma_semaphore, #tpu.memory_space<semaphore_mem>> -> memref<1x!tpu.dma_semaphore, #tpu.memory_space<semaphore_mem>>
    %dma_wait3A_110 = tpu.memref_squeeze %dma_wait3A_109 : memref<1x!tpu.dma_semaphore, #tpu.memory_space<semaphore_mem>> -> memref<!tpu.dma_semaphore, #tpu.memory_space<semaphore_mem>>
    tpu.wait_indirect_dma semaphore(%dma_wait3A_110 : memref<!tpu.dma_semaphore, #tpu.memory_space<semaphore_mem>>) src(%arg5 : memref<128xf32, #tpu.memory_space<vmem>>) dst(%dma_wait3A_108 : memref<10240xf32, #tpu.memory_space<vmem_shared>>)
    %sub3A_111 = arith.constant 2 : i32
    %sub3A_112 = arith.subi %select_n3A, %sub3A_111 : i32
    %rem3A_113 = arith.constant 8 : i32
    %rem3A_114 = arith.remsi %sub3A_112, %rem3A_113 : i32
    %dma_wait3A_115 = arith.constant 0 : i32
    %dma_wait3A_116 = tpu.memref_slice %arg4[%rem3A_114, %dma_wait3A_115] : memref<8x128xi32, #tpu.memory_space<vmem>> -> memref<1x128xi32, #tpu.memory_space<vmem>>
    %dma_wait3A_117 = tpu.memref_squeeze %dma_wait3A_116 : memref<1x128xi32, #tpu.memory_space<vmem>> -> memref<128xi32, #tpu.memory_space<vmem>>
    %dma_wait3A_118 = arith.constant 0 : i32
    %dma_wait3A_119 = tpu.memref_slice %arg7[%dma_wait3A_118] : memref<10240xf32, #tpu.memory_space<vmem_shared>> -> memref<10240xf32, #tpu.memory_space<vmem_shared>>
    %dma_wait3A_120 = tpu.memref_slice %arg9[%rem3A_114] : memref<8x!tpu.dma_semaphore, #tpu.memory_space<semaphore_mem>> -> memref<1x!tpu.dma_semaphore, #tpu.memory_space<semaphore_mem>>
    %dma_wait3A_121 = tpu.memref_squeeze %dma_wait3A_120 : memref<1x!tpu.dma_semaphore, #tpu.memory_space<semaphore_mem>> -> memref<!tpu.dma_semaphore, #tpu.memory_space<semaphore_mem>>
    tpu.wait_indirect_dma semaphore(%dma_wait3A_121 : memref<!tpu.dma_semaphore, #tpu.memory_space<semaphore_mem>>) src(%arg5 : memref<128xf32, #tpu.memory_space<vmem>>) dst(%dma_wait3A_119 : memref<10240xf32, #tpu.memory_space<vmem_shared>>)
    %sub3A_122 = arith.constant 1 : i32
    %sub3A_123 = arith.subi %select_n3A, %sub3A_122 : i32
    %rem3A_124 = arith.constant 8 : i32
    %rem3A_125 = arith.remsi %sub3A_123, %rem3A_124 : i32
    %dma_wait3A_126 = arith.constant 0 : i32
    %dma_wait3A_127 = tpu.memref_slice %arg4[%rem3A_125, %dma_wait3A_126] : memref<8x128xi32, #tpu.memory_space<vmem>> -> memref<1x128xi32, #tpu.memory_space<vmem>>
    %dma_wait3A_128 = tpu.memref_squeeze %dma_wait3A_127 : memref<1x128xi32, #tpu.memory_space<vmem>> -> memref<128xi32, #tpu.memory_space<vmem>>
    %dma_wait3A_129 = arith.constant 0 : i32
    %dma_wait3A_130 = tpu.memref_slice %arg7[%dma_wait3A_129] : memref<10240xf32, #tpu.memory_space<vmem_shared>> -> memref<10240xf32, #tpu.memory_space<vmem_shared>>
    %dma_wait3A_131 = tpu.memref_slice %arg9[%rem3A_125] : memref<8x!tpu.dma_semaphore, #tpu.memory_space<semaphore_mem>> -> memref<1x!tpu.dma_semaphore, #tpu.memory_space<semaphore_mem>>
    %dma_wait3A_132 = tpu.memref_squeeze %dma_wait3A_131 : memref<1x!tpu.dma_semaphore, #tpu.memory_space<semaphore_mem>> -> memref<!tpu.dma_semaphore, #tpu.memory_space<semaphore_mem>>
    tpu.wait_indirect_dma semaphore(%dma_wait3A_132 : memref<!tpu.dma_semaphore, #tpu.memory_space<semaphore_mem>>) src(%arg5 : memref<128xf32, #tpu.memory_space<vmem>>) dst(%dma_wait3A_130 : memref<10240xf32, #tpu.memory_space<vmem_shared>>)
    %barrier3A_133 = arith.constant 0 : index
    tpu.barrier barrier_id(%barrier3A_133)
    %mul3A_134 = arith.constant 640 : i32
    %mul3A_135 = arith.muli %arg1, %mul3A_134 : i32
    %mul3A_136 = arith.constant 640 : i32
    %mul3A_137 = arith.muli %arg1, %mul3A_136 : i32
    "tpu.region"() ({
      %run_scoped3A = tpu.sem_alloc : memref<!tpu.dma_semaphore, #tpu.memory_space<semaphore_mem>>
      %dma_start3A_138 = tpu.memref_slice %arg3[%arg0, %mul3A_137] : memref<2x10240xf32, #tpu.memory_space<hbm>> -> memref<1x640xf32, #tpu.memory_space<hbm>>
      %dma_start3A_139 = tpu.memref_squeeze %dma_start3A_138 : memref<1x640xf32, #tpu.memory_space<hbm>> -> memref<640xf32, #tpu.memory_space<hbm>>
      %dma_start3A_140 = tpu.memref_slice %arg7[%mul3A_135] : memref<10240xf32, #tpu.memory_space<vmem_shared>> -> memref<640xf32, #tpu.memory_space<vmem_shared>>
      tpu.enqueue_dma source(%dma_start3A_140 : memref<640xf32, #tpu.memory_space<vmem_shared>>) target(%dma_start3A_139 : memref<640xf32, #tpu.memory_space<hbm>>) target_semaphore(%run_scoped3A : memref<!tpu.dma_semaphore, #tpu.memory_space<semaphore_mem>>)
      %dma_wait3A_141 = tpu.memref_slice %arg3[%arg0, %mul3A_137] : memref<2x10240xf32, #tpu.memory_space<hbm>> -> memref<1x640xf32, #tpu.memory_space<hbm>>
      %dma_wait3A_142 = tpu.memref_squeeze %dma_wait3A_141 : memref<1x640xf32, #tpu.memory_space<hbm>> -> memref<640xf32, #tpu.memory_space<hbm>>
      %dma_wait3A_143 = tpu.memref_slice %arg7[%mul3A_135] : memref<10240xf32, #tpu.memory_space<vmem_shared>> -> memref<640xf32, #tpu.memory_space<vmem_shared>>
      tpu.wait_dma2 semaphore(%run_scoped3A : memref<!tpu.dma_semaphore, #tpu.memory_space<semaphore_mem>>) src(%dma_wait3A_143 : memref<640xf32, #tpu.memory_space<vmem_shared>>) dst(%dma_wait3A_142 : memref<640xf32, #tpu.memory_space<hbm>>)
      tpu.yield
    }) : () -> ()
    return
  }
}

module attributes {stable_mosaic.version = 14 : i64} {
  func.func @_combine_scale_body(%arg0: memref<2x10112x128xf32, #tpu.memory_space<vmem>>, %arg1: memref<10000xf32, #tpu.memory_space<vmem>>, %arg2: memref<10000x128xf32, #tpu.memory_space<vmem>>) attributes {dimension_semantics = [], scalar_prefetch = 0 : i64, scratch_operands = 0 : i64, tpu.core_type = #tpu.core_type<tc>} {
    %get3A = arith.constant 0 : index
    %get3A_0 = vector.load %arg1[%get3A] : memref<10000xf32, #tpu.memory_space<vmem>>, vector<10000xf32>
    %get3A_1 = arith.constant 0 : index
    %get3A_2 = arith.constant 0 : index
    %get3A_3 = arith.constant 0 : index
    %get3A_4 = vector.load %arg0[%get3A_1, %get3A_2, %get3A_3] : memref<2x10112x128xf32, #tpu.memory_space<vmem>>, vector<1x10000x128xf32>
    %get3A_5 = vector.shape_cast %get3A_4 : vector<1x10000x128xf32> to vector<10000x128xf32>
    %get3A_6 = arith.constant 1 : index
    %get3A_7 = arith.constant 0 : index
    %get3A_8 = arith.constant 0 : index
    %get3A_9 = vector.load %arg0[%get3A_6, %get3A_7, %get3A_8] : memref<2x10112x128xf32, #tpu.memory_space<vmem>>, vector<1x10000x128xf32>
    %get3A_10 = vector.shape_cast %get3A_9 : vector<1x10000x128xf32> to vector<10000x128xf32>
    %add3A = arith.addf %get3A_5, %get3A_10 : vector<10000x128xf32>
    %mul3A = arith.mulf %get3A_0, %get3A_0 : vector<10000xf32>
    %broadcast_in_dim3A = vector.shape_cast %mul3A : vector<10000xf32> to vector<10000x1xf32>
    %mul3A_11 = vector.broadcast %broadcast_in_dim3A : vector<10000x1xf32> to vector<10000x128xf32>
    %mul3A_12 = arith.mulf %add3A, %mul3A_11 : vector<10000x128xf32>
    %swap3A = arith.constant 0 : index
    %swap3A_13 = arith.constant 0 : index
    %swap3A_14 = vector.load %arg2[%swap3A, %swap3A_13] : memref<10000x128xf32, #tpu.memory_space<vmem>>, vector<10000x128xf32>
    tpu.vector_store %arg2[%swap3A, %swap3A_13], %mul3A_12 {strides = array<i32>} : memref<10000x128xf32, #tpu.memory_space<vmem>>, vector<10000x128xf32>,
    return
  }
}

module attributes {stable_mosaic.version = 14 : i64} {
  func.func @_norm_scale_body(%arg0: memref<2x10240xf32, #tpu.memory_space<vmem>>, %arg1: memref<10000x128xf32, #tpu.memory_space<vmem>>, %arg2: memref<10000x128xf32, #tpu.memory_space<vmem>>, %arg3: memref<10000xf32, #tpu.memory_space<vmem>>) attributes {dimension_semantics = [], scalar_prefetch = 0 : i64, scratch_operands = 0 : i64, tpu.core_type = #tpu.core_type<tc>} {
    %get3A = arith.constant 0 : index
    %get3A_0 = arith.constant 0 : index
    %get3A_1 = vector.load %arg0[%get3A, %get3A_0] : memref<2x10240xf32, #tpu.memory_space<vmem>>, vector<1x10000xf32>
    %get3A_2 = vector.shape_cast %get3A_1 : vector<1x10000xf32> to vector<10000xf32>
    %get3A_3 = arith.constant 1 : index
    %get3A_4 = arith.constant 0 : index
    %get3A_5 = vector.load %arg0[%get3A_3, %get3A_4] : memref<2x10240xf32, #tpu.memory_space<vmem>>, vector<1x10000xf32>
    %get3A_6 = vector.shape_cast %get3A_5 : vector<1x10000xf32> to vector<10000xf32>
    %add3A = arith.addf %get3A_2, %get3A_6 : vector<10000xf32>
    %max3A = arith.constant 1.000000e+00 : f32
    %max3A_7 = vector.broadcast %max3A : f32 to vector<10000xf32>
    %max3A_8 = arith.maximumf %add3A, %max3A_7 : vector<10000xf32>
    %rsqrt3A = math.rsqrt %max3A_8 : vector<10000xf32>
    %swap3A = arith.constant 0 : index
    %swap3A_9 = vector.load %arg3[%swap3A] : memref<10000xf32, #tpu.memory_space<vmem>>, vector<10000xf32>
    tpu.vector_store %arg3[%swap3A], %rsqrt3A {strides = array<i32>} : memref<10000xf32, #tpu.memory_space<vmem>>, vector<10000xf32>,
    %get3A_10 = arith.constant 0 : index
    %get3A_11 = arith.constant 0 : index
    %get3A_12 = vector.load %arg1[%get3A_10, %get3A_11] : memref<10000x128xf32, #tpu.memory_space<vmem>>, vector<10000x128xf32>
    %broadcast_in_dim3A = vector.shape_cast %rsqrt3A : vector<10000xf32> to vector<10000x1xf32>
    %mul3A = vector.broadcast %broadcast_in_dim3A : vector<10000x1xf32> to vector<10000x128xf32>
    %mul3A_13 = arith.mulf %get3A_12, %mul3A : vector<10000x128xf32>
    %swap3A_14 = arith.constant 0 : index
    %swap3A_15 = arith.constant 0 : index
    %swap3A_16 = vector.load %arg2[%swap3A_14, %swap3A_15] : memref<10000x128xf32, #tpu.memory_space<vmem>>, vector<10000x128xf32>
    tpu.vector_store %arg2[%swap3A_14, %swap3A_15], %mul3A_13 {strides = array<i32>} : memref<10000x128xf32, #tpu.memory_space<vmem>>, vector<10000x128xf32>,
    return
  }
}

module attributes {stable_mosaic.version = 14 : i64} {
  func.func @_final_body(%arg0: memref<2x10112x128xf32, #tpu.memory_space<vmem>>, %arg1: memref<10000xf32, #tpu.memory_space<vmem>>, %arg2: memref<128x64xf32, #tpu.memory_space<vmem>>, %arg3: memref<10000x64xf32, #tpu.memory_space<vmem>>, %arg4: memref<10000x64xf32, #tpu.memory_space<vmem>>) attributes {dimension_semantics = [], scalar_prefetch = 0 : i64, scratch_operands = 0 : i64, tpu.core_type = #tpu.core_type<tc>} {
    %get3A = arith.constant 0 : index
    %get3A_0 = arith.constant 0 : index
    %get3A_1 = arith.constant 0 : index
    %get3A_2 = vector.load %arg0[%get3A, %get3A_0, %get3A_1] : memref<2x10112x128xf32, #tpu.memory_space<vmem>>, vector<1x10000x128xf32>
    %get3A_3 = vector.shape_cast %get3A_2 : vector<1x10000x128xf32> to vector<10000x128xf32>
    %get3A_4 = arith.constant 1 : index
    %get3A_5 = arith.constant 0 : index
    %get3A_6 = arith.constant 0 : index
    %get3A_7 = vector.load %arg0[%get3A_4, %get3A_5, %get3A_6] : memref<2x10112x128xf32, #tpu.memory_space<vmem>>, vector<1x10000x128xf32>
    %get3A_8 = vector.shape_cast %get3A_7 : vector<1x10000x128xf32> to vector<10000x128xf32>
    %add3A = arith.addf %get3A_3, %get3A_8 : vector<10000x128xf32>
    %get3A_9 = arith.constant 0 : index
    %get3A_10 = vector.load %arg1[%get3A_9] : memref<10000xf32, #tpu.memory_space<vmem>>, vector<10000xf32>
    %broadcast_in_dim3A = vector.shape_cast %get3A_10 : vector<10000xf32> to vector<10000x1xf32>
    %mul3A = vector.broadcast %broadcast_in_dim3A : vector<10000x1xf32> to vector<10000x128xf32>
    %mul3A_11 = arith.mulf %add3A, %mul3A : vector<10000x128xf32>
    %get3A_12 = arith.constant 0 : index
    %get3A_13 = arith.constant 0 : index
    %get3A_14 = vector.load %arg2[%get3A_12, %get3A_13] : memref<128x64xf32, #tpu.memory_space<vmem>>, vector<128x64xf32>
    %dot_general3A = arith.constant dense<0.000000e+00> : vector<10000x64xf32>
    %dot_general3A_15 = tpu.matmul %mul3A_11, %get3A_14, %dot_general3A {dimension_numbers = #tpu.dot_dimension_numbers<[1], [0], [0], [1], [0, 0, 1, 1], [], []>, transpose_lhs_hint = false} : vector<10000x128xf32>, vector<128x64xf32>, vector<10000x64xf32> -> vector<10000x64xf32>
    %swap3A = arith.constant 0 : index
    %swap3A_16 = arith.constant 0 : index
    %swap3A_17 = vector.load %arg4[%swap3A, %swap3A_16] : memref<10000x64xf32, #tpu.memory_space<vmem>>, vector<10000x64xf32>
    tpu.vector_store %arg4[%swap3A, %swap3A_16], %dot_general3A_15 {strides = array<i32>} : memref<10000x64xf32, #tpu.memory_space<vmem>>, vector<10000x64xf32>,
    %reduce_max3A = arith.constant dense<0xFF800000> : vector<10000xf32>
    %reduce_max3A_18 = vector.multi_reduction <maximumf>, %dot_general3A_15, %reduce_max3A [1] : vector<10000x64xf32> to vector<10000xf32>
    %broadcast_in_dim3A_19 = vector.shape_cast %reduce_max3A_18 : vector<10000xf32> to vector<10000x1xf32>
    %sub3A = vector.broadcast %broadcast_in_dim3A_19 : vector<10000x1xf32> to vector<10000x64xf32>
    %sub3A_20 = arith.subf %dot_general3A_15, %sub3A : vector<10000x64xf32>
    %exp3A = math.exp %sub3A_20 : vector<10000x64xf32>
    %reduce_sum3A = arith.constant dense<0.000000e+00> : vector<10000xf32>
    %reduce_sum3A_21 = vector.multi_reduction <add>, %exp3A, %reduce_sum3A [1] : vector<10000x64xf32> to vector<10000xf32>
    %broadcast_in_dim3A_22 = vector.shape_cast %reduce_sum3A_21 : vector<10000xf32> to vector<10000x1xf32>
    %div3A = vector.broadcast %broadcast_in_dim3A_22 : vector<10000x1xf32> to vector<10000x64xf32>
    %div3A_23 = arith.divf %exp3A, %div3A : vector<10000x64xf32>
    %swap3A_24 = arith.constant 0 : index
    %swap3A_25 = arith.constant 0 : index
    %swap3A_26 = vector.load %arg3[%swap3A_24, %swap3A_25] : memref<10000x64xf32, #tpu.memory_space<vmem>>, vector<10000x64xf32>
    tpu.vector_store %arg3[%swap3A_24, %swap3A_25], %div3A_23 {strides = array<i32>} : memref<10000x64xf32, #tpu.memory_space<vmem>>, vector<10000x64xf32>,
    return
  }
}

</mosaic_0001>

<sc_bundles>
// kernel: kernel.11.cloned.1.call-start
scs
__scs_entry_jumppad:
0x0: {  	(pc) =	sbr.rel $0x88, $3  }
0x1: {  	(tag) =	ssettag $0x0;
	lr =	simm.s32 $0x1  }
0x2: {  	[smem:$0x3F9E] =	sst lr;
	_ =	strace $0xD0000000  }
0x3: {  	_ = 	snop  }
0x4: {  	_ = 	snop  }
0x5: {  	_ = 	snop  }
0x6: {  	_ = 	snop  }
0x7: {  	_ = 	snop  }
__scs_overlays_trampoline_lowered:
0x8: {  	[smem:$0x3FAD] =	sst s0  }
0x9: {  	[smem:$0x3FAE] =	sst s1  }
0xa: {  	[smem:$0x3FAF] =	sst s2  }
0xb: {  	[smem:$0x3FB0] =	sst s3  }
0xc: {  	[smem:$0x3FB1] =	sst s4  }
0xd: {  	[smem:$0x3FB2] =	sst s5  }
0xe: {  	[smem:$0x3FB3] =	sst s6  }
0xf: {  	[smem:$0x3FB4] =	sst s7  }
0x10: {  	[smem:$0x3FB5] =	sst s8  }
0x11: {  	[smem:$0x3FB6] =	sst s9;
	s0 =	simm.s32 @!p0 $0x0  }
0x12: {  	s1 =	sld [smem:$0x3F9C];
	s0 =	simm.s32 @p0 $0x1  }
0x13: {  	[smem:$0x3FB7] =	sst s0;
	s0 =	simm.s32 @!p1 $0x0  }
0x14: {  	s2 =	sld [smem:$0x3F9B];
	s0 =	simm.s32 @p1 $0x1  }
0x15: {  	[smem:$0x3FB8] =	sst s0;
	s0 =	simm.s32 @!p2 $0x0  }
0x16: {  	s3 =	sld [smem:$0x3FDB];
	s0 =	simm.s32 @p2 $0x1  }
0x17: {  	s4 =	simm.s32 $0x1BF5;
	[smem:$0x3FBA] =	sst s0  }
0x18: {  	s0 =	sld [smem:$0x3F9D];
	_ =	swait.ge [sflag:s4], $0x0  }
0x19: {  	s7 =	sld [smem:$0x3F9E]  }
0x1a: {  	s8 =	sadd.s32 $0xFFFFE003, lr  }
0x1b: {  	s9 =	sadd.s32 $0xFFFFFEF7, lr;
	s5 =	simm.s32 $0xFFFFFFFF;
	p2 =	slt.u32 s8, $0xFFFFF086  }
0x1c: {  	p1 =	slt.u32 s9, $0xF7A;
	s5 =	simm.s32 @!p2 $0x0  }
0x1d: {  	s5 =	simm.s32 @p1 $0x1;
	p0 =	seq.s32 s7, s2  }
0x1e: {  	s7 =	smul.u32 @!p0 $0xF7A, s2;
	p2 =	seq.s32 @!p0 s5, $0x0  }
0x1f: {  	s9 =	smul.u32 $0xF7A, s1;
	s8 =	simm.s32 @!p0 $0x1BF5;
	p2 =	por !p2, p0  }
0x20: {  	[sflag:s8] =	ssyncset.s32 @!p0 $0xFFFFF086;
	s6 =	sadd.s32 @!p0 s3, s7;
	s7 =	simm.s32 @!p0 $0x108  }
0x21: {  	s3 =	sadd.s32 s3, s9;
	s6 =	sadd.s32 @!p0 $0x88, s6;
	s7 =	simm.s32 @p2 $0x1082  }
0x22: {  	[simem:s7], [sflag:s8] =	dma.local @!p0 [hbm:s6], $0xF7A  }
0x23: {  	s9 =	sor.u32 $0xD0000000, s2;
	s6 =	simm.s32 $0x108;
	_ =	swait.ge @!p0 [sflag:s8], $0x0  }
0x24: {  	s3 =	sadd.s32 $0x88, s3;
	s6 =	simm.s32 @!p1 $0x1082;
	[sflag:s4] =	ssyncset.s32 $0xFFFFF086  }
0x25: {  	[simem:s6], [sflag:s4] =	dma.local [hbm:s3], $0xF7A  }
0x26: {  	[smem:$0x3F9E] =	sst s1;
	(tag) =	ssettag s2;
	_ =	strace s9  }
0x27: {  	s1 =	sld [smem:$0x3FAE]  }
0x28: {  	s2 =	sld [smem:$0x3FAF]  }
0x29: {  	s4 =	sld [smem:$0x3FB1]  }
0x2a: {  	p0 =	seq.s32 s5, $0x0;
	s5 =	sld [smem:$0x3FB2]  }
0x2b: {  	s6 =	sld [smem:$0x3FB3]  }
0x2c: {  	s7 =	sld [smem:$0x3FB4]  }
0x2d: {  	s3 =	simm.s32 $0x108;
	s8 =	sld [smem:$0x3FB5]  }
0x2e: {  	s3 =	simm.s32 @!p0 $0x1082;
	s9 =	sld [smem:$0x3FB6]  }
0x2f: {  	lr =	sadd.s32 s0, s3;
	s0 =	sld [smem:$0x3FAD]  }
0x30: {  	s3 =	sld [smem:$0x3FB0]  }
0x31: {  	[smem:$0x3FB9] =	sst s10  }
0x32: {  	s10 =	sld [smem:$0x3FB7];
	_ =	sdelay $0x3  }
0x33: {  	p0 =	seq.s32 s10, $0x1;
	s10 =	sld [smem:$0x3FB9];
	_ =	sdelay $0x3  }
0x34: {  	[smem:$0x3FB9] =	sst s10  }
0x35: {  	s10 =	sld [smem:$0x3FB8];
	_ =	sdelay $0x3  }
0x36: {  	p1 =	seq.s32 s10, $0x1;
	s10 =	sld [smem:$0x3FB9];
	_ =	sdelay $0x3  }
0x37: {  	[smem:$0x3FB9] =	sst s10  }
0x38: {  	s10 =	sld [smem:$0x3FBA]  }
0x39: {  	_ = 	snop;
	(pc) =	sbr.ind lr, $3  }
0x3a: {  	_ = 	snop  }
0x3b: {  	_ = 	snop  }
0x3c: {  	p2 =	seq.s32 s10, $0x1;
	s10 =	sld [smem:$0x3FB9]  }
0x3d: {  	_ =	shalt  }
0x3e: {  	_ =	shalt  }
0x3f: {  	_ =	shalt  }
0x40: {  	_ =	shalt  }
0x41: {  	_ =	shalt  }
0x42: {  	_ =	shalt  }
0x43: {  	_ =	shalt  }
0x44: {  	_ =	shalt  }
0x45: {  	_ =	shalt  }
0x46: {  	_ =	shalt  }
0x47: {  	_ =	shalt  }
0x48: {  	_ =	shalt  }
0x49: {  	_ =	shalt  }
0x4a: {  	_ =	shalt  }
0x4b: {  	_ =	shalt  }
0x4c: {  	_ =	shalt  }
0x4d: {  	_ =	shalt  }
0x4e: {  	_ =	shalt  }
0x4f: {  	_ =	shalt  }
0x50: {  	_ =	shalt  }
0x51: {  	_ =	shalt  }
0x52: {  	_ =	shalt  }
0x53: {  	_ =	shalt  }
0x54: {  	_ =	shalt  }
0x55: {  	_ =	shalt  }
0x56: {  	_ =	shalt  }
0x57: {  	_ =	shalt  }
0x58: {  	_ =	shalt  }
0x59: {  	_ =	shalt  }
0x5a: {  	_ =	shalt  }
0x5b: {  	_ =	shalt  }
0x5c: {  	_ =	shalt  }
0x5d: {  	_ =	shalt  }
0x5e: {  	_ =	shalt  }
0x5f: {  	_ =	shalt  }
0x60: {  	_ =	shalt  }
0x61: {  	_ =	shalt  }
0x62: {  	_ =	shalt  }
0x63: {  	_ =	shalt  }
0x64: {  	_ =	shalt  }
0x65: {  	_ =	shalt  }
0x66: {  	_ =	shalt  }
0x67: {  	_ =	shalt  }
0x68: {  	_ =	shalt  }
0x69: {  	_ =	shalt  }
0x6a: {  	_ =	shalt  }
0x6b: {  	_ =	shalt  }
0x6c: {  	_ =	shalt  }
0x6d: {  	_ =	shalt  }
0x6e: {  	_ =	shalt  }
0x6f: {  	_ =	shalt  }
0x70: {  	_ =	shalt  }
0x71: {  	_ =	shalt  }
0x72: {  	_ =	shalt  }
0x73: {  	_ =	shalt  }
0x74: {  	_ =	shalt  }
0x75: {  	_ =	shalt  }
0x76: {  	_ =	shalt  }
0x77: {  	_ =	shalt  }
0x78: {  	_ =	shalt  }
0x79: {  	_ =	shalt  }
0x7a: {  	_ =	shalt  }
0x7b: {  	_ =	shalt  }
0x7c: {  	_ =	shalt  }
0x7d: {  	_ =	shalt  }
0x7e: {  	_ =	shalt  }
0x7f: {  	_ =	shalt  }
0x80: {  	_ =	shalt  }
0x81: {  	_ =	shalt  }
0x82: {  	_ =	shalt  }
0x83: {  	_ =	shalt  }
0x84: {  	_ =	shalt  }
0x85: {  	_ =	shalt  }
0x86: {  	_ =	shalt  }
0x87: {  	_ =	shalt  }
.Lfunc_end0:
.L_simem_size_0:
called_computation.1_lowered:
.L_overlay_start_0:
0x88: {  	s2 =	sld [smem:$0x3FD9]  }
0x89: {  	s3 =	sld [smem:$0x3FFE];
	_ =	sdelay $0x1  }
0x8a: {  	s1 =	srdreg.scid  }
0x8b: {  	s0 =	sand.u32 $0x1, s1  }
0x8c: {  	s14 =	sshll.u32 s0, $0xA;
	s2 =	sadd.s32 s3, s2  }
0x8d: {  	s2 =	sadd.s32 s2, s14  }
0x8e: {  	[smem:$0x3FC5] =	sst s2  }
0x8f: {  	_ = 	snop  }
0x90: {  	s2 =	sld [smem:$0x3FD0];
	_ =	sdelay $0x2  }
0x91: {  	s15 =	simm.s32 $0xA;
	s4 =	simm.s32 $0x10  }
0x92: {  	[smem:s4], [sflag:s15] =	dma.local [hbm:s2], $0x1  }
0x93: {  	_ =	swait.eq [sflag:s15], $0x1  }
0x94: {  	[sflag:s15] =	ssyncset.done $0x0  }
0x95: {  	s16 =	sld [smem:$0x10];
	[sflag:s15] =	ssyncadd.s32 $0xFFFFFFFF  }
0x96: {  	s17 =	sld [smem:$0x11];
	(tm) =	ssettm $0x1  }
0x97: {  	s18 =	sld [smem:$0x3FFB];
	_ =	sdelay $0x3  }
0x98: {  	_ =	strace s18  }
0x99: {  	s4 =	sld [smem:$0x3FFC];
	_ =	sdelay $0x3  }
0x9a: {  	_ =	strace s4  }
0x9b: {  	s4 =	sld [smem:$0x3FFD];
	_ =	sdelay $0x3  }
0x9c: {  	_ =	strace s4  }
0x9d: {  	_ =	strace $0x8FFFFFFF  }
0x9e: {  	s19 =	sld [smem:$0x3FDB];
	_ =	sdelay $0x1  }
0x9f: {  	s5 =	simm.s32 $_scs_section_size  }
0xa0: {  	s6 =	simm.s32 $_size__tile_overlayer_lowered;
	s7 =	simm.s32 $_tile_overlayer_lowered  }
0xa1: {  	s22 =	simm.s32 $0x1BFF;
	s21 =	sshll.u32 s7, $0x1;
	s4 =	sadd.s32 s5, s19  }
0xa2: {  	s8 =	simm.s32 $0x0;
	s20 =	sshll.u32 s6, $0x1;
	s6 =	sadd.s32 s21, s4  }
0xa3: {  	[timem:s8], [sflag:s22] =	dma.local [hbm:s6], s20  }
0xa4: {  	_ =	swait.ge [sflag:s22], s20  }
0xa5: {  	s5 =	ssub.s32 $0x0, s20;
	[sflag:s22] =	ssyncset.done $0x0  }
0xa6: {  	[sflag:s22] =	ssyncadd.s32 s5;
	_ =	sdelay $0x1  }
0xa7: {  	s23 =	simm.s32 $0x1B8B  }
0xa8: {  	_ =	swait.ge [sflag:s23], $0x1  }
0xa9: {  	[sflag:s23] =	ssyncset.done $0x0  }
0xaa: {  	s25 =	simm.s32 $0x1B8E;
	s24 =	sld [smem:$0x3FFE];
	[sflag:s23] =	ssyncadd.s32 $0xFFFFFFFF  }
0xab: {  	s26 =	simm.s32 $execute0_lowered;
	[smem:$0x3FD2] =	sst s25  }
0xac: {  	s6 =	sshll.u32 s26, $0x1;
	_ =	strace $0x80000049;
	[dreg:$0x1] =	wrdreg $0xFFFFFFFF  }
0xad: {  	s28 =	simm.s32 $_size_execute0_lowered;
	s4 =	sadd.s32 s4, s6;
	[dreg:$0x0] =	wrdreg $0x0  }
0xae: {  	s6 =	sshll.u32 s28, $0x1;
	[dreg:$0x2] =	wrdreg s4  }
0xaf: {  	[dreg:$0x3] =	wrdreg s6  }
0xb0: {  	[dreg:$0x4] =	wrdreg $0xC0  }
0xb1: {  	_ =	task [dreg:s8], $0x5FFFF  }
0xb2: {  	[dreg:$0x1] =	wrdreg $0xFFFFFFFF  }
0xb3: {  	[dreg:$0x0] =	wrdreg $0x60  }
0xb4: {  	[dreg:$0x2] =	wrdreg s24  }
0xb5: {  	[dreg:$0x3] =	wrdreg s17  }
0xb6: {  	[dreg:$0x4] =	wrdreg s16  }
0xb7: {  	[dreg:$0x5] =	wrdreg $0xC4000  }
0xb8: {  	[dreg:$0x6] =	wrdreg $0x9  }
0xb9: {  	_ =	task.clear_ibuf [dreg:s8], $0x7FFFF;
	_ =	strace $0x90000049  }
0xba: {  	s29 =	simm.s32 $0x9;
	_ =	strace $0x8000004B  }
0xbb: {  	_ =	swait.ge [sflag:s29], $0x1  }
0xbc: {  	[sflag:s29] =	ssyncadd.s32 $0xFFFFFFFF  }
0xbd: {  	_ =	strace $0x9000004B  }
0xbe: {  	_ =	sfence  }
0xbf: {  	s30 =	sld [smem:$0x0];
	_ =	sdelay $0x2  }
0xc0: {  	s31 =	sshll.u32 s1, $0xD;
	s1 =	sshrl.u32 s1, $0x2  }
0xc1: {  	s3 =	sand.u32 $0x4000, s31;
	s1 =	sadd.s32 s1, s30  }
0xc2: {  	s0 =	sor.u32 s3, s0;
	s1 =	sshll.u32 s1, $0x11  }
0xc3: {  	s0 =	sor.u32 s1, s0  }
0xc4: {  	s0 =	sadd.s32 $0x8F2B, s0  }
0xc5: {  	[sflag:s0] =	ssyncadd.remote.s32 $0x1  }
0xc6: {  	_ =	sfence.sel $0xFFFF  }
0xc7: {  	[dreg:$0x0] =	wrdreg $0xFFFFFFFF;
	(pc) =	sbr.abs _section_cstart, $3  }
0xc8: {  	[dreg:$0x1] =	wrdreg $0xFFFFFFFF  }
0xc9: {  	_ =	task.clear_ibuf [dreg:s8], $0x2FFFF;
	_ =	strace $0x9FFFFFFF  }
0xca: {  	(tm) =	ssettm $0x7FFFFFFF  }
0xcb: {  	_ =	shalt  }
tec
execute0_lowered:
.L_overlay_start_1:
0x0: {  	(tag) =	ssettag $0x1  }
0x1: {  	s0 =	rddreg [dreg:$0x0]  }
0x2: {  	s2 =	rddreg [dreg:$0x1]  }
0x3: {  	s6 =	rddreg [dreg:$0x2]  }
0x4: {  	s1 =	rddreg [dreg:$0x3];
	s3 =	srdreg.scid  }
0x5: {  	s13 =	simm.s32 $0x0;
	s31 =	stileid.u32;
	s7 =	sand.u32 $0x1, s3  }
0x6: {  	[smem:$0x7FF] =	sst s13;
	s8 =	smul.u32 $0x13C00, s31;
	s4 =	sadd.s32 $0x1C00, s0  }
0x7: {  	s21 =	sshll.u32 s31, $0x7;
	s5 =	smul.u32 $0x13C000, s7;
	_ =	strace $0x8000004A  }
0x8: {  	s12 =	ssub.s32 $0x2, s7;
	s10 =	sshll.u32 s7, $0x4;
	s7 =	sshll.u32 s7, $0xB  }
0x9: {  	s9 =	sshrl.u32 s12, $0x1;
	s14 =	sor.u32 s31, s10;
	s22 =	sor.u32 s21, s7  }
0xa: {  	s5 =	sadd.s32 s8, s5;
	s8 =	ssub.s32 s12, s9;
	s9 =	sshll.u32 s14, $0x4  }
0xb: {  	p0 =	slt.u32 s14, $0x4;
	s12 =	smul.u32 $0x4F000, s31;
	s15 =	sadd.s32 s2, s9  }
0xc: {  	s16 =	sor.u32 $0x200, s9;
	s9 =	sadd.s32 s6, s9;
	[dreg:$0x8] =	wrdreg s15  }
0xd: {  	s5 =	sshrl.u32 s5, $0x3;
	s23 =	smax.u32 s8, $0x1;
	[dreg:$0x9] =	wrdreg s9  }
0xe: {  	s0 =	sadd.s32 s5, s0;
	s17 =	sadd.s32 s2, s16;
	[dreg:$0x10] =	wrdreg s23  }
0xf: {  	s5 =	simm.s32 $0x4F;
	s10 =	sadd.s32 s6, s16;
	[dreg:$0xa] =	wrdreg s17  }
0x10: {  	s5 =	simm.s32 @!p0 $0x4E;
	[dreg:$0xb] =	wrdreg s10;
	s0 =	sadd.s32 $0x28E00, s0  }
0x11: {  	s18 =	sadd.s32 $0xFFFFFFFF, s5;
	s11 =	sand.u32 $0x1, s5;
	[dreg:$0xe] =	wrdreg s0  }
0x12: {  	s0 =	sor.u32 $0x2000, s22;
	s9 =	sand.u32 $0x3, s18;
	s19 =	sadd.s32 $0xB, s11  }
0x13: {  	s0 =	sshrl.u32 s0, $0x3;
	[dreg:$0xc] =	wrdreg s19;
	s9 =	sadd.s32 $0xB, s9  }
0x14: {  	s6 =	sadd.s32 s0, s6;
	[dreg:$0xd] =	wrdreg s9  }
0x15: {  	s20 =	sshrl.u32 s12, $0x2;
	s0 =	sadd.s32 s0, s2;
	[dreg:$0x6] =	wrdreg s6  }
0x16: {  	s9 =	sadd.s32 s20, s1;
	[dreg:$0x5] =	wrdreg s0  }
0x17: {  	s24 =	sadd.s32 $0x2780, s9;
	[dreg:$0xf] =	wrdreg s9  }
0x18: {  	s25 =	sadd.s32 $0x4F00, s9;
	[dreg:$0x11] =	wrdreg s24  }
0x19: {  	s26 =	sadd.s32 $0x7680, s9;
	[dreg:$0x12] =	wrdreg s25  }
0x1a: {  	s28 =	sadd.s32 $0x9E00, s9;
	[dreg:$0x13] =	wrdreg s26  }
0x1b: {  	s29 =	sadd.s32 $0xC580, s9;
	[dreg:$0x14] =	wrdreg s28  }
0x1c: {  	s30 =	sadd.s32 $0xED00, s9;
	[dreg:$0x15] =	wrdreg s29  }
0x1d: {  	s31 =	sadd.s32 $0x11480, s9;
	[dreg:$0x16] =	wrdreg s30  }
0x1e: {  	v0 =	vimm.f32 $0.0e+00;
	s22 =	simm.s32 $0xF;
	[dreg:$0x17] =	wrdreg s31;
	s24 =	simm.s32 $0x80  }
.LBB2_1:
0x1f: {  	[dreg:$0x7] =	wrdreg s13;
	s0 =	simm.s32 $0x0;
	s2 =	simm.s32 $0x200  }
.LBB2_2:
0x20: {  	p0 =	sne.s32 s2, $0x9C00;
	[tilespmem:s0+$0x470] =	vst v0  }
0x21: {  	[tilespmem:s0+$0x400] =	vst v0  }
0x22: {  	[tilespmem:s0+$0x410] =	vst v0  }
.Ltmp0:
0x23: {  	[tilespmem:s0+$0x420] =	vst v0;
	(pc) =	sbr.rel @p0 .LBB2_2-.Ltmp0, $4  }
0x24: {  	[tilespmem:s0+$0x430] =	vst v0  }
0x25: {  	[tilespmem:s0+$0x440] =	vst v0  }
0x26: {  	[tilespmem:s0+$0x450] =	vst v0  }
0x27: {  	[tilespmem:s0+$0x460] =	vst v0;
	s0 =	sshra.s32 s2, $0x2;
	s2 =	sadd.s32 $0x200, s2  }
0x28: {  	[tilespmem:s0+$0x470] =	vst v0  }
0x29: {  	[tilespmem:s0+$0x400] =	vst v0  }
0x2a: {  	[tilespmem:s0+$0x410] =	vst v0  }
0x2b: {  	[tilespmem:s0+$0x420] =	vst v0  }
0x2c: {  	[tilespmem:s0+$0x430] =	vst v0  }
0x2d: {  	[tilespmem:s0+$0x440] =	vst v0  }
0x2e: {  	[tilespmem:s0+$0x450] =	vst v0  }
0x2f: {  	[tilespmem:s0+$0x460] =	vst v0;
	s26 =	simm.s32 $0x400  }
0x30: {  	[spmem:s9] =	stream.linear.scatter [tilespmem:s26], [sflag:$0xF], $0x2780, $0x38;
	v63 =	vld [tilespmem:$0x0]  }
0x31: {  	_ =	swait.ge [sflag:s22], $0x2780  }
0x32: {  	[sflag:s22] =	ssyncset.done $0x0  }
0x33: {  	s16 =	rddreg [dreg:$0x11];
	[sflag:s22] =	ssyncadd.s32 $0xFFFFD880  }
0x34: {  	[spmem:s16] =	stream.linear.scatter [tilespmem:s26], [sflag:$0xF], $0x2780, $0x38;
	v63 =	vld [tilespmem:$0x0]  }
0x35: {  	_ =	swait.ge [sflag:s22], $0x2780  }
0x36: {  	[sflag:s22] =	ssyncset.done $0x0  }
0x37: {  	s17 =	rddreg [dreg:$0x12];
	[sflag:s22] =	ssyncadd.s32 $0xFFFFD880  }
0x38: {  	[spmem:s17] =	stream.linear.scatter [tilespmem:s26], [sflag:$0xF], $0x2780, $0x38;
	v63 =	vld [tilespmem:$0x0]  }
0x39: {  	_ =	swait.ge [sflag:s22], $0x2780  }
0x3a: {  	[sflag:s22] =	ssyncset.done $0x0  }
0x3b: {  	s18 =	rddreg [dreg:$0x13];
	[sflag:s22] =	ssyncadd.s32 $0xFFFFD880  }
0x3c: {  	[spmem:s18] =	stream.linear.scatter [tilespmem:s26], [sflag:$0xF], $0x2780, $0x38;
	v63 =	vld [tilespmem:$0x0]  }
0x3d: {  	_ =	swait.ge [sflag:s22], $0x2780  }
0x3e: {  	[sflag:s22] =	ssyncset.done $0x0  }
0x3f: {  	s19 =	rddreg [dreg:$0x14];
	[sflag:s22] =	ssyncadd.s32 $0xFFFFD880  }
0x40: {  	[spmem:s19] =	stream.linear.scatter [tilespmem:s26], [sflag:$0xF], $0x2780, $0x38;
	v63 =	vld [tilespmem:$0x0]  }
0x41: {  	_ =	swait.ge [sflag:s22], $0x2780  }
0x42: {  	[sflag:s22] =	ssyncset.done $0x0  }
0x43: {  	s20 =	rddreg [dreg:$0x15];
	[sflag:s22] =	ssyncadd.s32 $0xFFFFD880  }
0x44: {  	[spmem:s20] =	stream.linear.scatter [tilespmem:s26], [sflag:$0xF], $0x2780, $0x38;
	v63 =	vld [tilespmem:$0x0]  }
0x45: {  	_ =	swait.ge [sflag:s22], $0x2780  }
0x46: {  	[sflag:s22] =	ssyncset.done $0x0  }
0x47: {  	s21 =	rddreg [dreg:$0x16];
	[sflag:s22] =	ssyncadd.s32 $0xFFFFD880  }
0x48: {  	[spmem:s21] =	stream.linear.scatter [tilespmem:s26], [sflag:$0xF], $0x2780, $0x38;
	v63 =	vld [tilespmem:$0x0]  }
0x49: {  	_ =	swait.ge [sflag:s22], $0x2780  }
0x4a: {  	s25 =	simm.s32 $0x0;
	s3 =	simm.s32 $0x200;
	[sflag:s22] =	ssyncset.done $0x0  }
0x4b: {  	s11 =	simm.s32 $0x280;
	s23 =	rddreg [dreg:$0x17];
	[sflag:s22] =	ssyncadd.s32 $0xFFFFD880  }
0x4c: {  	[spmem:s23] =	stream.linear.scatter [tilespmem:s26], [sflag:$0xF], $0x2780, $0x38;
	v63 =	vld [tilespmem:$0x0]  }
0x4d: {  	s12 =	simm.s32 $0x1;
	s6 =	simm.s32 $0x2;
	_ =	swait.ge [sflag:s22], $0x2780  }
0x4e: {  	s29 =	simm.s32 $0x1;
	p0 =	sne.s32 s5, $0x1;
	[sflag:s22] =	ssyncset.done $0x0  }
0x4f: {  	s28 =	simm.s32 $0x4400;
	s7 =	simm.s32 $0x0;
	[sflag:s22] =	ssyncadd.s32 $0xFFFFD880  }
0x50: {  	p1 =	por $0x1, $0x1;
	s30 =	simm.s32 $0x4;
	[bflag:$0x0] =	sbarrier.arrive $0xFFFF  }
0x51: {  	p2 =	sle.u32 s5, $0x2;
	s0 =	smulhi.u32 $0xAAAAAAAB, s25;
	s2 =	rddreg [dreg:$0x8]  }
0x52: {  	[tilespmem:s25], [sflag:$0x1] =	stream.linear.gather [hbm4b:s2+s25], $0x80, $0x38;
	v63 =	vld [tilespmem:$0x0]  }
0x53: {  	s31 =	sand.u32 $0x3, s7;
	s8 =	rddreg [dreg:$0x9];
	s2 =	smulhi.u32 $0xAAAAAAAB, s12  }
0x54: {  	[tilespmem:s3], [sflag:$0x4] =	stream.linear.gather [hbm4b:s8+s25], $0x80, $0x38;
	v63 =	vld [tilespmem:$0x0]  }
0x55: {  	s7 =	sxor.u32 @!p1 $0x2, s31;
	s8 =	smulhi.u32 $0xAAAAAAAB, s6;
	s16 =	sshrl.u32 s2, $0x1  }
0x56: {  	s7 =	sadd.s32 @!p1 $0xB, s7;
	s9 =	rddreg [dreg:$0xa];
	s18 =	smul.u32 $0xFFFFFA00, s16  }
0x57: {  	[tilespmem:s24], [sflag:$0x2] =	stream.linear.gather [hbm4b:s9+s25], $0x80, $0x38;
	v63 =	vld [tilespmem:$0x0]  }
0x58: {  	s23 =	simm.s32 @!p2 $0x0;
	s19 =	smul.u32 $0xFFFD0000, s16;
	s8 =	sshrl.u32 s8, $0x1  }
0x59: {  	s10 =	rddreg [dreg:$0xb];
	s6 =	sand.u32 @!p2 $0x3, s6;
	s13 =	smul.u32 $0xFFFFFA00, s8  }
0x5a: {  	s8 =	smul.u32 $0xFFFFFFF4, s8;
	s20 =	sshra.s32 s18, $0x2;
	s21 =	sshra.s32 s19, $0x2  }
0x5b: {  	[tilespmem:s11], [sflag:$0x5] =	stream.linear.gather [hbm4b:s10+s25], $0x80, $0x38;
	v63 =	vld [tilespmem:$0x0]  }
0x5c: {  	_ =	swait.ge [sflag:s12], $0x80;
	s9 =	sshra.s32 s13, $0x2;
	s8 =	sshra.s32 s8, $0x2  }
0x5d: {  	[sflag:s12] =	ssyncset.done $0x0;
	s9 =	sadd.s32 $0x100, s9;
	s2 =	sadd.s32 $0x3, s8  }
0x5e: {  	s8 =	sshll.u32 @!p2 s6, $0x7;
	s6 =	sor.u32 @!p2 $0x4, s6;
	[sflag:s12] =	ssyncadd.s32 $0xFFFFFF80  }
0x5f: {  	s12 =	sshrl.u32 s0, $0x1;
	s0 =	simm.s32 $0x200;
	s9 =	sadd.s32 @!p2 $0x0, s9  }
0x60: {  	[tilespmem:s26], [sflag:$0x8] =	stream.indirect.gather [hbm4b:s4+s24], $0x80, s25, s24, $0xb8;
	v63 =	vld [tilespmem:$0x0]  }
0x61: {  	s2 =	sadd.s32 @!p2 $0x0, s2;
	s14 =	smul.u32 $0xFFFFFFF4, s12;
	_ =	swait.ge @!p1 [sflag:s7], $0x4000  }
0x62: {  	s8 =	sor.u32 @!p2 $0x200, s8;
	s12 =	smul.u32 $0xFFFD0000, s12;
	s15 =	rddreg [dreg:$0x5]  }
0x63: {  	s25 =	rddreg [dreg:$0x6];
	[sflag:s7] =	ssyncset.done @!p1 $0x0;
	s17 =	sshra.s32 s14, $0x2  }
0x64: {  	s14 =	sshll.u32 s31, $0x7;
	s15 =	sadd.s32 @!p2 $0x0, s15;
	[sflag:s7] =	ssyncadd.s32 @!p1 $0xFFFFC000  }
0x65: {  	[tilespmem:s9], [sflag:s2] =	stream.linear.gather @!p2 [hbm4b:s15+s23], $0x80, $0x38;
	v63 =	vld [tilespmem:$0x0]  }
0x66: {  	p1 =	sle.u32 s5, $0x1;
	s15 =	smul.u32 $0xFFFFFFF4, s16;
	s9 =	sadd.s32 @!p2 $0x0, s25  }
0x67: {  	[tilespmem:s8], [sflag:s6] =	stream.linear.gather @!p2 [hbm4b:s9+s23], $0x80, $0x38;
	v63 =	vld [tilespmem:$0x0]  }
0x68: {  	s2 =	simm.s32 $0x8400;
	s25 =	simm.s32 $0x3;
	s7 =	sshra.s32 s15, $0x2  }
.Ltmp1:
0x69: {  	s23 =	simm.s32 $0x2;
	s15 =	sadd.s32 $0x2, s7;
	(pc) =	sbr.rel @!p0 .LBB2_5-.Ltmp1, $4  }
0x6a: {  	s6 =	sadd.s32 $0x8, s17;
	s16 =	sadd.s32 $0x9, s7;
	s17 =	sadd.s32 @!p1 $0x0, s15  }
0x6b: {  	s9 =	sadd.s32 $0x0, s6;
	s6 =	sadd.s32 $0x80, s20;
	_ =	swait.ge @!p1 [sflag:s17], $0x80  }
0x6c: {  	s7 =	sadd.s32 @!p1 $0x0, s6;
	s8 =	sadd.s32 @!p1 $0x0, s16;
	[sflag:s17] =	ssyncset.done @!p1 $0x0  }
0x6d: {  	s15 =	simm.s32 @!p1 $0x80;
	s6 =	sadd.s32 $0x4400, s21;
	[sflag:s17] =	ssyncadd.s32 @!p1 $0xFFFFFF80  }
.LBB2_4:
0x6e: {  	[tilespmem:s6], [sflag:s8] =	stream.indirect.gather @!p1 [hbm4b:s4+s15], $0x80, s7, s15, $0xb8;
	v63 =	vld [tilespmem:$0x0]  }
0x6f: {  	s18 =	smov.u32 s29  }
0x70: {  	s8 =	smov.u32 s30;
	s7 =	smov.u32 s0;
	s29 =	sadd.s32 $0xFFFFFFFF, s25  }
0x71: {  	s16 =	sor.u32 $0x4, s31;
	s6 =	smov.u32 s2;
	s17 =	smov.u32 s23  }
0x72: {  	s14 =	sor.u32 $0x200, s14;
	s20 =	sadd.s32 $0xB, s31;
	s30 =	sadd.s32 $0x4, s30  }
0x73: {  	s0 =	sadd.s32 $0x200, s0;
	s2 =	sadd.s32 $0x4000, s2;
	s23 =	sadd.s32 $0x1, s23  }
0x74: {  	_ =	swait.ge [sflag:s9], $0x4000;
	p0 =	sne.s32 s29, s5;
	s12 =	sshra.s32 s12, $0x2  }
0x75: {  	s15 =	smulhi.u32 $0xAAAAAAAB, s18;
	p1 =	sge.u32 s29, s5;
	[sflag:s9] =	ssyncset.done $0x0  }
0x76: {  	s19 =	sadd.s32 s12, s26;
	s26 =	smov.u32 s28;
	s28 =	sadd.s32 $0x4000, s28  }
0x77: {  	s12 =	smov.u32 s25;
	s25 =	sadd.s32 $0x1, s25;
	s18 =	sshra.s32 @!p1 s8, $0x2  }
0x78: {  	[sflag:s9] =	ssyncadd.s32 $0xFFFFC000;
	s9 =	sshra.s32 s8, $0x2;
	s21 =	sadd.s32 $0xFFFFFFFE, s12  }
0x79: {  	p2 =	sge.u32 s12, s5;
	s3 =	smulhi.u32 $0xAAAAAAAB, s12;
	s15 =	sshrl.u32 s15, $0x1  }
0x7a: {  	_ =	swait.ge [sflag:s16], $0x80;
	s31 =	sand.u32 $0x3, s21;
	p3 =	slt.u32 s21, $0x2  }
0x7b: {  	s13 =	simm.s32 @!p2 $0x0;
	s10 =	sshra.s32 @!p2 s7, $0x2;
	[sflag:s16] =	ssyncset.done $0x0  }
0x7c: {  	s8 =	sshra.s32 @!p2 s8, $0x2;
	[sflag:s16] =	ssyncadd.s32 $0xFFFFFF80;
	s16 =	sxor.u32 @!p3 $0x2, s31  }
0x7d: {  	[spmem:s1] =	stream.indirect.scatter.add.f32 [tilespmem:s19], [sflag:s20], $0x80, s14, s24, $0xb8;
	v63 =	vld [tilespmem:$0x0]  }
0x7e: {  	s12 =	sand.u32 @!p2 $0x3, s12;
	s14 =	smulhi.u32 $0xAAAAAAAB, s17;
	s16 =	sadd.s32 @!p3 $0xB, s16  }
0x7f: {  	s17 =	sshrl.u32 s3, $0x1;
	s20 =	smul.u32 $0xFFFFFFF4, s15;
	_ =	swait.ge @!p3 [sflag:s16], $0x4000  }
0x80: {  	s3 =	sshll.u32 @!p2 s12, $0x7;
	s19 =	smul.u32 $0xFFFFFA00, s17;
	s21 =	rddreg [dreg:$0x5]  }
0x81: {  	s17 =	smul.u32 $0xFFFFFFF4, s17;
	s3 =	sor.u32 @!p2 $0x200, s3;
	s11 =	rddreg [dreg:$0x6]  }
0x82: {  	s20 =	sshra.s32 s20, $0x2;
	s14 =	sshrl.u32 s14, $0x1;
	[sflag:s16] =	ssyncset.done @!p3 $0x0  }
0x83: {  	s19 =	sshra.s32 s19, $0x2;
	s17 =	sshra.s32 s17, $0x2;
	[sflag:s16] =	ssyncadd.s32 @!p3 $0xFFFFC000  }
0x84: {  	s11 =	sadd.s32 @!p2 s7, s11;
	s16 =	smul.u32 $0xFFFD0000, s14;
	s19 =	sadd.s32 $0x100, s19  }
0x85: {  	s20 =	sadd.s32 $0x8, s20;
	s17 =	sadd.s32 $0x3, s17;
	s10 =	sadd.s32 @!p2 s10, s19  }
0x86: {  	s19 =	sadd.s32 @!p2 s7, s21;
	s21 =	smul.u32 $0xFFFFFFF4, s14;
	s8 =	sadd.s32 @!p2 s8, s17  }
0x87: {  	[tilespmem:s10], [sflag:s8] =	stream.linear.gather @!p2 [hbm4b:s19+s13], $0x80, $0x38;
	v63 =	vld [tilespmem:$0x0]  }
0x88: {  	s9 =	sadd.s32 s9, s20;
	s7 =	sshra.s32 @!p1 s7, $0x2;
	s19 =	smul.u32 $0xFFFFFA00, s14  }
0x89: {  	s14 =	sor.u32 @!p2 $0x4, s12;
	s12 =	smul.u32 $0xFFFD0000, s15;
	s10 =	sshra.s32 s21, $0x2  }
0x8a: {  	[tilespmem:s3], [sflag:s14] =	stream.linear.gather @!p2 [hbm4b:s11+s13], $0x80, $0x38;
	v63 =	vld [tilespmem:$0x0]  }
.Ltmp2:
0x8b: {  	s15 =	simm.s32 @!p1 $0x80;
	s17 =	sadd.s32 $0x2, s10;
	(pc) =	sbr.rel @p0 .LBB2_4-.Ltmp2, $4  }
0x8c: {  	s21 =	sshra.s32 s16, $0x2;
	s8 =	sadd.s32 $0x9, s10;
	s17 =	sadd.s32 @!p1 s18, s17  }
0x8d: {  	s10 =	sshra.s32 s19, $0x2;
	s6 =	sadd.s32 s21, s6;
	_ =	swait.ge @!p1 [sflag:s17], $0x80  }
0x8e: {  	s14 =	sshll.u32 s31, $0x7;
	s10 =	sadd.s32 $0x80, s10;
	[sflag:s17] =	ssyncset.done @!p1 $0x0  }
0x8f: {  	s8 =	sadd.s32 @!p1 s18, s8;
	s7 =	sadd.s32 @!p1 s7, s10;
	[sflag:s17] =	ssyncadd.s32 @!p1 $0xFFFFFF80  }
.LBB2_5:
0x90: {  	[tilespmem:s6], [sflag:s8] =	stream.indirect.gather @!p1 [hbm4b:s4+s15], $0x80, s7, s15, $0xb8;
	v63 =	vld [tilespmem:$0x0]  }
0x91: {  	_ =	swait.ge [sflag:s9], $0x4000  }
0x92: {  	[sflag:s9] =	ssyncset.done $0x0  }
0x93: {  	s0 =	sor.u32 $0x4, s31;
	[sflag:s9] =	ssyncadd.s32 $0xFFFFC000  }
0x94: {  	s2 =	sshra.s32 s12, $0x2;
	_ =	swait.ge [sflag:s0], $0x80  }
0x95: {  	s3 =	sor.u32 $0x200, s14;
	s23 =	sadd.s32 $0xB, s31;
	[sflag:s0] =	ssyncset.done $0x0  }
0x96: {  	s2 =	sadd.s32 s2, s26;
	s25 =	rddreg [dreg:$0xc];
	[sflag:s0] =	ssyncadd.s32 $0xFFFFFF80  }
0x97: {  	[spmem:s1] =	stream.indirect.scatter.add.f32 [tilespmem:s2], [sflag:s23], $0x80, s3, s24, $0xb8;
	v63 =	vld [tilespmem:$0x0]  }
0x98: {  	_ =	swait.ge [sflag:s25], $0x4000  }
0x99: {  	[sflag:s25] =	ssyncset.done $0x0  }
0x9a: {  	s26 =	rddreg [dreg:$0xd];
	[sflag:s25] =	ssyncadd.s32 $0xFFFFC000  }
0x9b: {  	_ =	swait.ge [sflag:s26], $0x4000  }
0x9c: {  	[sflag:s26] =	ssyncset.done $0x0  }
0x9d: {  	[sflag:s26] =	ssyncadd.s32 $0xFFFFC000  }
0x9e: {  	s28 =	stileid.u32;
	[bflag:$0x0] =	sbarrier.arrive $0xFFFF  }
0x9f: {  	s0 =	sshll.u32 s28, $0x6;
	s9 =	rddreg [dreg:$0xf]  }
0xa0: {  	s0 =	sor.u32 $0x1C0F, s0;
	s30 =	rddreg [dreg:$0xe];
	s29 =	sshrl.u32 s9, $0x3  }
0xa1: {  	[hbm:s30], [sflag:s0] =	dma.local [spmem:s29], $0x2780  }
0xa2: {  	_ =	swait.ge [sflag:s22], $0x2780  }
0xa3: {  	s13 =	rddreg [dreg:$0x7]  }
0xa4: {  	s31 =	rddreg [dreg:$0x10];
	s13 =	sadd.s32 $0x1, s13  }
0xa5: {  	p0 =	sne.s32 s13, s31  }
.Ltmp3:
0xa6: {  	_ = 	snop;
	(pc) =	sbr.rel @p0 .LBB2_1-.Ltmp3, $3  }
0xa7: {  	_ =	sdelay $0x1  }
0xa8: {  	[sflag:s22] =	ssyncset.done $0x0  }
0xa9: {  	[sflag:s22] =	ssyncadd.s32 $0xFFFFD880  }
0xaa: {  	_ =	sfence.sel $0x180000  }
0xab: {  	[bflag:$0x0] =	sbarrier.arrive $0xFFFF  }
0xac: {  	_ =	strace $0x9000004A  }
0xad: {  	s0 =	stileid.u32;
	[bflag:$0x2] =	sbarrier.arrive $0xFFFF  }
0xae: {  	p0 =	sne.s32 s0, $0x0;
	s0 =	rddreg [dreg:$0x4]  }
0xaf: {  	s0 =	sadd.s32 @!p0 $0x100000, s0  }
0xb0: {  	[sflag:s0] =	ssyncadd.tile.s32 @!p0 $0x1;
	_ =	shalt  }
.Lfunc_end2:
_tile_overlayer_lowered:
.L_overlay_start_2:
0xb1: {  	(tag) =	ssettag $0x2  }
0xb2: {  	s0 =	rddreg [dreg:$0x0];
	s2 =	stileid.u32  }
0xb3: {  	s1 =	rddreg [dreg:$0x1];
	p0 =	sne.s32 s2, $0x0  }
0xb4: {  	s3 =	rddreg [dreg:$0x2];
	[bflag:$0x3] =	sbarrier.arrive $0xFFFF;
	s2 =	simm.s32 @!p0 $0x1C0F  }
0xb5: {  	[timem:s3], [sflag:s2] =	dma.local @!p0 [hbm:s0], s1  }
0xb6: {  	s0 =	simm.s32 @!p0 $0xF  }
0xb7: {  	_ =	swait.ge @!p0 [sflag:s0], s1  }
0xb8: {  	s1 =	ssub.s32 @!p0 $0x0, s1;
	[sflag:s0] =	ssyncset.done @!p0 $0x0  }
0xb9: {  	[sflag:s0] =	ssyncadd.s32 @!p0 s1  }
0xba: {  	[bflag:$0x3] =	sbarrier.arrive $0xFFFF  }
0xbb: {  	_ =	shalt  }

// kernel: kernel.14.cloned.1.call-start
scs
__scs_entry_jumppad:
0x0: {  	(pc) =	sbr.rel $0x88, $3  }
0x1: {  	(tag) =	ssettag $0x0;
	lr =	simm.s32 $0x1  }
0x2: {  	[smem:$0x3F9E] =	sst lr;
	_ =	strace $0xD0000000  }
0x3: {  	_ = 	snop  }
0x4: {  	_ = 	snop  }
0x5: {  	_ = 	snop  }
0x6: {  	_ = 	snop  }
0x7: {  	_ = 	snop  }
__scs_overlays_trampoline_lowered:
0x8: {  	[smem:$0x3FAD] =	sst s0  }
0x9: {  	[smem:$0x3FAE] =	sst s1  }
0xa: {  	[smem:$0x3FAF] =	sst s2  }
0xb: {  	[smem:$0x3FB0] =	sst s3  }
0xc: {  	[smem:$0x3FB1] =	sst s4  }
0xd: {  	[smem:$0x3FB2] =	sst s5  }
0xe: {  	[smem:$0x3FB3] =	sst s6  }
0xf: {  	[smem:$0x3FB4] =	sst s7  }
0x10: {  	[smem:$0x3FB5] =	sst s8  }
0x11: {  	[smem:$0x3FB6] =	sst s9;
	s0 =	simm.s32 @!p0 $0x0  }
0x12: {  	s1 =	sld [smem:$0x3F9C];
	s0 =	simm.s32 @p0 $0x1  }
0x13: {  	[smem:$0x3FB7] =	sst s0;
	s0 =	simm.s32 @!p1 $0x0  }
0x14: {  	s2 =	sld [smem:$0x3F9B];
	s0 =	simm.s32 @p1 $0x1  }
0x15: {  	[smem:$0x3FB8] =	sst s0;
	s0 =	simm.s32 @!p2 $0x0  }
0x16: {  	s3 =	sld [smem:$0x3FDB];
	s0 =	simm.s32 @p2 $0x1  }
0x17: {  	s4 =	simm.s32 $0x1BF5;
	[smem:$0x3FBA] =	sst s0  }
0x18: {  	s0 =	sld [smem:$0x3F9D];
	_ =	swait.ge [sflag:s4], $0x0  }
0x19: {  	s7 =	sld [smem:$0x3F9E]  }
0x1a: {  	s8 =	sadd.s32 $0xFFFFE003, lr  }
0x1b: {  	s9 =	sadd.s32 $0xFFFFFEF7, lr;
	s5 =	simm.s32 $0xFFFFFFFF;
	p2 =	slt.u32 s8, $0xFFFFF086  }
0x1c: {  	p1 =	slt.u32 s9, $0xF7A;
	s5 =	simm.s32 @!p2 $0x0  }
0x1d: {  	s5 =	simm.s32 @p1 $0x1;
	p0 =	seq.s32 s7, s2  }
0x1e: {  	s7 =	smul.u32 @!p0 $0xF7A, s2;
	p2 =	seq.s32 @!p0 s5, $0x0  }
0x1f: {  	s9 =	smul.u32 $0xF7A, s1;
	s8 =	simm.s32 @!p0 $0x1BF5;
	p2 =	por !p2, p0  }
0x20: {  	[sflag:s8] =	ssyncset.s32 @!p0 $0xFFFFF086;
	s6 =	sadd.s32 @!p0 s3, s7;
	s7 =	simm.s32 @!p0 $0x108  }
0x21: {  	s3 =	sadd.s32 s3, s9;
	s6 =	sadd.s32 @!p0 $0x88, s6;
	s7 =	simm.s32 @p2 $0x1082  }
0x22: {  	[simem:s7], [sflag:s8] =	dma.local @!p0 [hbm:s6], $0xF7A  }
0x23: {  	s9 =	sor.u32 $0xD0000000, s2;
	s6 =	simm.s32 $0x108;
	_ =	swait.ge @!p0 [sflag:s8], $0x0  }
0x24: {  	s3 =	sadd.s32 $0x88, s3;
	s6 =	simm.s32 @!p1 $0x1082;
	[sflag:s4] =	ssyncset.s32 $0xFFFFF086  }
0x25: {  	[simem:s6], [sflag:s4] =	dma.local [hbm:s3], $0xF7A  }
0x26: {  	[smem:$0x3F9E] =	sst s1;
	(tag) =	ssettag s2;
	_ =	strace s9  }
0x27: {  	s1 =	sld [smem:$0x3FAE]  }
0x28: {  	s2 =	sld [smem:$0x3FAF]  }
0x29: {  	s4 =	sld [smem:$0x3FB1]  }
0x2a: {  	p0 =	seq.s32 s5, $0x0;
	s5 =	sld [smem:$0x3FB2]  }
0x2b: {  	s6 =	sld [smem:$0x3FB3]  }
0x2c: {  	s7 =	sld [smem:$0x3FB4]  }
0x2d: {  	s3 =	simm.s32 $0x108;
	s8 =	sld [smem:$0x3FB5]  }
0x2e: {  	s3 =	simm.s32 @!p0 $0x1082;
	s9 =	sld [smem:$0x3FB6]  }
0x2f: {  	lr =	sadd.s32 s0, s3;
	s0 =	sld [smem:$0x3FAD]  }
0x30: {  	s3 =	sld [smem:$0x3FB0]  }
0x31: {  	[smem:$0x3FB9] =	sst s10  }
0x32: {  	s10 =	sld [smem:$0x3FB7];
	_ =	sdelay $0x3  }
0x33: {  	p0 =	seq.s32 s10, $0x1;
	s10 =	sld [smem:$0x3FB9];
	_ =	sdelay $0x3  }
0x34: {  	[smem:$0x3FB9] =	sst s10  }
0x35: {  	s10 =	sld [smem:$0x3FB8];
	_ =	sdelay $0x3  }
0x36: {  	p1 =	seq.s32 s10, $0x1;
	s10 =	sld [smem:$0x3FB9];
	_ =	sdelay $0x3  }
0x37: {  	[smem:$0x3FB9] =	sst s10  }
0x38: {  	s10 =	sld [smem:$0x3FBA]  }
0x39: {  	_ = 	snop;
	(pc) =	sbr.ind lr, $3  }
0x3a: {  	_ = 	snop  }
0x3b: {  	_ = 	snop  }
0x3c: {  	p2 =	seq.s32 s10, $0x1;
	s10 =	sld [smem:$0x3FB9]  }
0x3d: {  	_ =	shalt  }
0x3e: {  	_ =	shalt  }
0x3f: {  	_ =	shalt  }
0x40: {  	_ =	shalt  }
0x41: {  	_ =	shalt  }
0x42: {  	_ =	shalt  }
0x43: {  	_ =	shalt  }
0x44: {  	_ =	shalt  }
0x45: {  	_ =	shalt  }
0x46: {  	_ =	shalt  }
0x47: {  	_ =	shalt  }
0x48: {  	_ =	shalt  }
0x49: {  	_ =	shalt  }
0x4a: {  	_ =	shalt  }
0x4b: {  	_ =	shalt  }
0x4c: {  	_ =	shalt  }
0x4d: {  	_ =	shalt  }
0x4e: {  	_ =	shalt  }
0x4f: {  	_ =	shalt  }
0x50: {  	_ =	shalt  }
0x51: {  	_ =	shalt  }
0x52: {  	_ =	shalt  }
0x53: {  	_ =	shalt  }
0x54: {  	_ =	shalt  }
0x55: {  	_ =	shalt  }
0x56: {  	_ =	shalt  }
0x57: {  	_ =	shalt  }
0x58: {  	_ =	shalt  }
0x59: {  	_ =	shalt  }
0x5a: {  	_ =	shalt  }
0x5b: {  	_ =	shalt  }
0x5c: {  	_ =	shalt  }
0x5d: {  	_ =	shalt  }
0x5e: {  	_ =	shalt  }
0x5f: {  	_ =	shalt  }
0x60: {  	_ =	shalt  }
0x61: {  	_ =	shalt  }
0x62: {  	_ =	shalt  }
0x63: {  	_ =	shalt  }
0x64: {  	_ =	shalt  }
0x65: {  	_ =	shalt  }
0x66: {  	_ =	shalt  }
0x67: {  	_ =	shalt  }
0x68: {  	_ =	shalt  }
0x69: {  	_ =	shalt  }
0x6a: {  	_ =	shalt  }
0x6b: {  	_ =	shalt  }
0x6c: {  	_ =	shalt  }
0x6d: {  	_ =	shalt  }
0x6e: {  	_ =	shalt  }
0x6f: {  	_ =	shalt  }
0x70: {  	_ =	shalt  }
0x71: {  	_ =	shalt  }
0x72: {  	_ =	shalt  }
0x73: {  	_ =	shalt  }
0x74: {  	_ =	shalt  }
0x75: {  	_ =	shalt  }
0x76: {  	_ =	shalt  }
0x77: {  	_ =	shalt  }
0x78: {  	_ =	shalt  }
0x79: {  	_ =	shalt  }
0x7a: {  	_ =	shalt  }
0x7b: {  	_ =	shalt  }
0x7c: {  	_ =	shalt  }
0x7d: {  	_ =	shalt  }
0x7e: {  	_ =	shalt  }
0x7f: {  	_ =	shalt  }
0x80: {  	_ =	shalt  }
0x81: {  	_ =	shalt  }
0x82: {  	_ =	shalt  }
0x83: {  	_ =	shalt  }
0x84: {  	_ =	shalt  }
0x85: {  	_ =	shalt  }
0x86: {  	_ =	shalt  }
0x87: {  	_ =	shalt  }
.Lfunc_end0:
.L_simem_size_0:
called_computation.2_lowered:
.L_overlay_start_0:
0x88: {  	s2 =	sld [smem:$0x3FD9]  }
0x89: {  	s3 =	sld [smem:$0x3FFE];
	_ =	sdelay $0x1  }
0x8a: {  	s1 =	srdreg.scid  }
0x8b: {  	s0 =	sand.u32 $0x1, s1  }
0x8c: {  	s14 =	sshll.u32 s0, $0xA;
	s2 =	sadd.s32 s3, s2  }
0x8d: {  	s2 =	sadd.s32 s2, s14  }
0x8e: {  	[smem:$0x3FC5] =	sst s2  }
0x8f: {  	_ = 	snop  }
0x90: {  	s2 =	sld [smem:$0x3FD0];
	_ =	sdelay $0x2  }
0x91: {  	s15 =	simm.s32 $0xA;
	s4 =	simm.s32 $0x10  }
0x92: {  	[smem:s4], [sflag:s15] =	dma.local [hbm:s2], $0x1  }
0x93: {  	_ =	swait.eq [sflag:s15], $0x1  }
0x94: {  	[sflag:s15] =	ssyncset.done $0x0  }
0x95: {  	s16 =	sld [smem:$0x10];
	[sflag:s15] =	ssyncadd.s32 $0xFFFFFFFF  }
0x96: {  	s17 =	sld [smem:$0x11];
	(tm) =	ssettm $0x1  }
0x97: {  	s18 =	sld [smem:$0x3FFB];
	_ =	sdelay $0x3  }
0x98: {  	_ =	strace s18  }
0x99: {  	s4 =	sld [smem:$0x3FFC];
	_ =	sdelay $0x3  }
0x9a: {  	_ =	strace s4  }
0x9b: {  	s4 =	sld [smem:$0x3FFD];
	_ =	sdelay $0x3  }
0x9c: {  	_ =	strace s4  }
0x9d: {  	_ =	strace $0x8FFFFFFF  }
0x9e: {  	s19 =	sld [smem:$0x3FDB];
	_ =	sdelay $0x1  }
0x9f: {  	s5 =	simm.s32 $_scs_section_size  }
0xa0: {  	s6 =	simm.s32 $_size__tile_overlayer_lowered;
	s7 =	simm.s32 $_tile_overlayer_lowered  }
0xa1: {  	s22 =	simm.s32 $0x1BFF;
	s21 =	sshll.u32 s7, $0x1;
	s4 =	sadd.s32 s5, s19  }
0xa2: {  	s8 =	simm.s32 $0x0;
	s20 =	sshll.u32 s6, $0x1;
	s6 =	sadd.s32 s21, s4  }
0xa3: {  	[timem:s8], [sflag:s22] =	dma.local [hbm:s6], s20  }
0xa4: {  	_ =	swait.ge [sflag:s22], s20  }
0xa5: {  	s5 =	ssub.s32 $0x0, s20;
	[sflag:s22] =	ssyncset.done $0x0  }
0xa6: {  	[sflag:s22] =	ssyncadd.s32 s5;
	_ =	sdelay $0x1  }
0xa7: {  	s23 =	simm.s32 $0x1B8B  }
0xa8: {  	_ =	swait.ge [sflag:s23], $0x1  }
0xa9: {  	[sflag:s23] =	ssyncset.done $0x0  }
0xaa: {  	s25 =	simm.s32 $0x1B8E;
	s24 =	sld [smem:$0x3FFE];
	[sflag:s23] =	ssyncadd.s32 $0xFFFFFFFF  }
0xab: {  	s26 =	simm.s32 $execute0_lowered;
	[smem:$0x3FD2] =	sst s25  }
0xac: {  	s6 =	sshll.u32 s26, $0x1;
	_ =	strace $0x8000004C;
	[dreg:$0x1] =	wrdreg $0xFFFFFFFF  }
0xad: {  	s28 =	simm.s32 $_size_execute0_lowered;
	s4 =	sadd.s32 s4, s6;
	[dreg:$0x0] =	wrdreg $0x0  }
0xae: {  	s6 =	sshll.u32 s28, $0x1;
	[dreg:$0x2] =	wrdreg s4  }
0xaf: {  	[dreg:$0x3] =	wrdreg s6  }
0xb0: {  	[dreg:$0x4] =	wrdreg $0xC0  }
0xb1: {  	_ =	task [dreg:s8], $0x5FFFF  }
0xb2: {  	[dreg:$0x1] =	wrdreg $0xFFFFFFFF  }
0xb3: {  	[dreg:$0x0] =	wrdreg $0x60  }
0xb4: {  	[dreg:$0x2] =	wrdreg s24  }
0xb5: {  	[dreg:$0x3] =	wrdreg s17  }
0xb6: {  	[dreg:$0x4] =	wrdreg s16  }
0xb7: {  	[dreg:$0x5] =	wrdreg $0xC4000  }
0xb8: {  	[dreg:$0x6] =	wrdreg $0x9  }
0xb9: {  	_ =	task.clear_ibuf [dreg:s8], $0x7FFFF;
	_ =	strace $0x9000004C  }
0xba: {  	s29 =	simm.s32 $0x9;
	_ =	strace $0x8000004E  }
0xbb: {  	_ =	swait.ge [sflag:s29], $0x1  }
0xbc: {  	[sflag:s29] =	ssyncadd.s32 $0xFFFFFFFF  }
0xbd: {  	_ =	strace $0x9000004E  }
0xbe: {  	_ =	sfence  }
0xbf: {  	s30 =	sld [smem:$0x0];
	_ =	sdelay $0x2  }
0xc0: {  	s31 =	sshll.u32 s1, $0xD;
	s1 =	sshrl.u32 s1, $0x2  }
0xc1: {  	s3 =	sand.u32 $0x4000, s31;
	s1 =	sadd.s32 s1, s30  }
0xc2: {  	s0 =	sor.u32 s3, s0;
	s1 =	sshll.u32 s1, $0x11  }
0xc3: {  	s0 =	sor.u32 s1, s0  }
0xc4: {  	s0 =	sadd.s32 $0x8F2B, s0  }
0xc5: {  	[sflag:s0] =	ssyncadd.remote.s32 $0x1  }
0xc6: {  	_ =	sfence.sel $0xFFFF  }
0xc7: {  	[dreg:$0x0] =	wrdreg $0xFFFFFFFF;
	(pc) =	sbr.abs _section_cstart, $3  }
0xc8: {  	[dreg:$0x1] =	wrdreg $0xFFFFFFFF  }
0xc9: {  	_ =	task.clear_ibuf [dreg:s8], $0x2FFFF;
	_ =	strace $0x9FFFFFFF  }
0xca: {  	(tm) =	ssettm $0x7FFFFFFF  }
0xcb: {  	_ =	shalt  }
tec
execute0_lowered:
.L_overlay_start_1:
0x0: {  	(tag) =	ssettag $0x1  }
0x1: {  	s0 =	rddreg [dreg:$0x0]  }
0x2: {  	s2 =	rddreg [dreg:$0x1]  }
0x3: {  	s6 =	rddreg [dreg:$0x2]  }
0x4: {  	s1 =	rddreg [dreg:$0x3];
	s3 =	srdreg.scid  }
0x5: {  	s13 =	simm.s32 $0x0;
	s31 =	stileid.u32;
	s7 =	sand.u32 $0x1, s3  }
0x6: {  	[smem:$0x7FF] =	sst s13;
	s8 =	smul.u32 $0x13C00, s31;
	s4 =	sadd.s32 $0x1C00, s0  }
0x7: {  	s21 =	sshll.u32 s31, $0x7;
	s5 =	smul.u32 $0x13C000, s7;
	_ =	strace $0x8000004D  }
0x8: {  	s12 =	ssub.s32 $0x2, s7;
	s10 =	sshll.u32 s7, $0x4;
	s7 =	sshll.u32 s7, $0xB  }
0x9: {  	s9 =	sshrl.u32 s12, $0x1;
	s14 =	sor.u32 s31, s10;
	s22 =	sor.u32 s21, s7  }
0xa: {  	s5 =	sadd.s32 s8, s5;
	s8 =	ssub.s32 s12, s9;
	s9 =	sshll.u32 s14, $0x4  }
0xb: {  	p0 =	slt.u32 s14, $0x4;
	s12 =	smul.u32 $0x4F000, s31;
	s15 =	sadd.s32 s2, s9  }
0xc: {  	s16 =	sor.u32 $0x200, s9;
	s9 =	sadd.s32 s6, s9;
	[dreg:$0x8] =	wrdreg s15  }
0xd: {  	s5 =	sshrl.u32 s5, $0x3;
	s23 =	smax.u32 s8, $0x1;
	[dreg:$0x9] =	wrdreg s9  }
0xe: {  	s0 =	sadd.s32 s5, s0;
	s17 =	sadd.s32 s2, s16;
	[dreg:$0x10] =	wrdreg s23  }
0xf: {  	s5 =	simm.s32 $0x4F;
	s10 =	sadd.s32 s6, s16;
	[dreg:$0xa] =	wrdreg s17  }
0x10: {  	s5 =	simm.s32 @!p0 $0x4E;
	[dreg:$0xb] =	wrdreg s10;
	s0 =	sadd.s32 $0x28E00, s0  }
0x11: {  	s18 =	sadd.s32 $0xFFFFFFFF, s5;
	s11 =	sand.u32 $0x1, s5;
	[dreg:$0xe] =	wrdreg s0  }
0x12: {  	s0 =	sor.u32 $0x2000, s22;
	s9 =	sand.u32 $0x3, s18;
	s19 =	sadd.s32 $0xB, s11  }
0x13: {  	s0 =	sshrl.u32 s0, $0x3;
	[dreg:$0xc] =	wrdreg s19;
	s9 =	sadd.s32 $0xB, s9  }
0x14: {  	s6 =	sadd.s32 s0, s6;
	[dreg:$0xd] =	wrdreg s9  }
0x15: {  	s20 =	sshrl.u32 s12, $0x2;
	s0 =	sadd.s32 s0, s2;
	[dreg:$0x6] =	wrdreg s6  }
0x16: {  	s9 =	sadd.s32 s20, s1;
	[dreg:$0x5] =	wrdreg s0  }
0x17: {  	s24 =	sadd.s32 $0x2780, s9;
	[dreg:$0xf] =	wrdreg s9  }
0x18: {  	s25 =	sadd.s32 $0x4F00, s9;
	[dreg:$0x11] =	wrdreg s24  }
0x19: {  	s26 =	sadd.s32 $0x7680, s9;
	[dreg:$0x12] =	wrdreg s25  }
0x1a: {  	s28 =	sadd.s32 $0x9E00, s9;
	[dreg:$0x13] =	wrdreg s26  }
0x1b: {  	s29 =	sadd.s32 $0xC580, s9;
	[dreg:$0x14] =	wrdreg s28  }
0x1c: {  	s30 =	sadd.s32 $0xED00, s9;
	[dreg:$0x15] =	wrdreg s29  }
0x1d: {  	s31 =	sadd.s32 $0x11480, s9;
	[dreg:$0x16] =	wrdreg s30  }
0x1e: {  	v0 =	vimm.f32 $0.0e+00;
	s22 =	simm.s32 $0xF;
	[dreg:$0x17] =	wrdreg s31;
	s24 =	simm.s32 $0x80  }
.LBB2_1:
0x1f: {  	[dreg:$0x7] =	wrdreg s13;
	s0 =	simm.s32 $0x0;
	s2 =	simm.s32 $0x200  }
.LBB2_2:
0x20: {  	p0 =	sne.s32 s2, $0x9C00;
	[tilespmem:s0+$0x470] =	vst v0  }
0x21: {  	[tilespmem:s0+$0x400] =	vst v0  }
0x22: {  	[tilespmem:s0+$0x410] =	vst v0  }
.Ltmp0:
0x23: {  	[tilespmem:s0+$0x420] =	vst v0;
	(pc) =	sbr.rel @p0 .LBB2_2-.Ltmp0, $4  }
0x24: {  	[tilespmem:s0+$0x430] =	vst v0  }
0x25: {  	[tilespmem:s0+$0x440] =	vst v0  }
0x26: {  	[tilespmem:s0+$0x450] =	vst v0  }
0x27: {  	[tilespmem:s0+$0x460] =	vst v0;
	s0 =	sshra.s32 s2, $0x2;
	s2 =	sadd.s32 $0x200, s2  }
0x28: {  	[tilespmem:s0+$0x470] =	vst v0  }
0x29: {  	[tilespmem:s0+$0x400] =	vst v0  }
0x2a: {  	[tilespmem:s0+$0x410] =	vst v0  }
0x2b: {  	[tilespmem:s0+$0x420] =	vst v0  }
0x2c: {  	[tilespmem:s0+$0x430] =	vst v0  }
0x2d: {  	[tilespmem:s0+$0x440] =	vst v0  }
0x2e: {  	[tilespmem:s0+$0x450] =	vst v0  }
0x2f: {  	[tilespmem:s0+$0x460] =	vst v0;
	s26 =	simm.s32 $0x400  }
0x30: {  	[spmem:s9] =	stream.linear.scatter [tilespmem:s26], [sflag:$0xF], $0x2780, $0x38;
	v63 =	vld [tilespmem:$0x0]  }
0x31: {  	_ =	swait.ge [sflag:s22], $0x2780  }
0x32: {  	[sflag:s22] =	ssyncset.done $0x0  }
0x33: {  	s16 =	rddreg [dreg:$0x11];
	[sflag:s22] =	ssyncadd.s32 $0xFFFFD880  }
0x34: {  	[spmem:s16] =	stream.linear.scatter [tilespmem:s26], [sflag:$0xF], $0x2780, $0x38;
	v63 =	vld [tilespmem:$0x0]  }
0x35: {  	_ =	swait.ge [sflag:s22], $0x2780  }
0x36: {  	[sflag:s22] =	ssyncset.done $0x0  }
0x37: {  	s17 =	rddreg [dreg:$0x12];
	[sflag:s22] =	ssyncadd.s32 $0xFFFFD880  }
0x38: {  	[spmem:s17] =	stream.linear.scatter [tilespmem:s26], [sflag:$0xF], $0x2780, $0x38;
	v63 =	vld [tilespmem:$0x0]  }
0x39: {  	_ =	swait.ge [sflag:s22], $0x2780  }
0x3a: {  	[sflag:s22] =	ssyncset.done $0x0  }
0x3b: {  	s18 =	rddreg [dreg:$0x13];
	[sflag:s22] =	ssyncadd.s32 $0xFFFFD880  }
0x3c: {  	[spmem:s18] =	stream.linear.scatter [tilespmem:s26], [sflag:$0xF], $0x2780, $0x38;
	v63 =	vld [tilespmem:$0x0]  }
0x3d: {  	_ =	swait.ge [sflag:s22], $0x2780  }
0x3e: {  	[sflag:s22] =	ssyncset.done $0x0  }
0x3f: {  	s19 =	rddreg [dreg:$0x14];
	[sflag:s22] =	ssyncadd.s32 $0xFFFFD880  }
0x40: {  	[spmem:s19] =	stream.linear.scatter [tilespmem:s26], [sflag:$0xF], $0x2780, $0x38;
	v63 =	vld [tilespmem:$0x0]  }
0x41: {  	_ =	swait.ge [sflag:s22], $0x2780  }
0x42: {  	[sflag:s22] =	ssyncset.done $0x0  }
0x43: {  	s20 =	rddreg [dreg:$0x15];
	[sflag:s22] =	ssyncadd.s32 $0xFFFFD880  }
0x44: {  	[spmem:s20] =	stream.linear.scatter [tilespmem:s26], [sflag:$0xF], $0x2780, $0x38;
	v63 =	vld [tilespmem:$0x0]  }
0x45: {  	_ =	swait.ge [sflag:s22], $0x2780  }
0x46: {  	[sflag:s22] =	ssyncset.done $0x0  }
0x47: {  	s21 =	rddreg [dreg:$0x16];
	[sflag:s22] =	ssyncadd.s32 $0xFFFFD880  }
0x48: {  	[spmem:s21] =	stream.linear.scatter [tilespmem:s26], [sflag:$0xF], $0x2780, $0x38;
	v63 =	vld [tilespmem:$0x0]  }
0x49: {  	_ =	swait.ge [sflag:s22], $0x2780  }
0x4a: {  	s25 =	simm.s32 $0x0;
	s3 =	simm.s32 $0x200;
	[sflag:s22] =	ssyncset.done $0x0  }
0x4b: {  	s11 =	simm.s32 $0x280;
	s23 =	rddreg [dreg:$0x17];
	[sflag:s22] =	ssyncadd.s32 $0xFFFFD880  }
0x4c: {  	[spmem:s23] =	stream.linear.scatter [tilespmem:s26], [sflag:$0xF], $0x2780, $0x38;
	v63 =	vld [tilespmem:$0x0]  }
0x4d: {  	s12 =	simm.s32 $0x1;
	s6 =	simm.s32 $0x2;
	_ =	swait.ge [sflag:s22], $0x2780  }
0x4e: {  	s29 =	simm.s32 $0x1;
	p0 =	sne.s32 s5, $0x1;
	[sflag:s22] =	ssyncset.done $0x0  }
0x4f: {  	s28 =	simm.s32 $0x4400;
	s7 =	simm.s32 $0x0;
	[sflag:s22] =	ssyncadd.s32 $0xFFFFD880  }
0x50: {  	p1 =	por $0x1, $0x1;
	s30 =	simm.s32 $0x4;
	[bflag:$0x0] =	sbarrier.arrive $0xFFFF  }
0x51: {  	p2 =	sle.u32 s5, $0x2;
	s0 =	smulhi.u32 $0xAAAAAAAB, s25;
	s2 =	rddreg [dreg:$0x8]  }
0x52: {  	[tilespmem:s25], [sflag:$0x1] =	stream.linear.gather [hbm4b:s2+s25], $0x80, $0x38;
	v63 =	vld [tilespmem:$0x0]  }
0x53: {  	s31 =	sand.u32 $0x3, s7;
	s8 =	rddreg [dreg:$0x9];
	s2 =	smulhi.u32 $0xAAAAAAAB, s12  }
0x54: {  	[tilespmem:s3], [sflag:$0x4] =	stream.linear.gather [hbm4b:s8+s25], $0x80, $0x38;
	v63 =	vld [tilespmem:$0x0]  }
0x55: {  	s7 =	sxor.u32 @!p1 $0x2, s31;
	s8 =	smulhi.u32 $0xAAAAAAAB, s6;
	s16 =	sshrl.u32 s2, $0x1  }
0x56: {  	s7 =	sadd.s32 @!p1 $0xB, s7;
	s9 =	rddreg [dreg:$0xa];
	s18 =	smul.u32 $0xFFFFFA00, s16  }
0x57: {  	[tilespmem:s24], [sflag:$0x2] =	stream.linear.gather [hbm4b:s9+s25], $0x80, $0x38;
	v63 =	vld [tilespmem:$0x0]  }
0x58: {  	s23 =	simm.s32 @!p2 $0x0;
	s19 =	smul.u32 $0xFFFD0000, s16;
	s8 =	sshrl.u32 s8, $0x1  }
0x59: {  	s10 =	rddreg [dreg:$0xb];
	s6 =	sand.u32 @!p2 $0x3, s6;
	s13 =	smul.u32 $0xFFFFFA00, s8  }
0x5a: {  	s8 =	smul.u32 $0xFFFFFFF4, s8;
	s20 =	sshra.s32 s18, $0x2;
	s21 =	sshra.s32 s19, $0x2  }
0x5b: {  	[tilespmem:s11], [sflag:$0x5] =	stream.linear.gather [hbm4b:s10+s25], $0x80, $0x38;
	v63 =	vld [tilespmem:$0x0]  }
0x5c: {  	_ =	swait.ge [sflag:s12], $0x80;
	s9 =	sshra.s32 s13, $0x2;
	s8 =	sshra.s32 s8, $0x2  }
0x5d: {  	[sflag:s12] =	ssyncset.done $0x0;
	s9 =	sadd.s32 $0x100, s9;
	s2 =	sadd.s32 $0x3, s8  }
0x5e: {  	s8 =	sshll.u32 @!p2 s6, $0x7;
	s6 =	sor.u32 @!p2 $0x4, s6;
	[sflag:s12] =	ssyncadd.s32 $0xFFFFFF80  }
0x5f: {  	s12 =	sshrl.u32 s0, $0x1;
	s0 =	simm.s32 $0x200;
	s9 =	sadd.s32 @!p2 $0x0, s9  }
0x60: {  	[tilespmem:s26], [sflag:$0x8] =	stream.indirect.gather [hbm4b:s4+s24], $0x80, s25, s24, $0xb8;
	v63 =	vld [tilespmem:$0x0]  }
0x61: {  	s2 =	sadd.s32 @!p2 $0x0, s2;
	s14 =	smul.u32 $0xFFFFFFF4, s12;
	_ =	swait.ge @!p1 [sflag:s7], $0x4000  }
0x62: {  	s8 =	sor.u32 @!p2 $0x200, s8;
	s12 =	smul.u32 $0xFFFD0000, s12;
	s15 =	rddreg [dreg:$0x5]  }
0x63: {  	s25 =	rddreg [dreg:$0x6];
	[sflag:s7] =	ssyncset.done @!p1 $0x0;
	s17 =	sshra.s32 s14, $0x2  }
0x64: {  	s14 =	sshll.u32 s31, $0x7;
	s15 =	sadd.s32 @!p2 $0x0, s15;
	[sflag:s7] =	ssyncadd.s32 @!p1 $0xFFFFC000  }
0x65: {  	[tilespmem:s9], [sflag:s2] =	stream.linear.gather @!p2 [hbm4b:s15+s23], $0x80, $0x38;
	v63 =	vld [tilespmem:$0x0]  }
0x66: {  	p1 =	sle.u32 s5, $0x1;
	s15 =	smul.u32 $0xFFFFFFF4, s16;
	s9 =	sadd.s32 @!p2 $0x0, s25  }
0x67: {  	[tilespmem:s8], [sflag:s6] =	stream.linear.gather @!p2 [hbm4b:s9+s23], $0x80, $0x38;
	v63 =	vld [tilespmem:$0x0]  }
0x68: {  	s2 =	simm.s32 $0x8400;
	s25 =	simm.s32 $0x3;
	s7 =	sshra.s32 s15, $0x2  }
.Ltmp1:
0x69: {  	s23 =	simm.s32 $0x2;
	s15 =	sadd.s32 $0x2, s7;
	(pc) =	sbr.rel @!p0 .LBB2_5-.Ltmp1, $4  }
0x6a: {  	s6 =	sadd.s32 $0x8, s17;
	s16 =	sadd.s32 $0x9, s7;
	s17 =	sadd.s32 @!p1 $0x0, s15  }
0x6b: {  	s9 =	sadd.s32 $0x0, s6;
	s6 =	sadd.s32 $0x80, s20;
	_ =	swait.ge @!p1 [sflag:s17], $0x80  }
0x6c: {  	s7 =	sadd.s32 @!p1 $0x0, s6;
	s8 =	sadd.s32 @!p1 $0x0, s16;
	[sflag:s17] =	ssyncset.done @!p1 $0x0  }
0x6d: {  	s15 =	simm.s32 @!p1 $0x80;
	s6 =	sadd.s32 $0x4400, s21;
	[sflag:s17] =	ssyncadd.s32 @!p1 $0xFFFFFF80  }
.LBB2_4:
0x6e: {  	[tilespmem:s6], [sflag:s8] =	stream.indirect.gather @!p1 [hbm4b:s4+s15], $0x80, s7, s15, $0xb8;
	v63 =	vld [tilespmem:$0x0]  }
0x6f: {  	s18 =	smov.u32 s29  }
0x70: {  	s8 =	smov.u32 s30;
	s7 =	smov.u32 s0;
	s29 =	sadd.s32 $0xFFFFFFFF, s25  }
0x71: {  	s16 =	sor.u32 $0x4, s31;
	s6 =	smov.u32 s2;
	s17 =	smov.u32 s23  }
0x72: {  	s14 =	sor.u32 $0x200, s14;
	s20 =	sadd.s32 $0xB, s31;
	s30 =	sadd.s32 $0x4, s30  }
0x73: {  	s0 =	sadd.s32 $0x200, s0;
	s2 =	sadd.s32 $0x4000, s2;
	s23 =	sadd.s32 $0x1, s23  }
0x74: {  	_ =	swait.ge [sflag:s9], $0x4000;
	p0 =	sne.s32 s29, s5;
	s12 =	sshra.s32 s12, $0x2  }
0x75: {  	s15 =	smulhi.u32 $0xAAAAAAAB, s18;
	p1 =	sge.u32 s29, s5;
	[sflag:s9] =	ssyncset.done $0x0  }
0x76: {  	s19 =	sadd.s32 s12, s26;
	s26 =	smov.u32 s28;
	s28 =	sadd.s32 $0x4000, s28  }
0x77: {  	s12 =	smov.u32 s25;
	s25 =	sadd.s32 $0x1, s25;
	s18 =	sshra.s32 @!p1 s8, $0x2  }
0x78: {  	[sflag:s9] =	ssyncadd.s32 $0xFFFFC000;
	s9 =	sshra.s32 s8, $0x2;
	s21 =	sadd.s32 $0xFFFFFFFE, s12  }
0x79: {  	p2 =	sge.u32 s12, s5;
	s3 =	smulhi.u32 $0xAAAAAAAB, s12;
	s15 =	sshrl.u32 s15, $0x1  }
0x7a: {  	_ =	swait.ge [sflag:s16], $0x80;
	s31 =	sand.u32 $0x3, s21;
	p3 =	slt.u32 s21, $0x2  }
0x7b: {  	s13 =	simm.s32 @!p2 $0x0;
	s10 =	sshra.s32 @!p2 s7, $0x2;
	[sflag:s16] =	ssyncset.done $0x0  }
0x7c: {  	s8 =	sshra.s32 @!p2 s8, $0x2;
	[sflag:s16] =	ssyncadd.s32 $0xFFFFFF80;
	s16 =	sxor.u32 @!p3 $0x2, s31  }
0x7d: {  	[spmem:s1] =	stream.indirect.scatter.add.f32 [tilespmem:s19], [sflag:s20], $0x80, s14, s24, $0xb8;
	v63 =	vld [tilespmem:$0x0]  }
0x7e: {  	s12 =	sand.u32 @!p2 $0x3, s12;
	s14 =	smulhi.u32 $0xAAAAAAAB, s17;
	s16 =	sadd.s32 @!p3 $0xB, s16  }
0x7f: {  	s17 =	sshrl.u32 s3, $0x1;
	s20 =	smul.u32 $0xFFFFFFF4, s15;
	_ =	swait.ge @!p3 [sflag:s16], $0x4000  }
0x80: {  	s3 =	sshll.u32 @!p2 s12, $0x7;
	s19 =	smul.u32 $0xFFFFFA00, s17;
	s21 =	rddreg [dreg:$0x5]  }
0x81: {  	s17 =	smul.u32 $0xFFFFFFF4, s17;
	s3 =	sor.u32 @!p2 $0x200, s3;
	s11 =	rddreg [dreg:$0x6]  }
0x82: {  	s20 =	sshra.s32 s20, $0x2;
	s14 =	sshrl.u32 s14, $0x1;
	[sflag:s16] =	ssyncset.done @!p3 $0x0  }
0x83: {  	s19 =	sshra.s32 s19, $0x2;
	s17 =	sshra.s32 s17, $0x2;
	[sflag:s16] =	ssyncadd.s32 @!p3 $0xFFFFC000  }
0x84: {  	s11 =	sadd.s32 @!p2 s7, s11;
	s16 =	smul.u32 $0xFFFD0000, s14;
	s19 =	sadd.s32 $0x100, s19  }
0x85: {  	s20 =	sadd.s32 $0x8, s20;
	s17 =	sadd.s32 $0x3, s17;
	s10 =	sadd.s32 @!p2 s10, s19  }
0x86: {  	s19 =	sadd.s32 @!p2 s7, s21;
	s21 =	smul.u32 $0xFFFFFFF4, s14;
	s8 =	sadd.s32 @!p2 s8, s17  }
0x87: {  	[tilespmem:s10], [sflag:s8] =	stream.linear.gather @!p2 [hbm4b:s19+s13], $0x80, $0x38;
	v63 =	vld [tilespmem:$0x0]  }
0x88: {  	s9 =	sadd.s32 s9, s20;
	s7 =	sshra.s32 @!p1 s7, $0x2;
	s19 =	smul.u32 $0xFFFFFA00, s14  }
0x89: {  	s14 =	sor.u32 @!p2 $0x4, s12;
	s12 =	smul.u32 $0xFFFD0000, s15;
	s10 =	sshra.s32 s21, $0x2  }
0x8a: {  	[tilespmem:s3], [sflag:s14] =	stream.linear.gather @!p2 [hbm4b:s11+s13], $0x80, $0x38;
	v63 =	vld [tilespmem:$0x0]  }
.Ltmp2:
0x8b: {  	s15 =	simm.s32 @!p1 $0x80;
	s17 =	sadd.s32 $0x2, s10;
	(pc) =	sbr.rel @p0 .LBB2_4-.Ltmp2, $4  }
0x8c: {  	s21 =	sshra.s32 s16, $0x2;
	s8 =	sadd.s32 $0x9, s10;
	s17 =	sadd.s32 @!p1 s18, s17  }
0x8d: {  	s10 =	sshra.s32 s19, $0x2;
	s6 =	sadd.s32 s21, s6;
	_ =	swait.ge @!p1 [sflag:s17], $0x80  }
0x8e: {  	s14 =	sshll.u32 s31, $0x7;
	s10 =	sadd.s32 $0x80, s10;
	[sflag:s17] =	ssyncset.done @!p1 $0x0  }
0x8f: {  	s8 =	sadd.s32 @!p1 s18, s8;
	s7 =	sadd.s32 @!p1 s7, s10;
	[sflag:s17] =	ssyncadd.s32 @!p1 $0xFFFFFF80  }
.LBB2_5:
0x90: {  	[tilespmem:s6], [sflag:s8] =	stream.indirect.gather @!p1 [hbm4b:s4+s15], $0x80, s7, s15, $0xb8;
	v63 =	vld [tilespmem:$0x0]  }
0x91: {  	_ =	swait.ge [sflag:s9], $0x4000  }
0x92: {  	[sflag:s9] =	ssyncset.done $0x0  }
0x93: {  	s0 =	sor.u32 $0x4, s31;
	[sflag:s9] =	ssyncadd.s32 $0xFFFFC000  }
0x94: {  	s2 =	sshra.s32 s12, $0x2;
	_ =	swait.ge [sflag:s0], $0x80  }
0x95: {  	s3 =	sor.u32 $0x200, s14;
	s23 =	sadd.s32 $0xB, s31;
	[sflag:s0] =	ssyncset.done $0x0  }
0x96: {  	s2 =	sadd.s32 s2, s26;
	s25 =	rddreg [dreg:$0xc];
	[sflag:s0] =	ssyncadd.s32 $0xFFFFFF80  }
0x97: {  	[spmem:s1] =	stream.indirect.scatter.add.f32 [tilespmem:s2], [sflag:s23], $0x80, s3, s24, $0xb8;
	v63 =	vld [tilespmem:$0x0]  }
0x98: {  	_ =	swait.ge [sflag:s25], $0x4000  }
0x99: {  	[sflag:s25] =	ssyncset.done $0x0  }
0x9a: {  	s26 =	rddreg [dreg:$0xd];
	[sflag:s25] =	ssyncadd.s32 $0xFFFFC000  }
0x9b: {  	_ =	swait.ge [sflag:s26], $0x4000  }
0x9c: {  	[sflag:s26] =	ssyncset.done $0x0  }
0x9d: {  	[sflag:s26] =	ssyncadd.s32 $0xFFFFC000  }
0x9e: {  	s28 =	stileid.u32;
	[bflag:$0x0] =	sbarrier.arrive $0xFFFF  }
0x9f: {  	s0 =	sshll.u32 s28, $0x6;
	s9 =	rddreg [dreg:$0xf]  }
0xa0: {  	s0 =	sor.u32 $0x1C0F, s0;
	s30 =	rddreg [dreg:$0xe];
	s29 =	sshrl.u32 s9, $0x3  }
0xa1: {  	[hbm:s30], [sflag:s0] =	dma.local [spmem:s29], $0x2780  }
0xa2: {  	_ =	swait.ge [sflag:s22], $0x2780  }
0xa3: {  	s13 =	rddreg [dreg:$0x7]  }
0xa4: {  	s31 =	rddreg [dreg:$0x10];
	s13 =	sadd.s32 $0x1, s13  }
0xa5: {  	p0 =	sne.s32 s13, s31  }
.Ltmp3:
0xa6: {  	_ = 	snop;
	(pc) =	sbr.rel @p0 .LBB2_1-.Ltmp3, $3  }
0xa7: {  	_ =	sdelay $0x1  }
0xa8: {  	[sflag:s22] =	ssyncset.done $0x0  }
0xa9: {  	[sflag:s22] =	ssyncadd.s32 $0xFFFFD880  }
0xaa: {  	_ =	sfence.sel $0x180000  }
0xab: {  	[bflag:$0x0] =	sbarrier.arrive $0xFFFF  }
0xac: {  	_ =	strace $0x9000004D  }
0xad: {  	s0 =	stileid.u32;
	[bflag:$0x2] =	sbarrier.arrive $0xFFFF  }
0xae: {  	p0 =	sne.s32 s0, $0x0;
	s0 =	rddreg [dreg:$0x4]  }
0xaf: {  	s0 =	sadd.s32 @!p0 $0x100000, s0  }
0xb0: {  	[sflag:s0] =	ssyncadd.tile.s32 @!p0 $0x1;
	_ =	shalt  }
.Lfunc_end2:
_tile_overlayer_lowered:
.L_overlay_start_2:
0xb1: {  	(tag) =	ssettag $0x2  }
0xb2: {  	s0 =	rddreg [dreg:$0x0];
	s2 =	stileid.u32  }
0xb3: {  	s1 =	rddreg [dreg:$0x1];
	p0 =	sne.s32 s2, $0x0  }
0xb4: {  	s3 =	rddreg [dreg:$0x2];
	[bflag:$0x3] =	sbarrier.arrive $0xFFFF;
	s2 =	simm.s32 @!p0 $0x1C0F  }
0xb5: {  	[timem:s3], [sflag:s2] =	dma.local @!p0 [hbm:s0], s1  }
0xb6: {  	s0 =	simm.s32 @!p0 $0xF  }
0xb7: {  	_ =	swait.ge @!p0 [sflag:s0], s1  }
0xb8: {  	s1 =	ssub.s32 @!p0 $0x0, s1;
	[sflag:s0] =	ssyncset.done @!p0 $0x0  }
0xb9: {  	[sflag:s0] =	ssyncadd.s32 @!p0 s1  }
0xba: {  	[bflag:$0x3] =	sbarrier.arrive $0xFFFF  }
0xbb: {  	_ =	shalt  }

// kernel: kernel.8.cloned.1.call-start
scs
__scs_entry_jumppad:
0x0: {  	(pc) =	sbr.rel $0x88, $3  }
0x1: {  	(tag) =	ssettag $0x0;
	lr =	simm.s32 $0x1  }
0x2: {  	[smem:$0x3F9E] =	sst lr;
	_ =	strace $0xD0000000  }
0x3: {  	_ = 	snop  }
0x4: {  	_ = 	snop  }
0x5: {  	_ = 	snop  }
0x6: {  	_ = 	snop  }
0x7: {  	_ = 	snop  }
__scs_overlays_trampoline_lowered:
0x8: {  	[smem:$0x3FAD] =	sst s0  }
0x9: {  	[smem:$0x3FAE] =	sst s1  }
0xa: {  	[smem:$0x3FAF] =	sst s2  }
0xb: {  	[smem:$0x3FB0] =	sst s3  }
0xc: {  	[smem:$0x3FB1] =	sst s4  }
0xd: {  	[smem:$0x3FB2] =	sst s5  }
0xe: {  	[smem:$0x3FB3] =	sst s6  }
0xf: {  	[smem:$0x3FB4] =	sst s7  }
0x10: {  	[smem:$0x3FB5] =	sst s8  }
0x11: {  	[smem:$0x3FB6] =	sst s9;
	s0 =	simm.s32 @!p0 $0x0  }
0x12: {  	s1 =	sld [smem:$0x3F9C];
	s0 =	simm.s32 @p0 $0x1  }
0x13: {  	[smem:$0x3FB7] =	sst s0;
	s0 =	simm.s32 @!p1 $0x0  }
0x14: {  	s2 =	sld [smem:$0x3F9B];
	s0 =	simm.s32 @p1 $0x1  }
0x15: {  	[smem:$0x3FB8] =	sst s0;
	s0 =	simm.s32 @!p2 $0x0  }
0x16: {  	s3 =	sld [smem:$0x3FDB];
	s0 =	simm.s32 @p2 $0x1  }
0x17: {  	s4 =	simm.s32 $0x1BF5;
	[smem:$0x3FBA] =	sst s0  }
0x18: {  	s0 =	sld [smem:$0x3F9D];
	_ =	swait.ge [sflag:s4], $0x0  }
0x19: {  	s7 =	sld [smem:$0x3F9E]  }
0x1a: {  	s8 =	sadd.s32 $0xFFFFE003, lr  }
0x1b: {  	s9 =	sadd.s32 $0xFFFFFEF7, lr;
	s5 =	simm.s32 $0xFFFFFFFF;
	p2 =	slt.u32 s8, $0xFFFFF086  }
0x1c: {  	p1 =	slt.u32 s9, $0xF7A;
	s5 =	simm.s32 @!p2 $0x0  }
0x1d: {  	s5 =	simm.s32 @p1 $0x1;
	p0 =	seq.s32 s7, s2  }
0x1e: {  	s7 =	smul.u32 @!p0 $0xF7A, s2;
	p2 =	seq.s32 @!p0 s5, $0x0  }
0x1f: {  	s9 =	smul.u32 $0xF7A, s1;
	s8 =	simm.s32 @!p0 $0x1BF5;
	p2 =	por !p2, p0  }
0x20: {  	[sflag:s8] =	ssyncset.s32 @!p0 $0xFFFFF086;
	s6 =	sadd.s32 @!p0 s3, s7;
	s7 =	simm.s32 @!p0 $0x108  }
0x21: {  	s3 =	sadd.s32 s3, s9;
	s6 =	sadd.s32 @!p0 $0x88, s6;
	s7 =	simm.s32 @p2 $0x1082  }
0x22: {  	[simem:s7], [sflag:s8] =	dma.local @!p0 [hbm:s6], $0xF7A  }
0x23: {  	s9 =	sor.u32 $0xD0000000, s2;
	s6 =	simm.s32 $0x108;
	_ =	swait.ge @!p0 [sflag:s8], $0x0  }
0x24: {  	s3 =	sadd.s32 $0x88, s3;
	s6 =	simm.s32 @!p1 $0x1082;
	[sflag:s4] =	ssyncset.s32 $0xFFFFF086  }
0x25: {  	[simem:s6], [sflag:s4] =	dma.local [hbm:s3], $0xF7A  }
0x26: {  	[smem:$0x3F9E] =	sst s1;
	(tag) =	ssettag s2;
	_ =	strace s9  }
0x27: {  	s1 =	sld [smem:$0x3FAE]  }
0x28: {  	s2 =	sld [smem:$0x3FAF]  }
0x29: {  	s4 =	sld [smem:$0x3FB1]  }
0x2a: {  	p0 =	seq.s32 s5, $0x0;
	s5 =	sld [smem:$0x3FB2]  }
0x2b: {  	s6 =	sld [smem:$0x3FB3]  }
0x2c: {  	s7 =	sld [smem:$0x3FB4]  }
0x2d: {  	s3 =	simm.s32 $0x108;
	s8 =	sld [smem:$0x3FB5]  }
0x2e: {  	s3 =	simm.s32 @!p0 $0x1082;
	s9 =	sld [smem:$0x3FB6]  }
0x2f: {  	lr =	sadd.s32 s0, s3;
	s0 =	sld [smem:$0x3FAD]  }
0x30: {  	s3 =	sld [smem:$0x3FB0]  }
0x31: {  	[smem:$0x3FB9] =	sst s10  }
0x32: {  	s10 =	sld [smem:$0x3FB7];
	_ =	sdelay $0x3  }
0x33: {  	p0 =	seq.s32 s10, $0x1;
	s10 =	sld [smem:$0x3FB9];
	_ =	sdelay $0x3  }
0x34: {  	[smem:$0x3FB9] =	sst s10  }
0x35: {  	s10 =	sld [smem:$0x3FB8];
	_ =	sdelay $0x3  }
0x36: {  	p1 =	seq.s32 s10, $0x1;
	s10 =	sld [smem:$0x3FB9];
	_ =	sdelay $0x3  }
0x37: {  	[smem:$0x3FB9] =	sst s10  }
0x38: {  	s10 =	sld [smem:$0x3FBA]  }
0x39: {  	_ = 	snop;
	(pc) =	sbr.ind lr, $3  }
0x3a: {  	_ = 	snop  }
0x3b: {  	_ = 	snop  }
0x3c: {  	p2 =	seq.s32 s10, $0x1;
	s10 =	sld [smem:$0x3FB9]  }
0x3d: {  	_ =	shalt  }
0x3e: {  	_ =	shalt  }
0x3f: {  	_ =	shalt  }
0x40: {  	_ =	shalt  }
0x41: {  	_ =	shalt  }
0x42: {  	_ =	shalt  }
0x43: {  	_ =	shalt  }
0x44: {  	_ =	shalt  }
0x45: {  	_ =	shalt  }
0x46: {  	_ =	shalt  }
0x47: {  	_ =	shalt  }
0x48: {  	_ =	shalt  }
0x49: {  	_ =	shalt  }
0x4a: {  	_ =	shalt  }
0x4b: {  	_ =	shalt  }
0x4c: {  	_ =	shalt  }
0x4d: {  	_ =	shalt  }
0x4e: {  	_ =	shalt  }
0x4f: {  	_ =	shalt  }
0x50: {  	_ =	shalt  }
0x51: {  	_ =	shalt  }
0x52: {  	_ =	shalt  }
0x53: {  	_ =	shalt  }
0x54: {  	_ =	shalt  }
0x55: {  	_ =	shalt  }
0x56: {  	_ =	shalt  }
0x57: {  	_ =	shalt  }
0x58: {  	_ =	shalt  }
0x59: {  	_ =	shalt  }
0x5a: {  	_ =	shalt  }
0x5b: {  	_ =	shalt  }
0x5c: {  	_ =	shalt  }
0x5d: {  	_ =	shalt  }
0x5e: {  	_ =	shalt  }
0x5f: {  	_ =	shalt  }
0x60: {  	_ =	shalt  }
0x61: {  	_ =	shalt  }
0x62: {  	_ =	shalt  }
0x63: {  	_ =	shalt  }
0x64: {  	_ =	shalt  }
0x65: {  	_ =	shalt  }
0x66: {  	_ =	shalt  }
0x67: {  	_ =	shalt  }
0x68: {  	_ =	shalt  }
0x69: {  	_ =	shalt  }
0x6a: {  	_ =	shalt  }
0x6b: {  	_ =	shalt  }
0x6c: {  	_ =	shalt  }
0x6d: {  	_ =	shalt  }
0x6e: {  	_ =	shalt  }
0x6f: {  	_ =	shalt  }
0x70: {  	_ =	shalt  }
0x71: {  	_ =	shalt  }
0x72: {  	_ =	shalt  }
0x73: {  	_ =	shalt  }
0x74: {  	_ =	shalt  }
0x75: {  	_ =	shalt  }
0x76: {  	_ =	shalt  }
0x77: {  	_ =	shalt  }
0x78: {  	_ =	shalt  }
0x79: {  	_ =	shalt  }
0x7a: {  	_ =	shalt  }
0x7b: {  	_ =	shalt  }
0x7c: {  	_ =	shalt  }
0x7d: {  	_ =	shalt  }
0x7e: {  	_ =	shalt  }
0x7f: {  	_ =	shalt  }
0x80: {  	_ =	shalt  }
0x81: {  	_ =	shalt  }
0x82: {  	_ =	shalt  }
0x83: {  	_ =	shalt  }
0x84: {  	_ =	shalt  }
0x85: {  	_ =	shalt  }
0x86: {  	_ =	shalt  }
0x87: {  	_ =	shalt  }
.Lfunc_end0:
.L_simem_size_0:
called_computation_lowered:
.L_overlay_start_0:
0x88: {  	s2 =	sld [smem:$0x3FD9]  }
0x89: {  	s3 =	sld [smem:$0x3FFE];
	_ =	sdelay $0x1  }
0x8a: {  	s1 =	srdreg.scid  }
0x8b: {  	s0 =	sand.u32 $0x1, s1  }
0x8c: {  	s14 =	sshll.u32 s0, $0xA;
	s2 =	sadd.s32 s3, s2  }
0x8d: {  	s2 =	sadd.s32 s2, s14  }
0x8e: {  	[smem:$0x3FC5] =	sst s2  }
0x8f: {  	_ = 	snop  }
0x90: {  	s2 =	sld [smem:$0x3FD0];
	_ =	sdelay $0x2  }
0x91: {  	s15 =	simm.s32 $0xA;
	s4 =	simm.s32 $0x10  }
0x92: {  	[smem:s4], [sflag:s15] =	dma.local [hbm:s2], $0x1  }
0x93: {  	_ =	swait.eq [sflag:s15], $0x1  }
0x94: {  	[sflag:s15] =	ssyncset.done $0x0  }
0x95: {  	[sflag:s15] =	ssyncadd.s32 $0xFFFFFFFF  }
0x96: {  	s16 =	sld [smem:$0x10];
	(tm) =	ssettm $0x1  }
0x97: {  	s17 =	sld [smem:$0x3FFB];
	_ =	sdelay $0x3  }
0x98: {  	_ =	strace s17  }
0x99: {  	s3 =	sld [smem:$0x3FFC];
	_ =	sdelay $0x3  }
0x9a: {  	_ =	strace s3  }
0x9b: {  	s3 =	sld [smem:$0x3FFD];
	_ =	sdelay $0x3  }
0x9c: {  	_ =	strace s3  }
0x9d: {  	_ =	strace $0x8FFFFFFF  }
0x9e: {  	s18 =	sld [smem:$0x3FDB];
	_ =	sdelay $0x1  }
0x9f: {  	s19 =	simm.s32 $_scs_section_size  }
0xa0: {  	s5 =	simm.s32 $_size__tile_overlayer_lowered;
	s6 =	simm.s32 $_tile_overlayer_lowered  }
0xa1: {  	s22 =	simm.s32 $0x1BFF;
	s21 =	sshll.u32 s6, $0x1;
	s3 =	sadd.s32 s19, s18  }
0xa2: {  	s7 =	simm.s32 $0x0;
	s20 =	sshll.u32 s5, $0x1;
	s5 =	sadd.s32 s21, s3  }
0xa3: {  	[timem:s7], [sflag:s22] =	dma.local [hbm:s5], s20  }
0xa4: {  	_ =	swait.ge [sflag:s22], s20  }
0xa5: {  	s4 =	ssub.s32 $0x0, s20;
	[sflag:s22] =	ssyncset.done $0x0  }
0xa6: {  	[sflag:s22] =	ssyncadd.s32 s4;
	_ =	sdelay $0x1  }
0xa7: {  	s23 =	simm.s32 $0x1B8B  }
0xa8: {  	_ =	swait.ge [sflag:s23], $0x1  }
0xa9: {  	[sflag:s23] =	ssyncset.done $0x0  }
0xaa: {  	s25 =	simm.s32 $0x1B8E;
	s24 =	sld [smem:$0x3FFE];
	[sflag:s23] =	ssyncadd.s32 $0xFFFFFFFF  }
0xab: {  	s26 =	simm.s32 $execute0_lowered;
	[smem:$0x3FD2] =	sst s25  }
0xac: {  	s5 =	sshll.u32 s26, $0x1;
	_ =	strace $0x80000046;
	[dreg:$0x1] =	wrdreg $0xFFFFFFFF  }
0xad: {  	s28 =	simm.s32 $_size_execute0_lowered;
	s3 =	sadd.s32 s3, s5;
	[dreg:$0x0] =	wrdreg $0x0  }
0xae: {  	s5 =	sshll.u32 s28, $0x1;
	[dreg:$0x2] =	wrdreg s3  }
0xaf: {  	[dreg:$0x3] =	wrdreg s5  }
0xb0: {  	[dreg:$0x4] =	wrdreg $0xC0  }
0xb1: {  	_ =	task [dreg:s7], $0x5FFFF  }
0xb2: {  	[dreg:$0x1] =	wrdreg $0xFFFFFFFF  }
0xb3: {  	[dreg:$0x0] =	wrdreg $0x60  }
0xb4: {  	[dreg:$0x2] =	wrdreg s16  }
0xb5: {  	[dreg:$0x3] =	wrdreg s24  }
0xb6: {  	[dreg:$0x4] =	wrdreg $0x7000  }
0xb7: {  	[dreg:$0x5] =	wrdreg $0x9  }
0xb8: {  	_ =	task.clear_ibuf [dreg:s7], $0x6FFFF;
	_ =	strace $0x90000046  }
0xb9: {  	s29 =	simm.s32 $0x9;
	_ =	strace $0x80000048  }
0xba: {  	_ =	swait.ge [sflag:s29], $0x1  }
0xbb: {  	[sflag:s29] =	ssyncadd.s32 $0xFFFFFFFF  }
0xbc: {  	_ =	strace $0x90000048  }
0xbd: {  	_ =	sfence  }
0xbe: {  	s30 =	sld [smem:$0x0];
	_ =	sdelay $0x2  }
0xbf: {  	s31 =	sshll.u32 s1, $0xD;
	s1 =	sshrl.u32 s1, $0x2  }
0xc0: {  	s3 =	sand.u32 $0x4000, s31;
	s1 =	sadd.s32 s1, s30  }
0xc1: {  	s0 =	sor.u32 s3, s0;
	s1 =	sshll.u32 s1, $0x11  }
0xc2: {  	s0 =	sor.u32 s1, s0  }
0xc3: {  	s0 =	sadd.s32 $0x8F2B, s0  }
0xc4: {  	[sflag:s0] =	ssyncadd.remote.s32 $0x1  }
0xc5: {  	_ =	sfence.sel $0xFFFF  }
0xc6: {  	[dreg:$0x0] =	wrdreg $0xFFFFFFFF;
	(pc) =	sbr.abs _section_cstart, $3  }
0xc7: {  	[dreg:$0x1] =	wrdreg $0xFFFFFFFF  }
0xc8: {  	_ =	task.clear_ibuf [dreg:s7], $0x2FFFF;
	_ =	strace $0x9FFFFFFF  }
0xc9: {  	(tm) =	ssettm $0x7FFFFFFF  }
tec
execute0_lowered:
.L_overlay_start_1:
0x0: {  	(tag) =	ssettag $0x1  }
0x1: {  	s0 =	rddreg [dreg:$0x0]  }
0x2: {  	s1 =	rddreg [dreg:$0x1];
	s3 =	srdreg.scid  }
0x3: {  	s17 =	stileid.u32;
	s2 =	rddreg [dreg:$0x2];
	s18 =	simm.s32 $0x11  }
0x4: {  	s19 =	simm.s32 $0x80;
	s22 =	simm.s32 $0x400;
	s28 =	simm.s32 $0x0  }
0x5: {  	s12 =	sand.u32 $0x1, s3;
	s4 =	smul.u32 $0x500, s17;
	s3 =	simm.s32 $0x0  }
0x6: {  	s7 =	smul.u32 $0xA00, s17;
	s13 =	sshll.u32 s17, $0x7;
	s31 =	sshll.u32 s17, $0x6  }
0x7: {  	s5 =	sshll.u32 s12, $0x7;
	[smem:$0x7FF] =	sst s3;
	s23 =	ssub.s32 $0x2, s12  }
0x8: {  	s6 =	sshll.u32 s12, $0x4;
	s12 =	sshll.u32 s12, $0xB;
	s4 =	sor.u32 s5, s4  }
0x9: {  	_ =	strace $0x80000047;
	s24 =	sshrl.u32 s23, $0x1;
	s6 =	sor.u32 s17, s6  }
0xa: {  	s7 =	sshrl.u32 s7, $0x2;
	s12 =	sor.u32 s13, s12;
	s4 =	sshrl.u32 s4, $0x3  }
0xb: {  	s15 =	ssub.s32 s23, s24;
	s25 =	sshll.u32 s6, $0x4;
	p0 =	slt.u32 s6, $0x4  }
0xc: {  	s6 =	sadd.s32 s7, s2;
	s30 =	sor.u32 $0x4000, s12;
	s23 =	sor.u32 $0x1C11, s31  }
0xd: {  	s1 =	sadd.s32 s4, s1;
	s4 =	simm.s32 $0x4F;
	s5 =	sadd.s32 s0, s25  }
0xe: {  	s15 =	smax.u32 s15, $0x1;
	s25 =	simm.s32 $0x20;
	s4 =	simm.s32 @!p0 $0x4E  }
0xf: {  	s7 =	sadd.s32 $0x200, s5;
	s8 =	sadd.s32 $0x400, s5;
	s9 =	sadd.s32 $0x600, s5  }
0x10: {  	s10 =	sand.u32 $0x3, s4;
	s11 =	sadd.s32 $0x5, s4;
	s14 =	sadd.s32 $0x6, s4  }
0x11: {  	s16 =	sadd.s32 $0xFFFFFFFF, s4;
	s10 =	sadd.s32 $0x9, s10;
	s11 =	sand.u32 $0x7, s11  }
0x12: {  	s26 =	sand.u32 $0x5, s14;
	s29 =	sand.u32 $0x7, s16;
	s16 =	sshrl.u32 s30, $0x3  }
0x13: {  	s14 =	sadd.s32 $0x1C00, s1;
	s11 =	sadd.s32 $0x9, s11;
	s12 =	sadd.s32 $0x9, s26  }
0x14: {  	v0 =	vimm.f32 $1.000000000e+00;
	v1 =	vimm.f32 $0.0e+00;
	s13 =	sadd.s32 $0x9, s29;
	s16 =	sadd.s32 s16, s0;
	s26 =	simm.s32 $0x10  }
.LBB2_1:
0x15: {  	[tilespmem:$0x400] =	vst v0  }
0x16: {  	[tilespmem:$0x410] =	vst v0  }
0x17: {  	[tilespmem:$0x420] =	vst v0  }
0x18: {  	[tilespmem:$0x430] =	vst v0  }
0x19: {  	[tilespmem:$0x440] =	vst v0  }
0x1a: {  	[tilespmem:$0x450] =	vst v0  }
0x1b: {  	[tilespmem:$0x460] =	vst v0  }
0x1c: {  	[tilespmem:$0x470] =	vst v0  }
0x1d: {  	[tilespmem:$0x480] =	vst v1  }
0x1e: {  	[tilespmem:$0x490] =	vst v1  }
0x1f: {  	[tilespmem:$0x4A0] =	vst v1  }
0x20: {  	[tilespmem:$0x4B0] =	vst v1  }
0x21: {  	[tilespmem:$0x4C0] =	vst v1  }
0x22: {  	[tilespmem:$0x4D0] =	vst v1  }
0x23: {  	[tilespmem:$0x4E0] =	vst v1  }
0x24: {  	[tilespmem:$0x4F0] =	vst v1  }
0x25: {  	[tilespmem:$0x500] =	vst v1  }
0x26: {  	[tilespmem:$0x510] =	vst v1  }
0x27: {  	[tilespmem:$0x520] =	vst v1  }
0x28: {  	[tilespmem:$0x530] =	vst v1  }
0x29: {  	[tilespmem:$0x540] =	vst v1  }
0x2a: {  	[tilespmem:$0x550] =	vst v1  }
0x2b: {  	[tilespmem:$0x560] =	vst v1  }
0x2c: {  	[tilespmem:$0x570] =	vst v1  }
0x2d: {  	[tilespmem:$0x580] =	vst v1  }
0x2e: {  	[tilespmem:$0x590] =	vst v1  }
0x2f: {  	[tilespmem:$0x5A0] =	vst v1  }
0x30: {  	[tilespmem:$0x5B0] =	vst v1  }
0x31: {  	[tilespmem:$0x5C0] =	vst v1  }
0x32: {  	[tilespmem:$0x5D0] =	vst v1  }
0x33: {  	[tilespmem:$0x5E0] =	vst v1  }
0x34: {  	[tilespmem:$0x5F0] =	vst v1  }
0x35: {  	[tilespmem:$0x600] =	vst v1  }
0x36: {  	[tilespmem:$0x610] =	vst v1  }
0x37: {  	[tilespmem:$0x620] =	vst v1  }
0x38: {  	[tilespmem:$0x630] =	vst v1  }
0x39: {  	[tilespmem:$0x640] =	vst v1  }
0x3a: {  	[tilespmem:$0x650] =	vst v1  }
0x3b: {  	[tilespmem:$0x660] =	vst v1  }
0x3c: {  	[tilespmem:$0x670] =	vst v1  }
0x3d: {  	[tilespmem:$0x680] =	vst v1  }
0x3e: {  	[tilespmem:$0x690] =	vst v1  }
0x3f: {  	[tilespmem:$0x6A0] =	vst v1  }
0x40: {  	[tilespmem:$0x6B0] =	vst v1  }
0x41: {  	[tilespmem:$0x6C0] =	vst v1  }
0x42: {  	[tilespmem:$0x6D0] =	vst v1  }
0x43: {  	[tilespmem:$0x6E0] =	vst v1  }
0x44: {  	[tilespmem:$0x6F0] =	vst v1;
	s0 =	simm.s32 $0x480  }
0x45: {  	[spmem:s6] =	stream.linear.scatter [tilespmem:s0], [sflag:$0x11], $0x280, $0x38;
	[tilespmem:$0x980] =	vst v63  }
0x46: {  	_ =	swait.ge [sflag:s18], $0x280  }
0x47: {  	[sflag:s18] =	ssyncset.done $0x0  }
0x48: {  	[sflag:s18] =	ssyncadd.s32 $0xFFFFFD80  }
0x49: {  	[bflag:$0x0] =	sbarrier.arrive $0xFFFF  }
0x4a: {  	[tilespmem:s3], [sflag:$0x1] =	stream.linear.gather [hbm4b:s5+s3], $0x80, $0x38;
	[tilespmem:$0x980] =	vst v63  }
0x4b: {  	p1 =	sne.s32 s4, $0x1  }
0x4c: {  	[tilespmem:s19], [sflag:$0x2] =	stream.linear.gather [hbm4b:s7+s3], $0x80, $0x38;
	[tilespmem:$0x980] =	vst v63  }
.Ltmp0:
0x4d: {  	_ = 	snop;
	(pc) =	sbr.rel @!p1 .LBB2_2-.Ltmp0, $4  }
0x4e: {  	s24 =	simm.s32 $0x100;
	s29 =	simm.s32 $0x180;
	s1 =	simm.s32 $0x4  }
0x4f: {  	[tilespmem:s24], [sflag:$0x3] =	stream.linear.gather [hbm4b:s8+s3], $0x80, $0x38;
	[tilespmem:$0x980] =	vst v63  }
0x50: {  	s31 =	simm.s32 $0x0;
	s30 =	simm.s32 $0x5;
	p0 =	por $0x0, $0x0  }
0x51: {  	[tilespmem:s29], [sflag:$0x4] =	stream.linear.gather [hbm4b:s9+s3], $0x80, $0x38;
	[tilespmem:$0x980] =	vst v63  }
0x52: {  	s17 =	sand.u32 $0x7, s31  }
0x53: {  	s0 =	sadd.s32 $0x1, s17  }
0x54: {  	p0 =	por $0x1, $0x1;
	_ =	swait.ge [sflag:s0], $0x80  }
0x55: {  	s29 =	sxor.u32 @!p0 $0x4, s17;
	[sflag:s0] =	ssyncset.done $0x0  }
0x56: {  	[sflag:s0] =	ssyncadd.s32 $0xFFFFFF80;
	s0 =	sadd.s32 @!p0 $0x9, s29  }
0x57: {  	p1 =	sle.u32 s4, $0x4;
	_ =	swait.ge @!p0 [sflag:s0], $0x80  }
0x58: {  	s1 =	sand.u32 @!p1 $0x7, s1;
	s29 =	simm.s32 @!p1 $0x0;
	[sflag:s0] =	ssyncset.done @!p0 $0x0  }
0x59: {  	[sflag:s0] =	ssyncadd.s32 @!p0 $0xFFFFFF80;
	s0 =	sshll.u32 @!p1 s1, $0x7;
	s1 =	sadd.s32 @!p1 $0x1, s1  }
0x5a: {  	[tilespmem:s0], [sflag:s1] =	stream.linear.gather @!p1 [hbm4b:s16+s29], $0x80, $0x38;
	[tilespmem:$0x980] =	vst v63  }
0x5b: {  	p1 =	sne.s32 s4, $0x2  }
.Ltmp1:
0x5c: {  	_ = 	snop;
	(pc) =	sbr.rel @!p1 .LBB2_4-.Ltmp1, $3  }
0x5d: {  	_ =	sdelay $0x1  }
0x5e: {  	s31 =	simm.s32 $0x1;
	p0 =	por $0x1, $0x1;
	s29 =	sadd.s32 $0x200, s16  }
0x5f: {  	s1 =	simm.s32 $0x6;
	s0 =	sshll.u32 s17, $0x7;
	s17 =	sadd.s32 $0x9, s17  }
.LBB2_5:
0x60: {  	[spmem:s2] =	stream.indirect.scatter.add.f32 [tilespmem:s22], [sflag:s17], $0x1, s0, s19, $0xb8;
	[tilespmem:$0x980] =	vst v63  }
0x61: {  	s17 =	sand.u32 $0x7, s31;
	p2 =	slt.u32 s31, $0x4;
	s31 =	sadd.s32 $0xFFFFFFFC, s1  }
0x62: {  	s0 =	sadd.s32 $0xFFFFFFFD, s1;
	s20 =	sadd.s32 $0x1, s17;
	s21 =	sxor.u32 @!p2 $0x4, s17  }
0x63: {  	p1 =	sne.s32 s0, s4;
	s0 =	smov.u32 s29;
	_ =	swait.ge [sflag:s20], $0x80  }
0x64: {  	s24 =	smov.u32 s30;
	s30 =	smov.u32 s1;
	[sflag:s20] =	ssyncset.done $0x0  }
0x65: {  	s29 =	sadd.s32 $0x200, s29;
	[sflag:s20] =	ssyncadd.s32 $0xFFFFFF80;
	s20 =	sadd.s32 @!p2 $0x9, s21  }
.Ltmp2:
0x66: {  	p3 =	sge.u32 s24, s4;
	_ =	swait.ge @!p2 [sflag:s20], $0x80;
	(pc) =	sbr.rel @p1 .LBB2_5-.Ltmp2, $4  }
0x67: {  	s21 =	sand.u32 @!p3 $0x7, s24;
	s24 =	simm.s32 @!p3 $0x0;
	[sflag:s20] =	ssyncset.done @!p2 $0x0  }
0x68: {  	[sflag:s20] =	ssyncadd.s32 @!p2 $0xFFFFFF80;
	s20 =	sshll.u32 @!p3 s21, $0x7;
	s21 =	sadd.s32 @!p3 $0x1, s21  }
0x69: {  	[tilespmem:s20], [sflag:s21] =	stream.linear.gather @!p3 [hbm4b:s0+s24], $0x80, $0x38;
	[tilespmem:$0x980] =	vst v63  }
0x6a: {  	s1 =	sadd.s32 $0x1, s1;
	s0 =	sshll.u32 s17, $0x7;
	s17 =	sadd.s32 $0x9, s17  }
0x6b: {  	s1 =	smov.u32 s30  }
.LBB2_7:
0x6c: {  	[spmem:s2] =	stream.indirect.scatter.add.f32 @p0 [tilespmem:s22], [sflag:s17], $0x1, s0, s19, $0xb8;
	[tilespmem:$0x980] =	vst v63  }
0x6d: {  	s0 =	sand.u32 $0x7, s31  }
0x6e: {  	s24 =	sadd.s32 $0x1, s0  }
0x6f: {  	p0 =	slt.u32 s31, $0x4;
	_ =	swait.ge [sflag:s24], $0x80  }
0x70: {  	s20 =	sxor.u32 @!p0 $0x4, s0;
	[sflag:s24] =	ssyncset.done $0x0  }
0x71: {  	s17 =	sadd.s32 @!p0 $0x9, s20;
	[sflag:s24] =	ssyncadd.s32 $0xFFFFFF80  }
0x72: {  	p1 =	sge.u32 s1, s4;
	_ =	swait.ge @!p0 [sflag:s17], $0x80  }
0x73: {  	s1 =	sand.u32 @!p1 $0x7, s1;
	s20 =	simm.s32 @!p1 $0x0;
	[sflag:s17] =	ssyncset.done @!p0 $0x0  }
0x74: {  	[sflag:s17] =	ssyncadd.s32 @!p0 $0xFFFFFF80;
	s17 =	sshll.u32 @!p1 s1, $0x7;
	s1 =	sadd.s32 @!p1 $0x1, s1  }
0x75: {  	[tilespmem:s17], [sflag:s1] =	stream.linear.gather @!p1 [hbm4b:s29+s20], $0x80, $0x38;
	[tilespmem:$0x980] =	vst v63  }
0x76: {  	s29 =	sshll.u32 s0, $0x7;
	s0 =	sadd.s32 $0x9, s0  }
0x77: {  	[spmem:s2] =	stream.indirect.scatter.add.f32 [tilespmem:s22], [sflag:s0], $0x1, s29, s19, $0xb8;
	[tilespmem:$0x980] =	vst v63  }
0x78: {  	_ =	swait.ge [sflag:s10], $0x80  }
0x79: {  	[sflag:s10] =	ssyncset.done $0x0  }
0x7a: {  	[sflag:s10] =	ssyncadd.s32 $0xFFFFFF80  }
0x7b: {  	_ =	swait.ge [sflag:s11], $0x80  }
0x7c: {  	[sflag:s11] =	ssyncset.done $0x0  }
0x7d: {  	[sflag:s11] =	ssyncadd.s32 $0xFFFFFF80  }
0x7e: {  	_ =	swait.ge [sflag:s12], $0x80  }
0x7f: {  	[sflag:s12] =	ssyncset.done $0x0  }
0x80: {  	[sflag:s12] =	ssyncadd.s32 $0xFFFFFF80  }
0x81: {  	_ =	swait.ge [sflag:s13], $0x80  }
0x82: {  	[sflag:s13] =	ssyncset.done $0x0  }
0x83: {  	s30 =	sshrl.u32 s6, $0x3;
	s28 =	sadd.s32 $0x1, s28;
	[sflag:s13] =	ssyncadd.s32 $0xFFFFFF80  }
0x84: {  	s31 =	simm.s32 $0x1;
	p0 =	sne.s32 s28, s15;
	[bflag:$0x0] =	sbarrier.arrive $0xFFFF  }
0x85: {  	[hbm:s14@s25], [sflag:s23] =	dma.strided [spmem:s30@s26], $0x50, s31, $0x10   }
.Ltmp3:
0x86: {  	_ = 	snop;
	(pc) =	sbr.rel @p0 .LBB2_1-.Ltmp3, $4  }
.Ltmp4:
0x87: {  	_ = 	snop;
	(pc) =	sbr.rel @!p0 .LBB2_8-.Ltmp4, $4  }
0x88: {  	_ =	swait.ge [sflag:s18], $0x50  }
0x89: {  	[sflag:s18] =	ssyncset.done $0x0  }
0x8a: {  	[sflag:s18] =	ssyncadd.s32 $0xFFFFFFB0  }
0x8b: {  	_ = 	snop  }
.LBB2_2:
.Ltmp5:
0x8c: {  	(pc) =	sbr.rel .LBB2_7-.Ltmp5, $2  }
0x8d: {  	_ =	sdelay $0x2  }
0x8e: {  	s29 =	smov.u32 s16  }
.LBB2_4:
.Ltmp6:
0x8f: {  	(pc) =	sbr.rel .LBB2_7-.Ltmp6, $2  }
0x90: {  	_ =	sdelay $0x2  }
0x91: {  	s31 =	simm.s32 $0x1;
	s1 =	simm.s32 $0x5  }
.LBB2_8:
0x92: {  	_ =	sfence.sel $0x180000  }
0x93: {  	[bflag:$0x0] =	sbarrier.arrive $0xFFFF  }
0x94: {  	_ =	strace $0x90000047  }
0x95: {  	s0 =	stileid.u32;
	[bflag:$0x2] =	sbarrier.arrive $0xFFFF  }
0x96: {  	p0 =	sne.s32 s0, $0x0;
	s0 =	rddreg [dreg:$0x3]  }
0x97: {  	s0 =	sadd.s32 @!p0 $0x100000, s0  }
0x98: {  	[sflag:s0] =	ssyncadd.tile.s32 @!p0 $0x1;
	_ =	shalt  }
.Lfunc_end2:
_tile_overlayer_lowered:
.L_overlay_start_2:
0x99: {  	(tag) =	ssettag $0x2  }
0x9a: {  	s0 =	rddreg [dreg:$0x0];
	s2 =	stileid.u32  }
0x9b: {  	s1 =	rddreg [dreg:$0x1];
	p0 =	sne.s32 s2, $0x0  }
0x9c: {  	s3 =	rddreg [dreg:$0x2];
	[bflag:$0x3] =	sbarrier.arrive $0xFFFF;
	s2 =	simm.s32 @!p0 $0x1C11  }
0x9d: {  	[timem:s3], [sflag:s2] =	dma.local @!p0 [hbm:s0], s1  }
0x9e: {  	s0 =	simm.s32 @!p0 $0x11  }
0x9f: {  	_ =	swait.ge @!p0 [sflag:s0], s1  }
0xa0: {  	s1 =	ssub.s32 @!p0 $0x0, s1;
	[sflag:s0] =	ssyncset.done @!p0 $0x0  }
0xa1: {  	[sflag:s0] =	ssyncadd.s32 @!p0 s1  }
0xa2: {  	[bflag:$0x3] =	sbarrier.arrive $0xFFFF  }
0xa3: {  	_ =	shalt  }

</sc_bundles>
